<compile_context>
chip_gen: v7x
topology: tpu7x:2x2x1
jax: 0.10.2.dev20260603
libtpu: 0.0.44.dev20260713+nightly
codegen_flags: <defaults>
</compile_context>

<pallas_src>
import functools

import jax
import jax.numpy as jnp
from jax import lax
from jax.experimental import pallas as pl
from jax.experimental.pallas import tpu as pltpu
from jax.experimental.pallas import tpu_sc as plsc

_NC = 2
_NS = 16
_NW = _NC * _NS

_CH = 96
_NB = 3


def _edge_agg_kernel(n_pad, n0, n1, d):
  slab = n_pad // _NS
  mesh = plsc.VectorSubcoreMesh(core_axis_name="c", subcore_axis_name="s")

  nbi = 6
  nbd = 8

  @functools.partial(
      pl.kernel,
      out_type=jax.ShapeDtypeStruct((_NC, n_pad, d), jnp.float32),
      mesh=mesh,
      scratch_types=[
          pltpu.VMEM((nbi, _CH), jnp.int32),
          pltpu.VMEM((nbd, _CH), jnp.int32),
          pltpu.VMEM((_NB, _CH, d), jnp.float32),
          pltpu.VMEM_SHARED((n_pad, d), jnp.float32),
          pltpu.SemaphoreType.DMA((_NB,)),
          pltpu.SemaphoreType.DMA((_NB,)),
          pltpu.SemaphoreType.DMA((nbi,)),
          pltpu.SemaphoreType.DMA((nbd,)),
      ],
  )
  def k(hs_hbm, src_hbm, dst_hbm, zeros_hbm, out_hbm, idx_s, idx_d, rows,
        acc, sem_g, sem_s, sem_i, sem_j):
    c = lax.axis_index("c")
    s = lax.axis_index("s")
    wid = c * _NS + s
    nb = jnp.where(c == 0, n0, n1)
    pltpu.sync_copy(zeros_hbm, acc.at[pl.ds(s * slab, slab)])
    for bi in range(nbi):
      pltpu.async_copy(src_hbm.at[wid, bi], idx_s.at[bi], sem_i.at[bi])
    for bj in range(nbd):
      pltpu.async_copy(dst_hbm.at[wid, bj], idx_d.at[bj], sem_j.at[bj])
    plsc.subcore_barrier()

    for b in range(_NB - 1):
      pltpu.make_async_copy(src_hbm.at[wid, b], idx_s.at[b],
                            sem_i.at[b]).wait()
      pltpu.async_copy(hs_hbm.at[idx_s.at[b]], rows.at[b], sem_g.at[b])

    @pl.loop(0, nb)
    def _chunk(j):
      b = lax.rem(j, _NB)
      bi = lax.rem(j, nbi)
      bj = lax.rem(j, nbd)
      pltpu.make_async_copy(hs_hbm.at[idx_s.at[bi]], rows.at[b],
                            sem_g.at[b]).wait()
      prv = j - 1

      @pl.when(prv >= 0)
      def _wprev():
        bp = lax.rem(prv, _NB)
        bjp = lax.rem(prv, nbd)
        pltpu.make_async_copy(rows.at[bp], acc.at[idx_d.at[bjp]],
                              sem_s.at[bp]).wait()
        nxj = prv + nbd

        @pl.when(nxj < nb)
        def _pref_di():
          pltpu.async_copy(dst_hbm.at[wid, nxj], idx_d.at[bjp],
                           sem_j.at[bjp])

      pltpu.make_async_copy(dst_hbm.at[wid, j], idx_d.at[bj],
                            sem_j.at[bj]).wait()
      pltpu.async_copy(rows.at[b], acc.at[idx_d.at[bj]], sem_s.at[b],
                       add=True)
      nxi = j + nbi

      @pl.when(nxi < nb)
      def _pref_si():
        pltpu.async_copy(src_hbm.at[wid, nxi], idx_s.at[bi], sem_i.at[bi])

      nxg = j + _NB - 1

      @pl.when(nxg < nb)
      def _pref_rows():
        bg = lax.rem(nxg, _NB)
        big = lax.rem(nxg, nbi)
        pltpu.make_async_copy(src_hbm.at[wid, nxg], idx_s.at[big],
                              sem_i.at[big]).wait()
        pltpu.async_copy(hs_hbm.at[idx_s.at[big]], rows.at[bg],
                         sem_g.at[bg])

    lst = nb - 1
    pltpu.make_async_copy(rows.at[lax.rem(lst, _NB)],
                          acc.at[idx_d.at[lax.rem(lst, nbd)]],
                          sem_s.at[lax.rem(lst, _NB)]).wait()
    plsc.subcore_barrier()
    pltpu.sync_copy(acc.at[pl.ds(s * slab, slab)],
                    out_hbm.at[c, pl.ds(s * slab, slab)])

  return k


def _degree_kernel(n_pad, n0, n1):
  n_max = max(n0, n1)
  slab = n_pad // _NS
  nbd = 8
  mesh = plsc.VectorSubcoreMesh(core_axis_name="c", subcore_axis_name="s")

  @functools.partial(
      pl.kernel,
      out_type=jax.ShapeDtypeStruct((_NC, n_pad), jnp.float32),
      mesh=mesh,
      scratch_types=[
          pltpu.VMEM((n_max, _CH), jnp.int32),
          pltpu.VMEM((_CH,), jnp.float32),
          pltpu.VMEM_SHARED((n_pad,), jnp.float32),
          pltpu.SemaphoreType.DMA((nbd,)),
      ],
  )
  def k(dst_hbm, ones_hbm, zeros_hbm, out_hbm, idx_d, ones_v, acc, sem_s):
    c = lax.axis_index("c")
    s = lax.axis_index("s")
    wid = c * _NS + s
    nb = jnp.where(c == 0, n0, n1)
    pltpu.sync_copy(dst_hbm.at[wid], idx_d)
    pltpu.sync_copy(ones_hbm, ones_v)
    pltpu.sync_copy(zeros_hbm.at[pl.ds(0, slab)],
                    acc.at[pl.ds(s * slab, slab)])
    plsc.subcore_barrier()

    for b in range(nbd):
      pltpu.async_copy(ones_v, acc.at[idx_d.at[b]], sem_s.at[b], add=True)

    @pl.loop(0, nb)
    def _chunk(j):
      b = lax.rem(j, nbd)
      pltpu.make_async_copy(ones_v, acc.at[idx_d.at[j]], sem_s.at[b]).wait()
      nxt = j + nbd

      @pl.when(nxt < nb)
      def _nx():
        pltpu.async_copy(ones_v, acc.at[idx_d.at[nxt]], sem_s.at[b],
                         add=True)

    plsc.subcore_barrier()
    pltpu.sync_copy(acc.at[pl.ds(s * slab, slab)],
                    out_hbm.at[c, pl.ds(s * slab, slab)])

  return k


def _tc_first(x_ref, w_ref, degp_ref, out_ref):
  n = x_ref.shape[0]
  deg = degp_ref[0, :n, 0:1] + degp_ref[1, :n, 0:1] + 1.0
  g = lax.rsqrt(deg)
  h = jnp.dot(x_ref[...], w_ref[...], preferred_element_type=jnp.float32)
  out_ref[...] = h * g


def _tc_mid(aggp_ref, hs_ref, degp_ref, b_ref, w_ref, out_ref, *, n):
  deg = degp_ref[0, :n, 0:1] + degp_ref[1, :n, 0:1] + 1.0
  g = lax.rsqrt(deg)
  agg = aggp_ref[0, :n, :] + aggp_ref[1, :n, :] + hs_ref[...]
  h = jnp.maximum(agg * g + b_ref[...], 0.0)
  out_ref[...] = jnp.dot(h, w_ref[...],
                         preferred_element_type=jnp.float32) * g


def _tc_last(aggp_ref, hs_ref, degp_ref, b_ref, batch_ref, out_ref,
             *, num_graphs, n):
  deg = degp_ref[0, :n, 0:1] + degp_ref[1, :n, 0:1] + 1.0
  g = lax.rsqrt(deg)
  nodes = (aggp_ref[0, :n, :] + aggp_ref[1, :n, :] + hs_ref[...]) * g \
      + b_ref[...]
  gid = lax.broadcasted_iota(jnp.int32, (num_graphs, n), 0)
  mask = (gid == batch_ref[...]).astype(jnp.float32)
  sums = jnp.dot(mask, nodes, preferred_element_type=jnp.float32)
  cnt = jnp.sum(mask, axis=1, keepdims=True)
  out_ref[...] = sums / jnp.maximum(cnt, 1.0)


def kernel(x, edge_index, batch, W1, b1, W2, b2):
  n, d_in = x.shape
  d_hid = W1.shape[1]
  d_out = W2.shape[1]
  e = edge_index.shape[1]
  num_graphs = 64

  n_pad = ((n + 1023) // 1024) * 1024
  slab = n_pad // _NS

  grain = _NW * _CH
  e_pad = ((e + grain - 1) // grain) * grain
  tot_ch = e_pad // (_NS * _CH)
  n0 = (tot_ch * 4) // 5
  n1 = tot_ch - n0
  n_mx = max(n0, n1)

  def _chunked(flat, fill):
    flat = jnp.concatenate(
        [flat, jnp.full((e_pad - e,), fill, jnp.int32)])
    a = flat[: _NS * n0 * _CH].reshape(_NS, n0, _CH)
    b = flat[_NS * n0 * _CH:].reshape(_NS, n1, _CH)
    a = jnp.pad(a, ((0, 0), (0, n_mx - n0), (0, 0)))
    b = jnp.pad(b, ((0, 0), (0, n_mx - n1), (0, 0)))
    return jnp.concatenate([a, b], axis=0)

  src_p = _chunked(edge_index[0], 0)
  dst_p = _chunked(edge_index[1], n_pad - 1)

  zeros_d = jnp.zeros((slab, d_hid), jnp.float32)
  zeros_1d = jnp.zeros((n_pad,), jnp.float32)
  ones_ch = jnp.ones((_CH,), jnp.float32)
  batch2d = batch.reshape(1, n)
  b1r = b1.reshape(1, d_hid)
  b2r = b2.reshape(1, d_out)

  deg_raw = _degree_kernel(n_pad, n0, n1)(dst_p, ones_ch, zeros_1d)
  deg_p = deg_raw.reshape(_NC, n_pad, 1)

  agg = _edge_agg_kernel(n_pad, n0, n1, d_hid)

  hs1 = pl.pallas_call(
      _tc_first,
      out_shape=jax.ShapeDtypeStruct((n, d_hid), jnp.float32),
  )(x, W1, deg_p)

  agg1 = agg(hs1, src_p, dst_p, zeros_d)

  hs2 = pl.pallas_call(
      functools.partial(_tc_mid, n=n),
      out_shape=jax.ShapeDtypeStruct((n, d_out), jnp.float32),
  )(agg1, hs1, deg_p, b1r, W2)

  agg2 = agg(hs2, src_p, dst_p, zeros_d)

  out = pl.pallas_call(
      functools.partial(_tc_last, num_graphs=num_graphs, n=n),
      out_shape=jax.ShapeDtypeStruct((num_graphs, d_out), jnp.float32),
  )(agg2, hs2, deg_p, b2r, batch2d)

  return out

# --- scband reference (transcript-rebuilt; emitter-appended) ---
"""Pipeline reference for scband-gnn-44942537786128 (READ-ONLY COPY).

The authoritative reference and input builder live on the scoring server;
editing this copy changes nothing except your own understanding.
"""

import jax, jax.numpy as jnp
import numpy as np

N_NODES = 10000
N_EDGES = 320000
D_IN = 128
D_HID = 128
D_OUT = 128
N_GRAPHS = 64


def setup_inputs(seed: int = 0) -> dict:
    key = jax.random.key(seed)
    k_x, k_ei, k_b, k_w1, k_b1, k_w2, k_b2 = jax.random.split(key, 7)
    x = jax.random.normal(k_x, (N_NODES, D_IN), dtype=jnp.float32)
    edge_index = jax.random.randint(k_ei, (2, N_EDGES), 0, N_NODES, dtype=jnp.int32)
    batch = jnp.sort(jax.random.randint(k_b, (N_NODES,), 0, N_GRAPHS, dtype=jnp.int32))
    # GCNConv parameters (glorot-style scale)
    W1 = jax.random.normal(k_w1, (D_IN, D_HID), dtype=jnp.float32) * (1.0 / np.sqrt(D_IN))
    b1 = jnp.zeros((D_HID,), dtype=jnp.float32)
    W2 = jax.random.normal(k_w2, (D_HID, D_OUT), dtype=jnp.float32) * (1.0 / np.sqrt(D_HID))
    b2 = jnp.zeros((D_OUT,), dtype=jnp.float32)
    return {"x": x, "edge_index": edge_index, "batch": batch,
            "W1": W1, "b1": b1, "W2": W2, "b2": b2}


def _gcn_conv(x, edge_index, W, b):
    # Faithful to PyG GCNConv defaults: linear transform, add self-loops,
    # symmetric normalization D^{-1/2} (A + I) D^{-1/2}, scatter-add aggregation, bias.
    n = x.shape[0]
    h = x @ W
    loop = jnp.arange(n, dtype=edge_index.dtype)
    src = jnp.concatenate([edge_index[0], loop])
    dst = jnp.concatenate([edge_index[1], loop])
    deg = jax.ops.segment_sum(jnp.ones(src.shape[0], dtype=h.dtype), dst, num_segments=n)
    deg_inv_sqrt = jnp.where(deg > 0, deg ** -0.5, 0.0)
    norm = deg_inv_sqrt[src] * deg_inv_sqrt[dst]
    msg = h[src] * norm[:, None]
    out = jax.ops.segment_sum(msg, dst, num_segments=n)
    return out + b


def _global_mean_pool(h, batch, num_graphs):
    s = jax.ops.segment_sum(h, batch, num_segments=num_graphs)
    cnt = jax.ops.segment_sum(jnp.ones(h.shape[0], dtype=h.dtype), batch, num_segments=num_graphs)
    return s / jnp.maximum(cnt, 1.0)[:, None]


def reference(x, edge_index, batch, W1, b1, W2, b2):
    h = _gcn_conv(x, edge_index, W1, b1)
    h = jax.nn.relu(h)
    h = _gcn_conv(h, edge_index, W2, b2)
    return _global_mean_pool(h, batch, N_GRAPHS)

if __name__ == "__main__":
    import jax
    _d = setup_inputs()
    print(jax.jit(kernel)(*tuple(_d.values())))

</pallas_src>

<mosaic_0001>
#map = affine_map<(d0, d1) -> (0, 0)>
#map1 = affine_map<(d0, d1) -> (0, 0, 0)>
module attributes {stable_mosaic.version = 14 : i64} {
  func.func @k(%arg0: i32, %arg1: i32, %arg2: memref<10000x128xf32, #tpu.memory_space<hbm>>, %arg3: memref<32x168x96xi32, #tpu.memory_space<hbm>>, %arg4: memref<32x168x96xi32, #tpu.memory_space<hbm>>, %arg5: memref<640x128xf32, #tpu.memory_space<hbm>>, %arg6: memref<2x10240x128xf32, #tpu.memory_space<hbm>>, %arg7: memref<6x96xi32, #tpu.memory_space<vmem>>, %arg8: memref<8x96xi32, #tpu.memory_space<vmem>>, %arg9: memref<3x96x128xf32, #tpu.memory_space<vmem>>, %arg10: memref<10240x128xf32, #tpu.memory_space<vmem_shared>>, %arg11: memref<3x!tpu.dma_semaphore, #tpu.memory_space<semaphore_mem>>, %arg12: memref<3x!tpu.dma_semaphore, #tpu.memory_space<semaphore_mem>>, %arg13: memref<6x!tpu.dma_semaphore, #tpu.memory_space<semaphore_mem>>, %arg14: memref<8x!tpu.dma_semaphore, #tpu.memory_space<semaphore_mem>>) attributes {dimension_semantics = [#tpu.dimension_semantics<core_parallel>, #tpu.dimension_semantics<subcore_parallel>], iteration_bounds = array<i64: 2, 16>, scalar_prefetch = 0 : i64, scratch_operands = 8 : i64, tpu.core_type = #tpu.core_type<sc_vector_subcore>, window_params = [{transform_indices = #map}, {transform_indices = #map1}, {transform_indices = #map1}, {transform_indices = #map}, {transform_indices = #map1}]} {
    %mul3A = arith.constant 16 : i32
    %mul3A_0 = arith.muli %arg0, %mul3A : i32
    %add3A = arith.addi %mul3A_0, %arg1 : i32
    %eq3A = arith.constant 0 : i32
    %eq3A_1 = arith.cmpi eq, %arg0, %eq3A : i32
    %jit3A = arith.constant 168 : i32
    %jit3A_2 = arith.constant 42 : i32
    %select_n3A = arith.select %eq3A_1, %jit3A, %jit3A_2 : i32
    %mul3A_3 = arith.constant 640 : i32
    %mul3A_4 = arith.muli %arg1, %mul3A_3 : i32
    "tpu.region"() ({
      %run_scoped3A = tpu.sem_alloc : memref<!tpu.dma_semaphore, #tpu.memory_space<semaphore_mem>>
      %dma_start3A_345 = arith.constant 0 : i32
      %dma_start3A_346 = tpu.memref_slice %arg10[%mul3A_4, %dma_start3A_345] : memref<10240x128xf32, #tpu.memory_space<vmem_shared>> -> memref<640x128xf32, #tpu.memory_space<vmem_shared>>
      tpu.enqueue_dma source(%arg5 : memref<640x128xf32, #tpu.memory_space<hbm>>) target(%dma_start3A_346 : memref<640x128xf32, #tpu.memory_space<vmem_shared>>) target_semaphore(%run_scoped3A : memref<!tpu.dma_semaphore, #tpu.memory_space<semaphore_mem>>)
      %dma_wait3A_347 = arith.constant 0 : i32
      %dma_wait3A_348 = tpu.memref_slice %arg10[%mul3A_4, %dma_wait3A_347] : memref<10240x128xf32, #tpu.memory_space<vmem_shared>> -> memref<640x128xf32, #tpu.memory_space<vmem_shared>>
      tpu.wait_dma2 semaphore(%run_scoped3A : memref<!tpu.dma_semaphore, #tpu.memory_space<semaphore_mem>>) src(%arg5 : memref<640x128xf32, #tpu.memory_space<hbm>>) dst(%dma_wait3A_348 : memref<640x128xf32, #tpu.memory_space<vmem_shared>>)
      tpu.yield
    }) : () -> ()
    %dma_start3A = arith.constant 0 : i32
    %dma_start3A_5 = arith.constant 0 : i32
    %dma_start3A_6 = arith.constant 0 : i32
    %dma_start3A_7 = arith.constant 0 : i32
    %dma_start3A_8 = tpu.memref_slice %arg7[%dma_start3A_5, %dma_start3A_7] : memref<6x96xi32, #tpu.memory_space<vmem>> -> memref<1x96xi32, #tpu.memory_space<vmem>>
    %dma_start3A_9 = tpu.memref_squeeze %dma_start3A_8 : memref<1x96xi32, #tpu.memory_space<vmem>> -> memref<96xi32, #tpu.memory_space<vmem>>
    %dma_start3A_10 = arith.constant 0 : i32
    %dma_start3A_11 = tpu.memref_slice %arg3[%add3A, %dma_start3A, %dma_start3A_10] : memref<32x168x96xi32, #tpu.memory_space<hbm>> -> memref<1x1x96xi32, #tpu.memory_space<hbm>>
    %dma_start3A_12 = tpu.memref_squeeze %dma_start3A_11 : memref<1x1x96xi32, #tpu.memory_space<hbm>> -> memref<96xi32, #tpu.memory_space<hbm>>
    %dma_start3A_13 = tpu.memref_slice %arg13[%dma_start3A_6] : memref<6x!tpu.dma_semaphore, #tpu.memory_space<semaphore_mem>> -> memref<1x!tpu.dma_semaphore, #tpu.memory_space<semaphore_mem>>
    %dma_start3A_14 = tpu.memref_squeeze %dma_start3A_13 : memref<1x!tpu.dma_semaphore, #tpu.memory_space<semaphore_mem>> -> memref<!tpu.dma_semaphore, #tpu.memory_space<semaphore_mem>>
    %dma_start3A_15 = arith.constant 0 : i32
    %dma_start3A_16 = tpu.memref_slice %arg7[%dma_start3A_5, %dma_start3A_15] : memref<6x96xi32, #tpu.memory_space<vmem>> -> memref<1x96xi32, #tpu.memory_space<vmem>>
    %dma_start3A_17 = tpu.memref_squeeze %dma_start3A_16 : memref<1x96xi32, #tpu.memory_space<vmem>> -> memref<96xi32, #tpu.memory_space<vmem>>
    %dma_start3A_18 = arith.constant 0 : i32
    %dma_start3A_19 = tpu.memref_slice %arg3[%add3A, %dma_start3A, %dma_start3A_18] : memref<32x168x96xi32, #tpu.memory_space<hbm>> -> memref<1x1x96xi32, #tpu.memory_space<hbm>>
    %dma_start3A_20 = tpu.memref_squeeze %dma_start3A_19 : memref<1x1x96xi32, #tpu.memory_space<hbm>> -> memref<96xi32, #tpu.memory_space<hbm>>
    tpu.enqueue_dma source(%dma_start3A_20 : memref<96xi32, #tpu.memory_space<hbm>>) target(%dma_start3A_17 : memref<96xi32, #tpu.memory_space<vmem>>) target_semaphore(%dma_start3A_14 : memref<!tpu.dma_semaphore, #tpu.memory_space<semaphore_mem>>)
    %dma_start3A_21 = arith.constant 1 : i32
    %dma_start3A_22 = arith.constant 1 : i32
    %dma_start3A_23 = arith.constant 1 : i32
    %dma_start3A_24 = arith.constant 0 : i32
    %dma_start3A_25 = tpu.memref_slice %arg7[%dma_start3A_22, %dma_start3A_24] : memref<6x96xi32, #tpu.memory_space<vmem>> -> memref<1x96xi32, #tpu.memory_space<vmem>>
    %dma_start3A_26 = tpu.memref_squeeze %dma_start3A_25 : memref<1x96xi32, #tpu.memory_space<vmem>> -> memref<96xi32, #tpu.memory_space<vmem>>
    %dma_start3A_27 = arith.constant 0 : i32
    %dma_start3A_28 = tpu.memref_slice %arg3[%add3A, %dma_start3A_21, %dma_start3A_27] : memref<32x168x96xi32, #tpu.memory_space<hbm>> -> memref<1x1x96xi32, #tpu.memory_space<hbm>>
    %dma_start3A_29 = tpu.memref_squeeze %dma_start3A_28 : memref<1x1x96xi32, #tpu.memory_space<hbm>> -> memref<96xi32, #tpu.memory_space<hbm>>
    %dma_start3A_30 = tpu.memref_slice %arg13[%dma_start3A_23] : memref<6x!tpu.dma_semaphore, #tpu.memory_space<semaphore_mem>> -> memref<1x!tpu.dma_semaphore, #tpu.memory_space<semaphore_mem>>
    %dma_start3A_31 = tpu.memref_squeeze %dma_start3A_30 : memref<1x!tpu.dma_semaphore, #tpu.memory_space<semaphore_mem>> -> memref<!tpu.dma_semaphore, #tpu.memory_space<semaphore_mem>>
    %dma_start3A_32 = arith.constant 0 : i32
    %dma_start3A_33 = tpu.memref_slice %arg7[%dma_start3A_22, %dma_start3A_32] : memref<6x96xi32, #tpu.memory_space<vmem>> -> memref<1x96xi32, #tpu.memory_space<vmem>>
    %dma_start3A_34 = tpu.memref_squeeze %dma_start3A_33 : memref<1x96xi32, #tpu.memory_space<vmem>> -> memref<96xi32, #tpu.memory_space<vmem>>
    %dma_start3A_35 = arith.constant 0 : i32
    %dma_start3A_36 = tpu.memref_slice %arg3[%add3A, %dma_start3A_21, %dma_start3A_35] : memref<32x168x96xi32, #tpu.memory_space<hbm>> -> memref<1x1x96xi32, #tpu.memory_space<hbm>>
    %dma_start3A_37 = tpu.memref_squeeze %dma_start3A_36 : memref<1x1x96xi32, #tpu.memory_space<hbm>> -> memref<96xi32, #tpu.memory_space<hbm>>
    tpu.enqueue_dma source(%dma_start3A_37 : memref<96xi32, #tpu.memory_space<hbm>>) target(%dma_start3A_34 : memref<96xi32, #tpu.memory_space<vmem>>) target_semaphore(%dma_start3A_31 : memref<!tpu.dma_semaphore, #tpu.memory_space<semaphore_mem>>)
    %dma_start3A_38 = arith.constant 2 : i32
    %dma_start3A_39 = arith.constant 2 : i32
    %dma_start3A_40 = arith.constant 2 : i32
    %dma_start3A_41 = arith.constant 0 : i32
    %dma_start3A_42 = tpu.memref_slice %arg7[%dma_start3A_39, %dma_start3A_41] : memref<6x96xi32, #tpu.memory_space<vmem>> -> memref<1x96xi32, #tpu.memory_space<vmem>>
    %dma_start3A_43 = tpu.memref_squeeze %dma_start3A_42 : memref<1x96xi32, #tpu.memory_space<vmem>> -> memref<96xi32, #tpu.memory_space<vmem>>
    %dma_start3A_44 = arith.constant 0 : i32
    %dma_start3A_45 = tpu.memref_slice %arg3[%add3A, %dma_start3A_38, %dma_start3A_44] : memref<32x168x96xi32, #tpu.memory_space<hbm>> -> memref<1x1x96xi32, #tpu.memory_space<hbm>>
    %dma_start3A_46 = tpu.memref_squeeze %dma_start3A_45 : memref<1x1x96xi32, #tpu.memory_space<hbm>> -> memref<96xi32, #tpu.memory_space<hbm>>
    %dma_start3A_47 = tpu.memref_slice %arg13[%dma_start3A_40] : memref<6x!tpu.dma_semaphore, #tpu.memory_space<semaphore_mem>> -> memref<1x!tpu.dma_semaphore, #tpu.memory_space<semaphore_mem>>
    %dma_start3A_48 = tpu.memref_squeeze %dma_start3A_47 : memref<1x!tpu.dma_semaphore, #tpu.memory_space<semaphore_mem>> -> memref<!tpu.dma_semaphore, #tpu.memory_space<semaphore_mem>>
    %dma_start3A_49 = arith.constant 0 : i32
    %dma_start3A_50 = tpu.memref_slice %arg7[%dma_start3A_39, %dma_start3A_49] : memref<6x96xi32, #tpu.memory_space<vmem>> -> memref<1x96xi32, #tpu.memory_space<vmem>>
    %dma_start3A_51 = tpu.memref_squeeze %dma_start3A_50 : memref<1x96xi32, #tpu.memory_space<vmem>> -> memref<96xi32, #tpu.memory_space<vmem>>
    %dma_start3A_52 = arith.constant 0 : i32
    %dma_start3A_53 = tpu.memref_slice %arg3[%add3A, %dma_start3A_38, %dma_start3A_52] : memref<32x168x96xi32, #tpu.memory_space<hbm>> -> memref<1x1x96xi32, #tpu.memory_space<hbm>>
    %dma_start3A_54 = tpu.memref_squeeze %dma_start3A_53 : memref<1x1x96xi32, #tpu.memory_space<hbm>> -> memref<96xi32, #tpu.memory_space<hbm>>
    tpu.enqueue_dma source(%dma_start3A_54 : memref<96xi32, #tpu.memory_space<hbm>>) target(%dma_start3A_51 : memref<96xi32, #tpu.memory_space<vmem>>) target_semaphore(%dma_start3A_48 : memref<!tpu.dma_semaphore, #tpu.memory_space<semaphore_mem>>)
    %dma_start3A_55 = arith.constant 3 : i32
    %dma_start3A_56 = arith.constant 3 : i32
    %dma_start3A_57 = arith.constant 3 : i32
    %dma_start3A_58 = arith.constant 0 : i32
    %dma_start3A_59 = tpu.memref_slice %arg7[%dma_start3A_56, %dma_start3A_58] : memref<6x96xi32, #tpu.memory_space<vmem>> -> memref<1x96xi32, #tpu.memory_space<vmem>>
    %dma_start3A_60 = tpu.memref_squeeze %dma_start3A_59 : memref<1x96xi32, #tpu.memory_space<vmem>> -> memref<96xi32, #tpu.memory_space<vmem>>
    %dma_start3A_61 = arith.constant 0 : i32
    %dma_start3A_62 = tpu.memref_slice %arg3[%add3A, %dma_start3A_55, %dma_start3A_61] : memref<32x168x96xi32, #tpu.memory_space<hbm>> -> memref<1x1x96xi32, #tpu.memory_space<hbm>>
    %dma_start3A_63 = tpu.memref_squeeze %dma_start3A_62 : memref<1x1x96xi32, #tpu.memory_space<hbm>> -> memref<96xi32, #tpu.memory_space<hbm>>
    %dma_start3A_64 = tpu.memref_slice %arg13[%dma_start3A_57] : memref<6x!tpu.dma_semaphore, #tpu.memory_space<semaphore_mem>> -> memref<1x!tpu.dma_semaphore, #tpu.memory_space<semaphore_mem>>
    %dma_start3A_65 = tpu.memref_squeeze %dma_start3A_64 : memref<1x!tpu.dma_semaphore, #tpu.memory_space<semaphore_mem>> -> memref<!tpu.dma_semaphore, #tpu.memory_space<semaphore_mem>>
    %dma_start3A_66 = arith.constant 0 : i32
    %dma_start3A_67 = tpu.memref_slice %arg7[%dma_start3A_56, %dma_start3A_66] : memref<6x96xi32, #tpu.memory_space<vmem>> -> memref<1x96xi32, #tpu.memory_space<vmem>>
    %dma_start3A_68 = tpu.memref_squeeze %dma_start3A_67 : memref<1x96xi32, #tpu.memory_space<vmem>> -> memref<96xi32, #tpu.memory_space<vmem>>
    %dma_start3A_69 = arith.constant 0 : i32
    %dma_start3A_70 = tpu.memref_slice %arg3[%add3A, %dma_start3A_55, %dma_start3A_69] : memref<32x168x96xi32, #tpu.memory_space<hbm>> -> memref<1x1x96xi32, #tpu.memory_space<hbm>>
    %dma_start3A_71 = tpu.memref_squeeze %dma_start3A_70 : memref<1x1x96xi32, #tpu.memory_space<hbm>> -> memref<96xi32, #tpu.memory_space<hbm>>
    tpu.enqueue_dma source(%dma_start3A_71 : memref<96xi32, #tpu.memory_space<hbm>>) target(%dma_start3A_68 : memref<96xi32, #tpu.memory_space<vmem>>) target_semaphore(%dma_start3A_65 : memref<!tpu.dma_semaphore, #tpu.memory_space<semaphore_mem>>)
    %dma_start3A_72 = arith.constant 4 : i32
    %dma_start3A_73 = arith.constant 4 : i32
    %dma_start3A_74 = arith.constant 4 : i32
    %dma_start3A_75 = arith.constant 0 : i32
    %dma_start3A_76 = tpu.memref_slice %arg7[%dma_start3A_73, %dma_start3A_75] : memref<6x96xi32, #tpu.memory_space<vmem>> -> memref<1x96xi32, #tpu.memory_space<vmem>>
    %dma_start3A_77 = tpu.memref_squeeze %dma_start3A_76 : memref<1x96xi32, #tpu.memory_space<vmem>> -> memref<96xi32, #tpu.memory_space<vmem>>
    %dma_start3A_78 = arith.constant 0 : i32
    %dma_start3A_79 = tpu.memref_slice %arg3[%add3A, %dma_start3A_72, %dma_start3A_78] : memref<32x168x96xi32, #tpu.memory_space<hbm>> -> memref<1x1x96xi32, #tpu.memory_space<hbm>>
    %dma_start3A_80 = tpu.memref_squeeze %dma_start3A_79 : memref<1x1x96xi32, #tpu.memory_space<hbm>> -> memref<96xi32, #tpu.memory_space<hbm>>
    %dma_start3A_81 = tpu.memref_slice %arg13[%dma_start3A_74] : memref<6x!tpu.dma_semaphore, #tpu.memory_space<semaphore_mem>> -> memref<1x!tpu.dma_semaphore, #tpu.memory_space<semaphore_mem>>
    %dma_start3A_82 = tpu.memref_squeeze %dma_start3A_81 : memref<1x!tpu.dma_semaphore, #tpu.memory_space<semaphore_mem>> -> memref<!tpu.dma_semaphore, #tpu.memory_space<semaphore_mem>>
    %dma_start3A_83 = arith.constant 0 : i32
    %dma_start3A_84 = tpu.memref_slice %arg7[%dma_start3A_73, %dma_start3A_83] : memref<6x96xi32, #tpu.memory_space<vmem>> -> memref<1x96xi32, #tpu.memory_space<vmem>>
    %dma_start3A_85 = tpu.memref_squeeze %dma_start3A_84 : memref<1x96xi32, #tpu.memory_space<vmem>> -> memref<96xi32, #tpu.memory_space<vmem>>
    %dma_start3A_86 = arith.constant 0 : i32
    %dma_start3A_87 = tpu.memref_slice %arg3[%add3A, %dma_start3A_72, %dma_start3A_86] : memref<32x168x96xi32, #tpu.memory_space<hbm>> -> memref<1x1x96xi32, #tpu.memory_space<hbm>>
    %dma_start3A_88 = tpu.memref_squeeze %dma_start3A_87 : memref<1x1x96xi32, #tpu.memory_space<hbm>> -> memref<96xi32, #tpu.memory_space<hbm>>
    tpu.enqueue_dma source(%dma_start3A_88 : memref<96xi32, #tpu.memory_space<hbm>>) target(%dma_start3A_85 : memref<96xi32, #tpu.memory_space<vmem>>) target_semaphore(%dma_start3A_82 : memref<!tpu.dma_semaphore, #tpu.memory_space<semaphore_mem>>)
    %dma_start3A_89 = arith.constant 5 : i32
    %dma_start3A_90 = arith.constant 5 : i32
    %dma_start3A_91 = arith.constant 5 : i32
    %dma_start3A_92 = arith.constant 0 : i32
    %dma_start3A_93 = tpu.memref_slice %arg7[%dma_start3A_90, %dma_start3A_92] : memref<6x96xi32, #tpu.memory_space<vmem>> -> memref<1x96xi32, #tpu.memory_space<vmem>>
    %dma_start3A_94 = tpu.memref_squeeze %dma_start3A_93 : memref<1x96xi32, #tpu.memory_space<vmem>> -> memref<96xi32, #tpu.memory_space<vmem>>
    %dma_start3A_95 = arith.constant 0 : i32
    %dma_start3A_96 = tpu.memref_slice %arg3[%add3A, %dma_start3A_89, %dma_start3A_95] : memref<32x168x96xi32, #tpu.memory_space<hbm>> -> memref<1x1x96xi32, #tpu.memory_space<hbm>>
    %dma_start3A_97 = tpu.memref_squeeze %dma_start3A_96 : memref<1x1x96xi32, #tpu.memory_space<hbm>> -> memref<96xi32, #tpu.memory_space<hbm>>
    %dma_start3A_98 = tpu.memref_slice %arg13[%dma_start3A_91] : memref<6x!tpu.dma_semaphore, #tpu.memory_space<semaphore_mem>> -> memref<1x!tpu.dma_semaphore, #tpu.memory_space<semaphore_mem>>
    %dma_start3A_99 = tpu.memref_squeeze %dma_start3A_98 : memref<1x!tpu.dma_semaphore, #tpu.memory_space<semaphore_mem>> -> memref<!tpu.dma_semaphore, #tpu.memory_space<semaphore_mem>>
    %dma_start3A_100 = arith.constant 0 : i32
    %dma_start3A_101 = tpu.memref_slice %arg7[%dma_start3A_90, %dma_start3A_100] : memref<6x96xi32, #tpu.memory_space<vmem>> -> memref<1x96xi32, #tpu.memory_space<vmem>>
    %dma_start3A_102 = tpu.memref_squeeze %dma_start3A_101 : memref<1x96xi32, #tpu.memory_space<vmem>> -> memref<96xi32, #tpu.memory_space<vmem>>
    %dma_start3A_103 = arith.constant 0 : i32
    %dma_start3A_104 = tpu.memref_slice %arg3[%add3A, %dma_start3A_89, %dma_start3A_103] : memref<32x168x96xi32, #tpu.memory_space<hbm>> -> memref<1x1x96xi32, #tpu.memory_space<hbm>>
    %dma_start3A_105 = tpu.memref_squeeze %dma_start3A_104 : memref<1x1x96xi32, #tpu.memory_space<hbm>> -> memref<96xi32, #tpu.memory_space<hbm>>
    tpu.enqueue_dma source(%dma_start3A_105 : memref<96xi32, #tpu.memory_space<hbm>>) target(%dma_start3A_102 : memref<96xi32, #tpu.memory_space<vmem>>) target_semaphore(%dma_start3A_99 : memref<!tpu.dma_semaphore, #tpu.memory_space<semaphore_mem>>)
    %dma_start3A_106 = arith.constant 0 : i32
    %dma_start3A_107 = arith.constant 0 : i32
    %dma_start3A_108 = arith.constant 0 : i32
    %dma_start3A_109 = arith.constant 0 : i32
    %dma_start3A_110 = tpu.memref_slice %arg8[%dma_start3A_107, %dma_start3A_109] : memref<8x96xi32, #tpu.memory_space<vmem>> -> memref<1x96xi32, #tpu.memory_space<vmem>>
    %dma_start3A_111 = tpu.memref_squeeze %dma_start3A_110 : memref<1x96xi32, #tpu.memory_space<vmem>> -> memref<96xi32, #tpu.memory_space<vmem>>
    %dma_start3A_112 = arith.constant 0 : i32
    %dma_start3A_113 = tpu.memref_slice %arg4[%add3A, %dma_start3A_106, %dma_start3A_112] : memref<32x168x96xi32, #tpu.memory_space<hbm>> -> memref<1x1x96xi32, #tpu.memory_space<hbm>>
    %dma_start3A_114 = tpu.memref_squeeze %dma_start3A_113 : memref<1x1x96xi32, #tpu.memory_space<hbm>> -> memref<96xi32, #tpu.memory_space<hbm>>
    %dma_start3A_115 = tpu.memref_slice %arg14[%dma_start3A_108] : memref<8x!tpu.dma_semaphore, #tpu.memory_space<semaphore_mem>> -> memref<1x!tpu.dma_semaphore, #tpu.memory_space<semaphore_mem>>
    %dma_start3A_116 = tpu.memref_squeeze %dma_start3A_115 : memref<1x!tpu.dma_semaphore, #tpu.memory_space<semaphore_mem>> -> memref<!tpu.dma_semaphore, #tpu.memory_space<semaphore_mem>>
    %dma_start3A_117 = arith.constant 0 : i32
    %dma_start3A_118 = tpu.memref_slice %arg8[%dma_start3A_107, %dma_start3A_117] : memref<8x96xi32, #tpu.memory_space<vmem>> -> memref<1x96xi32, #tpu.memory_space<vmem>>
    %dma_start3A_119 = tpu.memref_squeeze %dma_start3A_118 : memref<1x96xi32, #tpu.memory_space<vmem>> -> memref<96xi32, #tpu.memory_space<vmem>>
    %dma_start3A_120 = arith.constant 0 : i32
    %dma_start3A_121 = tpu.memref_slice %arg4[%add3A, %dma_start3A_106, %dma_start3A_120] : memref<32x168x96xi32, #tpu.memory_space<hbm>> -> memref<1x1x96xi32, #tpu.memory_space<hbm>>
    %dma_start3A_122 = tpu.memref_squeeze %dma_start3A_121 : memref<1x1x96xi32, #tpu.memory_space<hbm>> -> memref<96xi32, #tpu.memory_space<hbm>>
    tpu.enqueue_dma source(%dma_start3A_122 : memref<96xi32, #tpu.memory_space<hbm>>) target(%dma_start3A_119 : memref<96xi32, #tpu.memory_space<vmem>>) target_semaphore(%dma_start3A_116 : memref<!tpu.dma_semaphore, #tpu.memory_space<semaphore_mem>>)
    %dma_start3A_123 = arith.constant 1 : i32
    %dma_start3A_124 = arith.constant 1 : i32
    %dma_start3A_125 = arith.constant 1 : i32
    %dma_start3A_126 = arith.constant 0 : i32
    %dma_start3A_127 = tpu.memref_slice %arg8[%dma_start3A_124, %dma_start3A_126] : memref<8x96xi32, #tpu.memory_space<vmem>> -> memref<1x96xi32, #tpu.memory_space<vmem>>
    %dma_start3A_128 = tpu.memref_squeeze %dma_start3A_127 : memref<1x96xi32, #tpu.memory_space<vmem>> -> memref<96xi32, #tpu.memory_space<vmem>>
    %dma_start3A_129 = arith.constant 0 : i32
    %dma_start3A_130 = tpu.memref_slice %arg4[%add3A, %dma_start3A_123, %dma_start3A_129] : memref<32x168x96xi32, #tpu.memory_space<hbm>> -> memref<1x1x96xi32, #tpu.memory_space<hbm>>
    %dma_start3A_131 = tpu.memref_squeeze %dma_start3A_130 : memref<1x1x96xi32, #tpu.memory_space<hbm>> -> memref<96xi32, #tpu.memory_space<hbm>>
    %dma_start3A_132 = tpu.memref_slice %arg14[%dma_start3A_125] : memref<8x!tpu.dma_semaphore, #tpu.memory_space<semaphore_mem>> -> memref<1x!tpu.dma_semaphore, #tpu.memory_space<semaphore_mem>>
    %dma_start3A_133 = tpu.memref_squeeze %dma_start3A_132 : memref<1x!tpu.dma_semaphore, #tpu.memory_space<semaphore_mem>> -> memref<!tpu.dma_semaphore, #tpu.memory_space<semaphore_mem>>
    %dma_start3A_134 = arith.constant 0 : i32
    %dma_start3A_135 = tpu.memref_slice %arg8[%dma_start3A_124, %dma_start3A_134] : memref<8x96xi32, #tpu.memory_space<vmem>> -> memref<1x96xi32, #tpu.memory_space<vmem>>
    %dma_start3A_136 = tpu.memref_squeeze %dma_start3A_135 : memref<1x96xi32, #tpu.memory_space<vmem>> -> memref<96xi32, #tpu.memory_space<vmem>>
    %dma_start3A_137 = arith.constant 0 : i32
    %dma_start3A_138 = tpu.memref_slice %arg4[%add3A, %dma_start3A_123, %dma_start3A_137] : memref<32x168x96xi32, #tpu.memory_space<hbm>> -> memref<1x1x96xi32, #tpu.memory_space<hbm>>
    %dma_start3A_139 = tpu.memref_squeeze %dma_start3A_138 : memref<1x1x96xi32, #tpu.memory_space<hbm>> -> memref<96xi32, #tpu.memory_space<hbm>>
    tpu.enqueue_dma source(%dma_start3A_139 : memref<96xi32, #tpu.memory_space<hbm>>) target(%dma_start3A_136 : memref<96xi32, #tpu.memory_space<vmem>>) target_semaphore(%dma_start3A_133 : memref<!tpu.dma_semaphore, #tpu.memory_space<semaphore_mem>>)
    %dma_start3A_140 = arith.constant 2 : i32
    %dma_start3A_141 = arith.constant 2 : i32
    %dma_start3A_142 = arith.constant 2 : i32
    %dma_start3A_143 = arith.constant 0 : i32
    %dma_start3A_144 = tpu.memref_slice %arg8[%dma_start3A_141, %dma_start3A_143] : memref<8x96xi32, #tpu.memory_space<vmem>> -> memref<1x96xi32, #tpu.memory_space<vmem>>
    %dma_start3A_145 = tpu.memref_squeeze %dma_start3A_144 : memref<1x96xi32, #tpu.memory_space<vmem>> -> memref<96xi32, #tpu.memory_space<vmem>>
    %dma_start3A_146 = arith.constant 0 : i32
    %dma_start3A_147 = tpu.memref_slice %arg4[%add3A, %dma_start3A_140, %dma_start3A_146] : memref<32x168x96xi32, #tpu.memory_space<hbm>> -> memref<1x1x96xi32, #tpu.memory_space<hbm>>
    %dma_start3A_148 = tpu.memref_squeeze %dma_start3A_147 : memref<1x1x96xi32, #tpu.memory_space<hbm>> -> memref<96xi32, #tpu.memory_space<hbm>>
    %dma_start3A_149 = tpu.memref_slice %arg14[%dma_start3A_142] : memref<8x!tpu.dma_semaphore, #tpu.memory_space<semaphore_mem>> -> memref<1x!tpu.dma_semaphore, #tpu.memory_space<semaphore_mem>>
    %dma_start3A_150 = tpu.memref_squeeze %dma_start3A_149 : memref<1x!tpu.dma_semaphore, #tpu.memory_space<semaphore_mem>> -> memref<!tpu.dma_semaphore, #tpu.memory_space<semaphore_mem>>
    %dma_start3A_151 = arith.constant 0 : i32
    %dma_start3A_152 = tpu.memref_slice %arg8[%dma_start3A_141, %dma_start3A_151] : memref<8x96xi32, #tpu.memory_space<vmem>> -> memref<1x96xi32, #tpu.memory_space<vmem>>
    %dma_start3A_153 = tpu.memref_squeeze %dma_start3A_152 : memref<1x96xi32, #tpu.memory_space<vmem>> -> memref<96xi32, #tpu.memory_space<vmem>>
    %dma_start3A_154 = arith.constant 0 : i32
    %dma_start3A_155 = tpu.memref_slice %arg4[%add3A, %dma_start3A_140, %dma_start3A_154] : memref<32x168x96xi32, #tpu.memory_space<hbm>> -> memref<1x1x96xi32, #tpu.memory_space<hbm>>
    %dma_start3A_156 = tpu.memref_squeeze %dma_start3A_155 : memref<1x1x96xi32, #tpu.memory_space<hbm>> -> memref<96xi32, #tpu.memory_space<hbm>>
    tpu.enqueue_dma source(%dma_start3A_156 : memref<96xi32, #tpu.memory_space<hbm>>) target(%dma_start3A_153 : memref<96xi32, #tpu.memory_space<vmem>>) target_semaphore(%dma_start3A_150 : memref<!tpu.dma_semaphore, #tpu.memory_space<semaphore_mem>>)
    %dma_start3A_157 = arith.constant 3 : i32
    %dma_start3A_158 = arith.constant 3 : i32
    %dma_start3A_159 = arith.constant 3 : i32
    %dma_start3A_160 = arith.constant 0 : i32
    %dma_start3A_161 = tpu.memref_slice %arg8[%dma_start3A_158, %dma_start3A_160] : memref<8x96xi32, #tpu.memory_space<vmem>> -> memref<1x96xi32, #tpu.memory_space<vmem>>
    %dma_start3A_162 = tpu.memref_squeeze %dma_start3A_161 : memref<1x96xi32, #tpu.memory_space<vmem>> -> memref<96xi32, #tpu.memory_space<vmem>>
    %dma_start3A_163 = arith.constant 0 : i32
    %dma_start3A_164 = tpu.memref_slice %arg4[%add3A, %dma_start3A_157, %dma_start3A_163] : memref<32x168x96xi32, #tpu.memory_space<hbm>> -> memref<1x1x96xi32, #tpu.memory_space<hbm>>
    %dma_start3A_165 = tpu.memref_squeeze %dma_start3A_164 : memref<1x1x96xi32, #tpu.memory_space<hbm>> -> memref<96xi32, #tpu.memory_space<hbm>>
    %dma_start3A_166 = tpu.memref_slice %arg14[%dma_start3A_159] : memref<8x!tpu.dma_semaphore, #tpu.memory_space<semaphore_mem>> -> memref<1x!tpu.dma_semaphore, #tpu.memory_space<semaphore_mem>>
    %dma_start3A_167 = tpu.memref_squeeze %dma_start3A_166 : memref<1x!tpu.dma_semaphore, #tpu.memory_space<semaphore_mem>> -> memref<!tpu.dma_semaphore, #tpu.memory_space<semaphore_mem>>
    %dma_start3A_168 = arith.constant 0 : i32
    %dma_start3A_169 = tpu.memref_slice %arg8[%dma_start3A_158, %dma_start3A_168] : memref<8x96xi32, #tpu.memory_space<vmem>> -> memref<1x96xi32, #tpu.memory_space<vmem>>
    %dma_start3A_170 = tpu.memref_squeeze %dma_start3A_169 : memref<1x96xi32, #tpu.memory_space<vmem>> -> memref<96xi32, #tpu.memory_space<vmem>>
    %dma_start3A_171 = arith.constant 0 : i32
    %dma_start3A_172 = tpu.memref_slice %arg4[%add3A, %dma_start3A_157, %dma_start3A_171] : memref<32x168x96xi32, #tpu.memory_space<hbm>> -> memref<1x1x96xi32, #tpu.memory_space<hbm>>
    %dma_start3A_173 = tpu.memref_squeeze %dma_start3A_172 : memref<1x1x96xi32, #tpu.memory_space<hbm>> -> memref<96xi32, #tpu.memory_space<hbm>>
    tpu.enqueue_dma source(%dma_start3A_173 : memref<96xi32, #tpu.memory_space<hbm>>) target(%dma_start3A_170 : memref<96xi32, #tpu.memory_space<vmem>>) target_semaphore(%dma_start3A_167 : memref<!tpu.dma_semaphore, #tpu.memory_space<semaphore_mem>>)
    %dma_start3A_174 = arith.constant 4 : i32
    %dma_start3A_175 = arith.constant 4 : i32
    %dma_start3A_176 = arith.constant 4 : i32
    %dma_start3A_177 = arith.constant 0 : i32
    %dma_start3A_178 = tpu.memref_slice %arg8[%dma_start3A_175, %dma_start3A_177] : memref<8x96xi32, #tpu.memory_space<vmem>> -> memref<1x96xi32, #tpu.memory_space<vmem>>
    %dma_start3A_179 = tpu.memref_squeeze %dma_start3A_178 : memref<1x96xi32, #tpu.memory_space<vmem>> -> memref<96xi32, #tpu.memory_space<vmem>>
    %dma_start3A_180 = arith.constant 0 : i32
    %dma_start3A_181 = tpu.memref_slice %arg4[%add3A, %dma_start3A_174, %dma_start3A_180] : memref<32x168x96xi32, #tpu.memory_space<hbm>> -> memref<1x1x96xi32, #tpu.memory_space<hbm>>
    %dma_start3A_182 = tpu.memref_squeeze %dma_start3A_181 : memref<1x1x96xi32, #tpu.memory_space<hbm>> -> memref<96xi32, #tpu.memory_space<hbm>>
    %dma_start3A_183 = tpu.memref_slice %arg14[%dma_start3A_176] : memref<8x!tpu.dma_semaphore, #tpu.memory_space<semaphore_mem>> -> memref<1x!tpu.dma_semaphore, #tpu.memory_space<semaphore_mem>>
    %dma_start3A_184 = tpu.memref_squeeze %dma_start3A_183 : memref<1x!tpu.dma_semaphore, #tpu.memory_space<semaphore_mem>> -> memref<!tpu.dma_semaphore, #tpu.memory_space<semaphore_mem>>
    %dma_start3A_185 = arith.constant 0 : i32
    %dma_start3A_186 = tpu.memref_slice %arg8[%dma_start3A_175, %dma_start3A_185] : memref<8x96xi32, #tpu.memory_space<vmem>> -> memref<1x96xi32, #tpu.memory_space<vmem>>
    %dma_start3A_187 = tpu.memref_squeeze %dma_start3A_186 : memref<1x96xi32, #tpu.memory_space<vmem>> -> memref<96xi32, #tpu.memory_space<vmem>>
    %dma_start3A_188 = arith.constant 0 : i32
    %dma_start3A_189 = tpu.memref_slice %arg4[%add3A, %dma_start3A_174, %dma_start3A_188] : memref<32x168x96xi32, #tpu.memory_space<hbm>> -> memref<1x1x96xi32, #tpu.memory_space<hbm>>
    %dma_start3A_190 = tpu.memref_squeeze %dma_start3A_189 : memref<1x1x96xi32, #tpu.memory_space<hbm>> -> memref<96xi32, #tpu.memory_space<hbm>>
    tpu.enqueue_dma source(%dma_start3A_190 : memref<96xi32, #tpu.memory_space<hbm>>) target(%dma_start3A_187 : memref<96xi32, #tpu.memory_space<vmem>>) target_semaphore(%dma_start3A_184 : memref<!tpu.dma_semaphore, #tpu.memory_space<semaphore_mem>>)
    %dma_start3A_191 = arith.constant 5 : i32
    %dma_start3A_192 = arith.constant 5 : i32
    %dma_start3A_193 = arith.constant 5 : i32
    %dma_start3A_194 = arith.constant 0 : i32
    %dma_start3A_195 = tpu.memref_slice %arg8[%dma_start3A_192, %dma_start3A_194] : memref<8x96xi32, #tpu.memory_space<vmem>> -> memref<1x96xi32, #tpu.memory_space<vmem>>
    %dma_start3A_196 = tpu.memref_squeeze %dma_start3A_195 : memref<1x96xi32, #tpu.memory_space<vmem>> -> memref<96xi32, #tpu.memory_space<vmem>>
    %dma_start3A_197 = arith.constant 0 : i32
    %dma_start3A_198 = tpu.memref_slice %arg4[%add3A, %dma_start3A_191, %dma_start3A_197] : memref<32x168x96xi32, #tpu.memory_space<hbm>> -> memref<1x1x96xi32, #tpu.memory_space<hbm>>
    %dma_start3A_199 = tpu.memref_squeeze %dma_start3A_198 : memref<1x1x96xi32, #tpu.memory_space<hbm>> -> memref<96xi32, #tpu.memory_space<hbm>>
    %dma_start3A_200 = tpu.memref_slice %arg14[%dma_start3A_193] : memref<8x!tpu.dma_semaphore, #tpu.memory_space<semaphore_mem>> -> memref<1x!tpu.dma_semaphore, #tpu.memory_space<semaphore_mem>>
    %dma_start3A_201 = tpu.memref_squeeze %dma_start3A_200 : memref<1x!tpu.dma_semaphore, #tpu.memory_space<semaphore_mem>> -> memref<!tpu.dma_semaphore, #tpu.memory_space<semaphore_mem>>
    %dma_start3A_202 = arith.constant 0 : i32
    %dma_start3A_203 = tpu.memref_slice %arg8[%dma_start3A_192, %dma_start3A_202] : memref<8x96xi32, #tpu.memory_space<vmem>> -> memref<1x96xi32, #tpu.memory_space<vmem>>
    %dma_start3A_204 = tpu.memref_squeeze %dma_start3A_203 : memref<1x96xi32, #tpu.memory_space<vmem>> -> memref<96xi32, #tpu.memory_space<vmem>>
    %dma_start3A_205 = arith.constant 0 : i32
    %dma_start3A_206 = tpu.memref_slice %arg4[%add3A, %dma_start3A_191, %dma_start3A_205] : memref<32x168x96xi32, #tpu.memory_space<hbm>> -> memref<1x1x96xi32, #tpu.memory_space<hbm>>
    %dma_start3A_207 = tpu.memref_squeeze %dma_start3A_206 : memref<1x1x96xi32, #tpu.memory_space<hbm>> -> memref<96xi32, #tpu.memory_space<hbm>>
    tpu.enqueue_dma source(%dma_start3A_207 : memref<96xi32, #tpu.memory_space<hbm>>) target(%dma_start3A_204 : memref<96xi32, #tpu.memory_space<vmem>>) target_semaphore(%dma_start3A_201 : memref<!tpu.dma_semaphore, #tpu.memory_space<semaphore_mem>>)
    %dma_start3A_208 = arith.constant 6 : i32
    %dma_start3A_209 = arith.constant 6 : i32
    %dma_start3A_210 = arith.constant 6 : i32
    %dma_start3A_211 = arith.constant 0 : i32
    %dma_start3A_212 = tpu.memref_slice %arg8[%dma_start3A_209, %dma_start3A_211] : memref<8x96xi32, #tpu.memory_space<vmem>> -> memref<1x96xi32, #tpu.memory_space<vmem>>
    %dma_start3A_213 = tpu.memref_squeeze %dma_start3A_212 : memref<1x96xi32, #tpu.memory_space<vmem>> -> memref<96xi32, #tpu.memory_space<vmem>>
    %dma_start3A_214 = arith.constant 0 : i32
    %dma_start3A_215 = tpu.memref_slice %arg4[%add3A, %dma_start3A_208, %dma_start3A_214] : memref<32x168x96xi32, #tpu.memory_space<hbm>> -> memref<1x1x96xi32, #tpu.memory_space<hbm>>
    %dma_start3A_216 = tpu.memref_squeeze %dma_start3A_215 : memref<1x1x96xi32, #tpu.memory_space<hbm>> -> memref<96xi32, #tpu.memory_space<hbm>>
    %dma_start3A_217 = tpu.memref_slice %arg14[%dma_start3A_210] : memref<8x!tpu.dma_semaphore, #tpu.memory_space<semaphore_mem>> -> memref<1x!tpu.dma_semaphore, #tpu.memory_space<semaphore_mem>>
    %dma_start3A_218 = tpu.memref_squeeze %dma_start3A_217 : memref<1x!tpu.dma_semaphore, #tpu.memory_space<semaphore_mem>> -> memref<!tpu.dma_semaphore, #tpu.memory_space<semaphore_mem>>
    %dma_start3A_219 = arith.constant 0 : i32
    %dma_start3A_220 = tpu.memref_slice %arg8[%dma_start3A_209, %dma_start3A_219] : memref<8x96xi32, #tpu.memory_space<vmem>> -> memref<1x96xi32, #tpu.memory_space<vmem>>
    %dma_start3A_221 = tpu.memref_squeeze %dma_start3A_220 : memref<1x96xi32, #tpu.memory_space<vmem>> -> memref<96xi32, #tpu.memory_space<vmem>>
    %dma_start3A_222 = arith.constant 0 : i32
    %dma_start3A_223 = tpu.memref_slice %arg4[%add3A, %dma_start3A_208, %dma_start3A_222] : memref<32x168x96xi32, #tpu.memory_space<hbm>> -> memref<1x1x96xi32, #tpu.memory_space<hbm>>
    %dma_start3A_224 = tpu.memref_squeeze %dma_start3A_223 : memref<1x1x96xi32, #tpu.memory_space<hbm>> -> memref<96xi32, #tpu.memory_space<hbm>>
    tpu.enqueue_dma source(%dma_start3A_224 : memref<96xi32, #tpu.memory_space<hbm>>) target(%dma_start3A_221 : memref<96xi32, #tpu.memory_space<vmem>>) target_semaphore(%dma_start3A_218 : memref<!tpu.dma_semaphore, #tpu.memory_space<semaphore_mem>>)
    %dma_start3A_225 = arith.constant 7 : i32
    %dma_start3A_226 = arith.constant 7 : i32
    %dma_start3A_227 = arith.constant 7 : i32
    %dma_start3A_228 = arith.constant 0 : i32
    %dma_start3A_229 = tpu.memref_slice %arg8[%dma_start3A_226, %dma_start3A_228] : memref<8x96xi32, #tpu.memory_space<vmem>> -> memref<1x96xi32, #tpu.memory_space<vmem>>
    %dma_start3A_230 = tpu.memref_squeeze %dma_start3A_229 : memref<1x96xi32, #tpu.memory_space<vmem>> -> memref<96xi32, #tpu.memory_space<vmem>>
    %dma_start3A_231 = arith.constant 0 : i32
    %dma_start3A_232 = tpu.memref_slice %arg4[%add3A, %dma_start3A_225, %dma_start3A_231] : memref<32x168x96xi32, #tpu.memory_space<hbm>> -> memref<1x1x96xi32, #tpu.memory_space<hbm>>
    %dma_start3A_233 = tpu.memref_squeeze %dma_start3A_232 : memref<1x1x96xi32, #tpu.memory_space<hbm>> -> memref<96xi32, #tpu.memory_space<hbm>>
    %dma_start3A_234 = tpu.memref_slice %arg14[%dma_start3A_227] : memref<8x!tpu.dma_semaphore, #tpu.memory_space<semaphore_mem>> -> memref<1x!tpu.dma_semaphore, #tpu.memory_space<semaphore_mem>>
    %dma_start3A_235 = tpu.memref_squeeze %dma_start3A_234 : memref<1x!tpu.dma_semaphore, #tpu.memory_space<semaphore_mem>> -> memref<!tpu.dma_semaphore, #tpu.memory_space<semaphore_mem>>
    %dma_start3A_236 = arith.constant 0 : i32
    %dma_start3A_237 = tpu.memref_slice %arg8[%dma_start3A_226, %dma_start3A_236] : memref<8x96xi32, #tpu.memory_space<vmem>> -> memref<1x96xi32, #tpu.memory_space<vmem>>
    %dma_start3A_238 = tpu.memref_squeeze %dma_start3A_237 : memref<1x96xi32, #tpu.memory_space<vmem>> -> memref<96xi32, #tpu.memory_space<vmem>>
    %dma_start3A_239 = arith.constant 0 : i32
    %dma_start3A_240 = tpu.memref_slice %arg4[%add3A, %dma_start3A_225, %dma_start3A_239] : memref<32x168x96xi32, #tpu.memory_space<hbm>> -> memref<1x1x96xi32, #tpu.memory_space<hbm>>
    %dma_start3A_241 = tpu.memref_squeeze %dma_start3A_240 : memref<1x1x96xi32, #tpu.memory_space<hbm>> -> memref<96xi32, #tpu.memory_space<hbm>>
    tpu.enqueue_dma source(%dma_start3A_241 : memref<96xi32, #tpu.memory_space<hbm>>) target(%dma_start3A_238 : memref<96xi32, #tpu.memory_space<vmem>>) target_semaphore(%dma_start3A_235 : memref<!tpu.dma_semaphore, #tpu.memory_space<semaphore_mem>>)
    %barrier3A = arith.constant 0 : index
    tpu.barrier barrier_id(%barrier3A)
    %dma_wait3A = arith.constant 0 : i32
    %dma_wait3A_242 = arith.constant 0 : i32
    %dma_wait3A_243 = arith.constant 0 : i32
    %dma_wait3A_244 = arith.constant 0 : i32
    %dma_wait3A_245 = tpu.memref_slice %arg7[%dma_wait3A_242, %dma_wait3A_244] : memref<6x96xi32, #tpu.memory_space<vmem>> -> memref<1x96xi32, #tpu.memory_space<vmem>>
    %dma_wait3A_246 = tpu.memref_squeeze %dma_wait3A_245 : memref<1x96xi32, #tpu.memory_space<vmem>> -> memref<96xi32, #tpu.memory_space<vmem>>
    %dma_wait3A_247 = arith.constant 0 : i32
    %dma_wait3A_248 = tpu.memref_slice %arg3[%add3A, %dma_wait3A, %dma_wait3A_247] : memref<32x168x96xi32, #tpu.memory_space<hbm>> -> memref<1x1x96xi32, #tpu.memory_space<hbm>>
    %dma_wait3A_249 = tpu.memref_squeeze %dma_wait3A_248 : memref<1x1x96xi32, #tpu.memory_space<hbm>> -> memref<96xi32, #tpu.memory_space<hbm>>
    %dma_wait3A_250 = tpu.memref_slice %arg13[%dma_wait3A_243] : memref<6x!tpu.dma_semaphore, #tpu.memory_space<semaphore_mem>> -> memref<1x!tpu.dma_semaphore, #tpu.memory_space<semaphore_mem>>
    %dma_wait3A_251 = tpu.memref_squeeze %dma_wait3A_250 : memref<1x!tpu.dma_semaphore, #tpu.memory_space<semaphore_mem>> -> memref<!tpu.dma_semaphore, #tpu.memory_space<semaphore_mem>>
    %dma_wait3A_252 = arith.constant 0 : i32
    %dma_wait3A_253 = tpu.memref_slice %arg7[%dma_wait3A_242, %dma_wait3A_252] : memref<6x96xi32, #tpu.memory_space<vmem>> -> memref<1x96xi32, #tpu.memory_space<vmem>>
    %dma_wait3A_254 = tpu.memref_squeeze %dma_wait3A_253 : memref<1x96xi32, #tpu.memory_space<vmem>> -> memref<96xi32, #tpu.memory_space<vmem>>
    %dma_wait3A_255 = arith.constant 0 : i32
    %dma_wait3A_256 = tpu.memref_slice %arg3[%add3A, %dma_wait3A, %dma_wait3A_255] : memref<32x168x96xi32, #tpu.memory_space<hbm>> -> memref<1x1x96xi32, #tpu.memory_space<hbm>>
    %dma_wait3A_257 = tpu.memref_squeeze %dma_wait3A_256 : memref<1x1x96xi32, #tpu.memory_space<hbm>> -> memref<96xi32, #tpu.memory_space<hbm>>
    tpu.wait_dma2 semaphore(%dma_wait3A_251 : memref<!tpu.dma_semaphore, #tpu.memory_space<semaphore_mem>>) src(%dma_wait3A_257 : memref<96xi32, #tpu.memory_space<hbm>>) dst(%dma_wait3A_254 : memref<96xi32, #tpu.memory_space<vmem>>)
    %dma_start3A_258 = arith.constant 0 : i32
    %dma_start3A_259 = arith.constant 0 : i32
    %dma_start3A_260 = arith.constant 0 : i32
    %dma_start3A_261 = arith.constant 0 : i32
    %dma_start3A_262 = arith.constant 0 : i32
    %dma_start3A_263 = tpu.memref_slice %arg9[%dma_start3A_259, %dma_start3A_261, %dma_start3A_262] : memref<3x96x128xf32, #tpu.memory_space<vmem>> -> memref<1x96x128xf32, #tpu.memory_space<vmem>>
    %dma_start3A_264 = tpu.memref_squeeze %dma_start3A_263 : memref<1x96x128xf32, #tpu.memory_space<vmem>> -> memref<96x128xf32, #tpu.memory_space<vmem>>
    %dma_start3A_265 = arith.constant 0 : i32
    %dma_start3A_266 = tpu.memref_slice %arg7[%dma_start3A_258, %dma_start3A_265] : memref<6x96xi32, #tpu.memory_space<vmem>> -> memref<1x96xi32, #tpu.memory_space<vmem>>
    %dma_start3A_267 = tpu.memref_squeeze %dma_start3A_266 : memref<1x96xi32, #tpu.memory_space<vmem>> -> memref<96xi32, #tpu.memory_space<vmem>>
    %dma_start3A_268 = arith.constant 0 : i32
    %dma_start3A_269 = arith.constant 0 : i32
    %dma_start3A_270 = tpu.memref_slice %arg2[%dma_start3A_268, %dma_start3A_269] : memref<10000x128xf32, #tpu.memory_space<hbm>> -> memref<10000x128xf32, #tpu.memory_space<hbm>>
    %dma_start3A_271 = tpu.memref_slice %arg11[%dma_start3A_260] : memref<3x!tpu.dma_semaphore, #tpu.memory_space<semaphore_mem>> -> memref<1x!tpu.dma_semaphore, #tpu.memory_space<semaphore_mem>>
    %dma_start3A_272 = tpu.memref_squeeze %dma_start3A_271 : memref<1x!tpu.dma_semaphore, #tpu.memory_space<semaphore_mem>> -> memref<!tpu.dma_semaphore, #tpu.memory_space<semaphore_mem>>
    tpu.enqueue_indirect_dma source(%dma_start3A_270 : memref<10000x128xf32, #tpu.memory_space<hbm>>) target(%dma_start3A_264 : memref<96x128xf32, #tpu.memory_space<vmem>>) offsets(%dma_start3A_267 : memref<96xi32, #tpu.memory_space<vmem>>) semaphore(%dma_start3A_272 : memref<!tpu.dma_semaphore, #tpu.memory_space<semaphore_mem>>)
    %dma_wait3A_273 = arith.constant 1 : i32
    %dma_wait3A_274 = arith.constant 1 : i32
    %dma_wait3A_275 = arith.constant 1 : i32
    %dma_wait3A_276 = arith.constant 0 : i32
    %dma_wait3A_277 = tpu.memref_slice %arg7[%dma_wait3A_274, %dma_wait3A_276] : memref<6x96xi32, #tpu.memory_space<vmem>> -> memref<1x96xi32, #tpu.memory_space<vmem>>
    %dma_wait3A_278 = tpu.memref_squeeze %dma_wait3A_277 : memref<1x96xi32, #tpu.memory_space<vmem>> -> memref<96xi32, #tpu.memory_space<vmem>>
    %dma_wait3A_279 = arith.constant 0 : i32
    %dma_wait3A_280 = tpu.memref_slice %arg3[%add3A, %dma_wait3A_273, %dma_wait3A_279] : memref<32x168x96xi32, #tpu.memory_space<hbm>> -> memref<1x1x96xi32, #tpu.memory_space<hbm>>
    %dma_wait3A_281 = tpu.memref_squeeze %dma_wait3A_280 : memref<1x1x96xi32, #tpu.memory_space<hbm>> -> memref<96xi32, #tpu.memory_space<hbm>>
    %dma_wait3A_282 = tpu.memref_slice %arg13[%dma_wait3A_275] : memref<6x!tpu.dma_semaphore, #tpu.memory_space<semaphore_mem>> -> memref<1x!tpu.dma_semaphore, #tpu.memory_space<semaphore_mem>>
    %dma_wait3A_283 = tpu.memref_squeeze %dma_wait3A_282 : memref<1x!tpu.dma_semaphore, #tpu.memory_space<semaphore_mem>> -> memref<!tpu.dma_semaphore, #tpu.memory_space<semaphore_mem>>
    %dma_wait3A_284 = arith.constant 0 : i32
    %dma_wait3A_285 = tpu.memref_slice %arg7[%dma_wait3A_274, %dma_wait3A_284] : memref<6x96xi32, #tpu.memory_space<vmem>> -> memref<1x96xi32, #tpu.memory_space<vmem>>
    %dma_wait3A_286 = tpu.memref_squeeze %dma_wait3A_285 : memref<1x96xi32, #tpu.memory_space<vmem>> -> memref<96xi32, #tpu.memory_space<vmem>>
    %dma_wait3A_287 = arith.constant 0 : i32
    %dma_wait3A_288 = tpu.memref_slice %arg3[%add3A, %dma_wait3A_273, %dma_wait3A_287] : memref<32x168x96xi32, #tpu.memory_space<hbm>> -> memref<1x1x96xi32, #tpu.memory_space<hbm>>
    %dma_wait3A_289 = tpu.memref_squeeze %dma_wait3A_288 : memref<1x1x96xi32, #tpu.memory_space<hbm>> -> memref<96xi32, #tpu.memory_space<hbm>>
    tpu.wait_dma2 semaphore(%dma_wait3A_283 : memref<!tpu.dma_semaphore, #tpu.memory_space<semaphore_mem>>) src(%dma_wait3A_289 : memref<96xi32, #tpu.memory_space<hbm>>) dst(%dma_wait3A_286 : memref<96xi32, #tpu.memory_space<vmem>>)
    %dma_start3A_290 = arith.constant 1 : i32
    %dma_start3A_291 = arith.constant 1 : i32
    %dma_start3A_292 = arith.constant 1 : i32
    %dma_start3A_293 = arith.constant 0 : i32
    %dma_start3A_294 = arith.constant 0 : i32
    %dma_start3A_295 = tpu.memref_slice %arg9[%dma_start3A_291, %dma_start3A_293, %dma_start3A_294] : memref<3x96x128xf32, #tpu.memory_space<vmem>> -> memref<1x96x128xf32, #tpu.memory_space<vmem>>
    %dma_start3A_296 = tpu.memref_squeeze %dma_start3A_295 : memref<1x96x128xf32, #tpu.memory_space<vmem>> -> memref<96x128xf32, #tpu.memory_space<vmem>>
    %dma_start3A_297 = arith.constant 0 : i32
    %dma_start3A_298 = tpu.memref_slice %arg7[%dma_start3A_290, %dma_start3A_297] : memref<6x96xi32, #tpu.memory_space<vmem>> -> memref<1x96xi32, #tpu.memory_space<vmem>>
    %dma_start3A_299 = tpu.memref_squeeze %dma_start3A_298 : memref<1x96xi32, #tpu.memory_space<vmem>> -> memref<96xi32, #tpu.memory_space<vmem>>
    %dma_start3A_300 = arith.constant 0 : i32
    %dma_start3A_301 = arith.constant 0 : i32
    %dma_start3A_302 = tpu.memref_slice %arg2[%dma_start3A_300, %dma_start3A_301] : memref<10000x128xf32, #tpu.memory_space<hbm>> -> memref<10000x128xf32, #tpu.memory_space<hbm>>
    %dma_start3A_303 = tpu.memref_slice %arg11[%dma_start3A_292] : memref<3x!tpu.dma_semaphore, #tpu.memory_space<semaphore_mem>> -> memref<1x!tpu.dma_semaphore, #tpu.memory_space<semaphore_mem>>
    %dma_start3A_304 = tpu.memref_squeeze %dma_start3A_303 : memref<1x!tpu.dma_semaphore, #tpu.memory_space<semaphore_mem>> -> memref<!tpu.dma_semaphore, #tpu.memory_space<semaphore_mem>>
    tpu.enqueue_indirect_dma source(%dma_start3A_302 : memref<10000x128xf32, #tpu.memory_space<hbm>>) target(%dma_start3A_296 : memref<96x128xf32, #tpu.memory_space<vmem>>) offsets(%dma_start3A_299 : memref<96xi32, #tpu.memory_space<vmem>>) semaphore(%dma_start3A_304 : memref<!tpu.dma_semaphore, #tpu.memory_space<semaphore_mem>>)
    %sub3A = arith.constant 0 : i32
    %sub3A_305 = arith.subi %select_n3A, %sub3A : i32
    %sub3A_306 = arith.constant 1 : i32
    %sub3A_307 = arith.constant 1 : i32
    %sub3A_308 = arith.subi %sub3A_306, %sub3A_307 : i32
    %add3A_309 = arith.addi %sub3A_305, %sub3A_308 : i32
    %div3A = arith.constant 1 : i32
    %div3A_310 = arith.divsi %add3A_309, %div3A : i32
    %while3A = arith.constant 1 : i32
    %while3A_311 = arith.constant 0 : i32
    %while3A_312 = arith.constant 0 : i32
    %while3A_313 = arith.subi %div3A_310, %while3A_312 : i32
    %while3A_314 = arith.addi %while3A_312, %while3A_313 : i32
    %while3A_315 = arith.constant 1 : i32
    %while3A_316 = arith.divsi %while3A_313, %while3A_315 : i32
    %while3A_317 = arith.muli %while3A_316, %while3A_315 : i32
    %while3A_318 = arith.addi %while3A_312, %while3A_317 : i32
    %while3A_319 = arith.constant 1 : i32
    scf.for %while3A_345 = %while3A_312 to %while3A_318 step %while3A_319  : i32 {
      %mul3A_346 = arith.muli %while3A_345, %while3A : i32
      %add3A_347 = arith.addi %while3A_311, %mul3A_346 : i32
      %rem3A_348 = arith.constant 3 : i32
      %rem3A_349 = arith.remsi %add3A_347, %rem3A_348 : i32
      %rem3A_350 = arith.constant 6 : i32
      %rem3A_351 = arith.remsi %add3A_347, %rem3A_350 : i32
      %rem3A_352 = arith.constant 8 : i32
      %rem3A_353 = arith.remsi %add3A_347, %rem3A_352 : i32
      %dma_wait3A_354 = arith.constant 0 : i32
      %dma_wait3A_355 = arith.constant 0 : i32
      %dma_wait3A_356 = tpu.memref_slice %arg9[%rem3A_349, %dma_wait3A_354, %dma_wait3A_355] : memref<3x96x128xf32, #tpu.memory_space<vmem>> -> memref<1x96x128xf32, #tpu.memory_space<vmem>>
      %dma_wait3A_357 = tpu.memref_squeeze %dma_wait3A_356 : memref<1x96x128xf32, #tpu.memory_space<vmem>> -> memref<96x128xf32, #tpu.memory_space<vmem>>
      %dma_wait3A_358 = arith.constant 0 : i32
      %dma_wait3A_359 = tpu.memref_slice %arg7[%rem3A_351, %dma_wait3A_358] : memref<6x96xi32, #tpu.memory_space<vmem>> -> memref<1x96xi32, #tpu.memory_space<vmem>>
      %dma_wait3A_360 = tpu.memref_squeeze %dma_wait3A_359 : memref<1x96xi32, #tpu.memory_space<vmem>> -> memref<96xi32, #tpu.memory_space<vmem>>
      %dma_wait3A_361 = arith.constant 0 : i32
      %dma_wait3A_362 = arith.constant 0 : i32
      %dma_wait3A_363 = tpu.memref_slice %arg2[%dma_wait3A_361, %dma_wait3A_362] : memref<10000x128xf32, #tpu.memory_space<hbm>> -> memref<10000x128xf32, #tpu.memory_space<hbm>>
      %dma_wait3A_364 = tpu.memref_slice %arg11[%rem3A_349] : memref<3x!tpu.dma_semaphore, #tpu.memory_space<semaphore_mem>> -> memref<1x!tpu.dma_semaphore, #tpu.memory_space<semaphore_mem>>
      %dma_wait3A_365 = tpu.memref_squeeze %dma_wait3A_364 : memref<1x!tpu.dma_semaphore, #tpu.memory_space<semaphore_mem>> -> memref<!tpu.dma_semaphore, #tpu.memory_space<semaphore_mem>>
      tpu.wait_indirect_dma semaphore(%dma_wait3A_365 : memref<!tpu.dma_semaphore, #tpu.memory_space<semaphore_mem>>) src(%dma_wait3A_363 : memref<10000x128xf32, #tpu.memory_space<hbm>>) dst(%dma_wait3A_357 : memref<96x128xf32, #tpu.memory_space<vmem>>)
      %sub3A_366 = arith.constant 1 : i32
      %sub3A_367 = arith.subi %add3A_347, %sub3A_366 : i32
      %ge3A = arith.constant 0 : i32
      %ge3A_368 = arith.cmpi sge, %sub3A_367, %ge3A : i32
      %convert_element_type3A = arith.extui %ge3A_368 : i1 to i32
      %cond3A = arith.constant 0 : i32
      %cond3A_369 = arith.cmpi ne, %convert_element_type3A, %cond3A : i32
      scf.if %cond3A_369 {
        %rem3A_409 = arith.constant 3 : i32
        %rem3A_410 = arith.remsi %sub3A_367, %rem3A_409 : i32
        %rem3A_411 = arith.constant 8 : i32
        %rem3A_412 = arith.remsi %sub3A_367, %rem3A_411 : i32
        %dma_wait3A_413 = arith.constant 0 : i32
        %dma_wait3A_414 = arith.constant 0 : i32
        %dma_wait3A_415 = tpu.memref_slice %arg9[%rem3A_410, %dma_wait3A_413, %dma_wait3A_414] : memref<3x96x128xf32, #tpu.memory_space<vmem>> -> memref<1x96x128xf32, #tpu.memory_space<vmem>>
        %dma_wait3A_416 = tpu.memref_squeeze %dma_wait3A_415 : memref<1x96x128xf32, #tpu.memory_space<vmem>> -> memref<96x128xf32, #tpu.memory_space<vmem>>
        %dma_wait3A_417 = arith.constant 0 : i32
        %dma_wait3A_418 = tpu.memref_slice %arg8[%rem3A_412, %dma_wait3A_417] : memref<8x96xi32, #tpu.memory_space<vmem>> -> memref<1x96xi32, #tpu.memory_space<vmem>>
        %dma_wait3A_419 = tpu.memref_squeeze %dma_wait3A_418 : memref<1x96xi32, #tpu.memory_space<vmem>> -> memref<96xi32, #tpu.memory_space<vmem>>
        %dma_wait3A_420 = arith.constant 0 : i32
        %dma_wait3A_421 = arith.constant 0 : i32
        %dma_wait3A_422 = tpu.memref_slice %arg10[%dma_wait3A_420, %dma_wait3A_421] : memref<10240x128xf32, #tpu.memory_space<vmem_shared>> -> memref<10240x128xf32, #tpu.memory_space<vmem_shared>>
        %dma_wait3A_423 = tpu.memref_slice %arg12[%rem3A_410] : memref<3x!tpu.dma_semaphore, #tpu.memory_space<semaphore_mem>> -> memref<1x!tpu.dma_semaphore, #tpu.memory_space<semaphore_mem>>
        %dma_wait3A_424 = tpu.memref_squeeze %dma_wait3A_423 : memref<1x!tpu.dma_semaphore, #tpu.memory_space<semaphore_mem>> -> memref<!tpu.dma_semaphore, #tpu.memory_space<semaphore_mem>>
        tpu.wait_indirect_dma semaphore(%dma_wait3A_424 : memref<!tpu.dma_semaphore, #tpu.memory_space<semaphore_mem>>) src(%dma_wait3A_416 : memref<96x128xf32, #tpu.memory_space<vmem>>) dst(%dma_wait3A_422 : memref<10240x128xf32, #tpu.memory_space<vmem_shared>>)
        %add3A_425 = arith.constant 8 : i32
        %add3A_426 = arith.addi %sub3A_367, %add3A_425 : i32
        %lt3A_427 = arith.cmpi slt, %add3A_426, %select_n3A : i32
        %convert_element_type3A_428 = arith.extui %lt3A_427 : i1 to i32
        %cond3A_429 = arith.constant 0 : i32
        %cond3A_430 = arith.cmpi ne, %convert_element_type3A_428, %cond3A_429 : i32
        scf.if %cond3A_430 {
          %dma_start3A_431 = arith.constant 0 : i32
          %dma_start3A_432 = tpu.memref_slice %arg8[%rem3A_412, %dma_start3A_431] : memref<8x96xi32, #tpu.memory_space<vmem>> -> memref<1x96xi32, #tpu.memory_space<vmem>>
          %dma_start3A_433 = tpu.memref_squeeze %dma_start3A_432 : memref<1x96xi32, #tpu.memory_space<vmem>> -> memref<96xi32, #tpu.memory_space<vmem>>
          %dma_start3A_434 = arith.constant 0 : i32
          %dma_start3A_435 = tpu.memref_slice %arg4[%add3A, %add3A_426, %dma_start3A_434] : memref<32x168x96xi32, #tpu.memory_space<hbm>> -> memref<1x1x96xi32, #tpu.memory_space<hbm>>
          %dma_start3A_436 = tpu.memref_squeeze %dma_start3A_435 : memref<1x1x96xi32, #tpu.memory_space<hbm>> -> memref<96xi32, #tpu.memory_space<hbm>>
          %dma_start3A_437 = tpu.memref_slice %arg14[%rem3A_412] : memref<8x!tpu.dma_semaphore, #tpu.memory_space<semaphore_mem>> -> memref<1x!tpu.dma_semaphore, #tpu.memory_space<semaphore_mem>>
          %dma_start3A_438 = tpu.memref_squeeze %dma_start3A_437 : memref<1x!tpu.dma_semaphore, #tpu.memory_space<semaphore_mem>> -> memref<!tpu.dma_semaphore, #tpu.memory_space<semaphore_mem>>
          %dma_start3A_439 = arith.constant 0 : i32
          %dma_start3A_440 = tpu.memref_slice %arg8[%rem3A_412, %dma_start3A_439] : memref<8x96xi32, #tpu.memory_space<vmem>> -> memref<1x96xi32, #tpu.memory_space<vmem>>
          %dma_start3A_441 = tpu.memref_squeeze %dma_start3A_440 : memref<1x96xi32, #tpu.memory_space<vmem>> -> memref<96xi32, #tpu.memory_space<vmem>>
          %dma_start3A_442 = arith.constant 0 : i32
          %dma_start3A_443 = tpu.memref_slice %arg4[%add3A, %add3A_426, %dma_start3A_442] : memref<32x168x96xi32, #tpu.memory_space<hbm>> -> memref<1x1x96xi32, #tpu.memory_space<hbm>>
          %dma_start3A_444 = tpu.memref_squeeze %dma_start3A_443 : memref<1x1x96xi32, #tpu.memory_space<hbm>> -> memref<96xi32, #tpu.memory_space<hbm>>
          tpu.enqueue_dma source(%dma_start3A_444 : memref<96xi32, #tpu.memory_space<hbm>>) target(%dma_start3A_441 : memref<96xi32, #tpu.memory_space<vmem>>) target_semaphore(%dma_start3A_438 : memref<!tpu.dma_semaphore, #tpu.memory_space<semaphore_mem>>)
        } else {
        }
      } else {
      }
      %dma_wait3A_370 = arith.constant 0 : i32
      %dma_wait3A_371 = tpu.memref_slice %arg8[%rem3A_353, %dma_wait3A_370] : memref<8x96xi32, #tpu.memory_space<vmem>> -> memref<1x96xi32, #tpu.memory_space<vmem>>
      %dma_wait3A_372 = tpu.memref_squeeze %dma_wait3A_371 : memref<1x96xi32, #tpu.memory_space<vmem>> -> memref<96xi32, #tpu.memory_space<vmem>>
      %dma_wait3A_373 = arith.constant 0 : i32
      %dma_wait3A_374 = tpu.memref_slice %arg4[%add3A, %add3A_347, %dma_wait3A_373] : memref<32x168x96xi32, #tpu.memory_space<hbm>> -> memref<1x1x96xi32, #tpu.memory_space<hbm>>
      %dma_wait3A_375 = tpu.memref_squeeze %dma_wait3A_374 : memref<1x1x96xi32, #tpu.memory_space<hbm>> -> memref<96xi32, #tpu.memory_space<hbm>>
      %dma_wait3A_376 = tpu.memref_slice %arg14[%rem3A_353] : memref<8x!tpu.dma_semaphore, #tpu.memory_space<semaphore_mem>> -> memref<1x!tpu.dma_semaphore, #tpu.memory_space<semaphore_mem>>
      %dma_wait3A_377 = tpu.memref_squeeze %dma_wait3A_376 : memref<1x!tpu.dma_semaphore, #tpu.memory_space<semaphore_mem>> -> memref<!tpu.dma_semaphore, #tpu.memory_space<semaphore_mem>>
      %dma_wait3A_378 = arith.constant 0 : i32
      %dma_wait3A_379 = tpu.memref_slice %arg8[%rem3A_353, %dma_wait3A_378] : memref<8x96xi32, #tpu.memory_space<vmem>> -> memref<1x96xi32, #tpu.memory_space<vmem>>
      %dma_wait3A_380 = tpu.memref_squeeze %dma_wait3A_379 : memref<1x96xi32, #tpu.memory_space<vmem>> -> memref<96xi32, #tpu.memory_space<vmem>>
      %dma_wait3A_381 = arith.constant 0 : i32
      %dma_wait3A_382 = tpu.memref_slice %arg4[%add3A, %add3A_347, %dma_wait3A_381] : memref<32x168x96xi32, #tpu.memory_space<hbm>> -> memref<1x1x96xi32, #tpu.memory_space<hbm>>
      %dma_wait3A_383 = tpu.memref_squeeze %dma_wait3A_382 : memref<1x1x96xi32, #tpu.memory_space<hbm>> -> memref<96xi32, #tpu.memory_space<hbm>>
      tpu.wait_dma2 semaphore(%dma_wait3A_377 : memref<!tpu.dma_semaphore, #tpu.memory_space<semaphore_mem>>) src(%dma_wait3A_383 : memref<96xi32, #tpu.memory_space<hbm>>) dst(%dma_wait3A_380 : memref<96xi32, #tpu.memory_space<vmem>>)
      %dma_start3A_384 = arith.constant 0 : i32
      %dma_start3A_385 = arith.constant 0 : i32
      %dma_start3A_386 = tpu.memref_slice %arg9[%rem3A_349, %dma_start3A_384, %dma_start3A_385] : memref<3x96x128xf32, #tpu.memory_space<vmem>> -> memref<1x96x128xf32, #tpu.memory_space<vmem>>
      %dma_start3A_387 = tpu.memref_squeeze %dma_start3A_386 : memref<1x96x128xf32, #tpu.memory_space<vmem>> -> memref<96x128xf32, #tpu.memory_space<vmem>>
      %dma_start3A_388 = arith.constant 0 : i32
      %dma_start3A_389 = tpu.memref_slice %arg8[%rem3A_353, %dma_start3A_388] : memref<8x96xi32, #tpu.memory_space<vmem>> -> memref<1x96xi32, #tpu.memory_space<vmem>>
      %dma_start3A_390 = tpu.memref_squeeze %dma_start3A_389 : memref<1x96xi32, #tpu.memory_space<vmem>> -> memref<96xi32, #tpu.memory_space<vmem>>
      %dma_start3A_391 = arith.constant 0 : i32
      %dma_start3A_392 = arith.constant 0 : i32
      %dma_start3A_393 = tpu.memref_slice %arg10[%dma_start3A_391, %dma_start3A_392] : memref<10240x128xf32, #tpu.memory_space<vmem_shared>> -> memref<10240x128xf32, #tpu.memory_space<vmem_shared>>
      %dma_start3A_394 = tpu.memref_slice %arg12[%rem3A_349] : memref<3x!tpu.dma_semaphore, #tpu.memory_space<semaphore_mem>> -> memref<1x!tpu.dma_semaphore, #tpu.memory_space<semaphore_mem>>
      %dma_start3A_395 = tpu.memref_squeeze %dma_start3A_394 : memref<1x!tpu.dma_semaphore, #tpu.memory_space<semaphore_mem>> -> memref<!tpu.dma_semaphore, #tpu.memory_space<semaphore_mem>>
      tpu.enqueue_indirect_dma source(%dma_start3A_387 : memref<96x128xf32, #tpu.memory_space<vmem>>) target(%dma_start3A_393 : memref<10240x128xf32, #tpu.memory_space<vmem_shared>>) offsets(%dma_start3A_390 : memref<96xi32, #tpu.memory_space<vmem>>) semaphore(%dma_start3A_395 : memref<!tpu.dma_semaphore, #tpu.memory_space<semaphore_mem>>) {add = true}
      %add3A_396 = arith.constant 6 : i32
      %add3A_397 = arith.addi %add3A_347, %add3A_396 : i32
      %lt3A = arith.cmpi slt, %add3A_397, %select_n3A : i32
      %convert_element_type3A_398 = arith.extui %lt3A : i1 to i32
      %cond3A_399 = arith.constant 0 : i32
      %cond3A_400 = arith.cmpi ne, %convert_element_type3A_398, %cond3A_399 : i32
      scf.if %cond3A_400 {
        %dma_start3A_409 = arith.constant 0 : i32
        %dma_start3A_410 = tpu.memref_slice %arg7[%rem3A_351, %dma_start3A_409] : memref<6x96xi32, #tpu.memory_space<vmem>> -> memref<1x96xi32, #tpu.memory_space<vmem>>
        %dma_start3A_411 = tpu.memref_squeeze %dma_start3A_410 : memref<1x96xi32, #tpu.memory_space<vmem>> -> memref<96xi32, #tpu.memory_space<vmem>>
        %dma_start3A_412 = arith.constant 0 : i32
        %dma_start3A_413 = tpu.memref_slice %arg3[%add3A, %add3A_397, %dma_start3A_412] : memref<32x168x96xi32, #tpu.memory_space<hbm>> -> memref<1x1x96xi32, #tpu.memory_space<hbm>>
        %dma_start3A_414 = tpu.memref_squeeze %dma_start3A_413 : memref<1x1x96xi32, #tpu.memory_space<hbm>> -> memref<96xi32, #tpu.memory_space<hbm>>
        %dma_start3A_415 = tpu.memref_slice %arg13[%rem3A_351] : memref<6x!tpu.dma_semaphore, #tpu.memory_space<semaphore_mem>> -> memref<1x!tpu.dma_semaphore, #tpu.memory_space<semaphore_mem>>
        %dma_start3A_416 = tpu.memref_squeeze %dma_start3A_415 : memref<1x!tpu.dma_semaphore, #tpu.memory_space<semaphore_mem>> -> memref<!tpu.dma_semaphore, #tpu.memory_space<semaphore_mem>>
        %dma_start3A_417 = arith.constant 0 : i32
        %dma_start3A_418 = tpu.memref_slice %arg7[%rem3A_351, %dma_start3A_417] : memref<6x96xi32, #tpu.memory_space<vmem>> -> memref<1x96xi32, #tpu.memory_space<vmem>>
        %dma_start3A_419 = tpu.memref_squeeze %dma_start3A_418 : memref<1x96xi32, #tpu.memory_space<vmem>> -> memref<96xi32, #tpu.memory_space<vmem>>
        %dma_start3A_420 = arith.constant 0 : i32
        %dma_start3A_421 = tpu.memref_slice %arg3[%add3A, %add3A_397, %dma_start3A_420] : memref<32x168x96xi32, #tpu.memory_space<hbm>> -> memref<1x1x96xi32, #tpu.memory_space<hbm>>
        %dma_start3A_422 = tpu.memref_squeeze %dma_start3A_421 : memref<1x1x96xi32, #tpu.memory_space<hbm>> -> memref<96xi32, #tpu.memory_space<hbm>>
        tpu.enqueue_dma source(%dma_start3A_422 : memref<96xi32, #tpu.memory_space<hbm>>) target(%dma_start3A_419 : memref<96xi32, #tpu.memory_space<vmem>>) target_semaphore(%dma_start3A_416 : memref<!tpu.dma_semaphore, #tpu.memory_space<semaphore_mem>>)
      } else {
      }
      %add3A_401 = arith.constant 3 : i32
      %add3A_402 = arith.addi %add3A_347, %add3A_401 : i32
      %sub3A_403 = arith.constant 1 : i32
      %sub3A_404 = arith.subi %add3A_402, %sub3A_403 : i32
      %lt3A_405 = arith.cmpi slt, %sub3A_404, %select_n3A : i32
      %convert_element_type3A_406 = arith.extui %lt3A_405 : i1 to i32
      %cond3A_407 = arith.constant 0 : i32
      %cond3A_408 = arith.cmpi ne, %convert_element_type3A_406, %cond3A_407 : i32
      scf.if %cond3A_408 {
        %rem3A_409 = arith.constant 3 : i32
        %rem3A_410 = arith.remsi %sub3A_404, %rem3A_409 : i32
        %rem3A_411 = arith.constant 6 : i32
        %rem3A_412 = arith.remsi %sub3A_404, %rem3A_411 : i32
        %dma_wait3A_413 = arith.constant 0 : i32
        %dma_wait3A_414 = tpu.memref_slice %arg7[%rem3A_412, %dma_wait3A_413] : memref<6x96xi32, #tpu.memory_space<vmem>> -> memref<1x96xi32, #tpu.memory_space<vmem>>
        %dma_wait3A_415 = tpu.memref_squeeze %dma_wait3A_414 : memref<1x96xi32, #tpu.memory_space<vmem>> -> memref<96xi32, #tpu.memory_space<vmem>>
        %dma_wait3A_416 = arith.constant 0 : i32
        %dma_wait3A_417 = tpu.memref_slice %arg3[%add3A, %sub3A_404, %dma_wait3A_416] : memref<32x168x96xi32, #tpu.memory_space<hbm>> -> memref<1x1x96xi32, #tpu.memory_space<hbm>>
        %dma_wait3A_418 = tpu.memref_squeeze %dma_wait3A_417 : memref<1x1x96xi32, #tpu.memory_space<hbm>> -> memref<96xi32, #tpu.memory_space<hbm>>
        %dma_wait3A_419 = tpu.memref_slice %arg13[%rem3A_412] : memref<6x!tpu.dma_semaphore, #tpu.memory_space<semaphore_mem>> -> memref<1x!tpu.dma_semaphore, #tpu.memory_space<semaphore_mem>>
        %dma_wait3A_420 = tpu.memref_squeeze %dma_wait3A_419 : memref<1x!tpu.dma_semaphore, #tpu.memory_space<semaphore_mem>> -> memref<!tpu.dma_semaphore, #tpu.memory_space<semaphore_mem>>
        %dma_wait3A_421 = arith.constant 0 : i32
        %dma_wait3A_422 = tpu.memref_slice %arg7[%rem3A_412, %dma_wait3A_421] : memref<6x96xi32, #tpu.memory_space<vmem>> -> memref<1x96xi32, #tpu.memory_space<vmem>>
        %dma_wait3A_423 = tpu.memref_squeeze %dma_wait3A_422 : memref<1x96xi32, #tpu.memory_space<vmem>> -> memref<96xi32, #tpu.memory_space<vmem>>
        %dma_wait3A_424 = arith.constant 0 : i32
        %dma_wait3A_425 = tpu.memref_slice %arg3[%add3A, %sub3A_404, %dma_wait3A_424] : memref<32x168x96xi32, #tpu.memory_space<hbm>> -> memref<1x1x96xi32, #tpu.memory_space<hbm>>
        %dma_wait3A_426 = tpu.memref_squeeze %dma_wait3A_425 : memref<1x1x96xi32, #tpu.memory_space<hbm>> -> memref<96xi32, #tpu.memory_space<hbm>>
        tpu.wait_dma2 semaphore(%dma_wait3A_420 : memref<!tpu.dma_semaphore, #tpu.memory_space<semaphore_mem>>) src(%dma_wait3A_426 : memref<96xi32, #tpu.memory_space<hbm>>) dst(%dma_wait3A_423 : memref<96xi32, #tpu.memory_space<vmem>>)
        %dma_start3A_427 = arith.constant 0 : i32
        %dma_start3A_428 = arith.constant 0 : i32
        %dma_start3A_429 = tpu.memref_slice %arg9[%rem3A_410, %dma_start3A_427, %dma_start3A_428] : memref<3x96x128xf32, #tpu.memory_space<vmem>> -> memref<1x96x128xf32, #tpu.memory_space<vmem>>
        %dma_start3A_430 = tpu.memref_squeeze %dma_start3A_429 : memref<1x96x128xf32, #tpu.memory_space<vmem>> -> memref<96x128xf32, #tpu.memory_space<vmem>>
        %dma_start3A_431 = arith.constant 0 : i32
        %dma_start3A_432 = tpu.memref_slice %arg7[%rem3A_412, %dma_start3A_431] : memref<6x96xi32, #tpu.memory_space<vmem>> -> memref<1x96xi32, #tpu.memory_space<vmem>>
        %dma_start3A_433 = tpu.memref_squeeze %dma_start3A_432 : memref<1x96xi32, #tpu.memory_space<vmem>> -> memref<96xi32, #tpu.memory_space<vmem>>
        %dma_start3A_434 = arith.constant 0 : i32
        %dma_start3A_435 = arith.constant 0 : i32
        %dma_start3A_436 = tpu.memref_slice %arg2[%dma_start3A_434, %dma_start3A_435] : memref<10000x128xf32, #tpu.memory_space<hbm>> -> memref<10000x128xf32, #tpu.memory_space<hbm>>
        %dma_start3A_437 = tpu.memref_slice %arg11[%rem3A_410] : memref<3x!tpu.dma_semaphore, #tpu.memory_space<semaphore_mem>> -> memref<1x!tpu.dma_semaphore, #tpu.memory_space<semaphore_mem>>
        %dma_start3A_438 = tpu.memref_squeeze %dma_start3A_437 : memref<1x!tpu.dma_semaphore, #tpu.memory_space<semaphore_mem>> -> memref<!tpu.dma_semaphore, #tpu.memory_space<semaphore_mem>>
        tpu.enqueue_indirect_dma source(%dma_start3A_436 : memref<10000x128xf32, #tpu.memory_space<hbm>>) target(%dma_start3A_430 : memref<96x128xf32, #tpu.memory_space<vmem>>) offsets(%dma_start3A_433 : memref<96xi32, #tpu.memory_space<vmem>>) semaphore(%dma_start3A_438 : memref<!tpu.dma_semaphore, #tpu.memory_space<semaphore_mem>>)
      } else {
      }
    }
    %while3A_320 = arith.constant 1 : i32
    scf.for %while3A_345 = %while3A_318 to %while3A_314 step %while3A_320  : i32 {
      %mul3A_346 = arith.muli %while3A_345, %while3A : i32
      %add3A_347 = arith.addi %while3A_311, %mul3A_346 : i32
      %rem3A_348 = arith.constant 3 : i32
      %rem3A_349 = arith.remsi %add3A_347, %rem3A_348 : i32
      %rem3A_350 = arith.constant 6 : i32
      %rem3A_351 = arith.remsi %add3A_347, %rem3A_350 : i32
      %rem3A_352 = arith.constant 8 : i32
      %rem3A_353 = arith.remsi %add3A_347, %rem3A_352 : i32
      %dma_wait3A_354 = arith.constant 0 : i32
      %dma_wait3A_355 = arith.constant 0 : i32
      %dma_wait3A_356 = tpu.memref_slice %arg9[%rem3A_349, %dma_wait3A_354, %dma_wait3A_355] : memref<3x96x128xf32, #tpu.memory_space<vmem>> -> memref<1x96x128xf32, #tpu.memory_space<vmem>>
      %dma_wait3A_357 = tpu.memref_squeeze %dma_wait3A_356 : memref<1x96x128xf32, #tpu.memory_space<vmem>> -> memref<96x128xf32, #tpu.memory_space<vmem>>
      %dma_wait3A_358 = arith.constant 0 : i32
      %dma_wait3A_359 = tpu.memref_slice %arg7[%rem3A_351, %dma_wait3A_358] : memref<6x96xi32, #tpu.memory_space<vmem>> -> memref<1x96xi32, #tpu.memory_space<vmem>>
      %dma_wait3A_360 = tpu.memref_squeeze %dma_wait3A_359 : memref<1x96xi32, #tpu.memory_space<vmem>> -> memref<96xi32, #tpu.memory_space<vmem>>
      %dma_wait3A_361 = arith.constant 0 : i32
      %dma_wait3A_362 = arith.constant 0 : i32
      %dma_wait3A_363 = tpu.memref_slice %arg2[%dma_wait3A_361, %dma_wait3A_362] : memref<10000x128xf32, #tpu.memory_space<hbm>> -> memref<10000x128xf32, #tpu.memory_space<hbm>>
      %dma_wait3A_364 = tpu.memref_slice %arg11[%rem3A_349] : memref<3x!tpu.dma_semaphore, #tpu.memory_space<semaphore_mem>> -> memref<1x!tpu.dma_semaphore, #tpu.memory_space<semaphore_mem>>
      %dma_wait3A_365 = tpu.memref_squeeze %dma_wait3A_364 : memref<1x!tpu.dma_semaphore, #tpu.memory_space<semaphore_mem>> -> memref<!tpu.dma_semaphore, #tpu.memory_space<semaphore_mem>>
      tpu.wait_indirect_dma semaphore(%dma_wait3A_365 : memref<!tpu.dma_semaphore, #tpu.memory_space<semaphore_mem>>) src(%dma_wait3A_363 : memref<10000x128xf32, #tpu.memory_space<hbm>>) dst(%dma_wait3A_357 : memref<96x128xf32, #tpu.memory_space<vmem>>)
      %sub3A_366 = arith.constant 1 : i32
      %sub3A_367 = arith.subi %add3A_347, %sub3A_366 : i32
      %ge3A = arith.constant 0 : i32
      %ge3A_368 = arith.cmpi sge, %sub3A_367, %ge3A : i32
      %convert_element_type3A = arith.extui %ge3A_368 : i1 to i32
      %cond3A = arith.constant 0 : i32
      %cond3A_369 = arith.cmpi ne, %convert_element_type3A, %cond3A : i32
      scf.if %cond3A_369 {
        %rem3A_409 = arith.constant 3 : i32
        %rem3A_410 = arith.remsi %sub3A_367, %rem3A_409 : i32
        %rem3A_411 = arith.constant 8 : i32
        %rem3A_412 = arith.remsi %sub3A_367, %rem3A_411 : i32
        %dma_wait3A_413 = arith.constant 0 : i32
        %dma_wait3A_414 = arith.constant 0 : i32
        %dma_wait3A_415 = tpu.memref_slice %arg9[%rem3A_410, %dma_wait3A_413, %dma_wait3A_414] : memref<3x96x128xf32, #tpu.memory_space<vmem>> -> memref<1x96x128xf32, #tpu.memory_space<vmem>>
        %dma_wait3A_416 = tpu.memref_squeeze %dma_wait3A_415 : memref<1x96x128xf32, #tpu.memory_space<vmem>> -> memref<96x128xf32, #tpu.memory_space<vmem>>
        %dma_wait3A_417 = arith.constant 0 : i32
        %dma_wait3A_418 = tpu.memref_slice %arg8[%rem3A_412, %dma_wait3A_417] : memref<8x96xi32, #tpu.memory_space<vmem>> -> memref<1x96xi32, #tpu.memory_space<vmem>>
        %dma_wait3A_419 = tpu.memref_squeeze %dma_wait3A_418 : memref<1x96xi32, #tpu.memory_space<vmem>> -> memref<96xi32, #tpu.memory_space<vmem>>
        %dma_wait3A_420 = arith.constant 0 : i32
        %dma_wait3A_421 = arith.constant 0 : i32
        %dma_wait3A_422 = tpu.memref_slice %arg10[%dma_wait3A_420, %dma_wait3A_421] : memref<10240x128xf32, #tpu.memory_space<vmem_shared>> -> memref<10240x128xf32, #tpu.memory_space<vmem_shared>>
        %dma_wait3A_423 = tpu.memref_slice %arg12[%rem3A_410] : memref<3x!tpu.dma_semaphore, #tpu.memory_space<semaphore_mem>> -> memref<1x!tpu.dma_semaphore, #tpu.memory_space<semaphore_mem>>
        %dma_wait3A_424 = tpu.memref_squeeze %dma_wait3A_423 : memref<1x!tpu.dma_semaphore, #tpu.memory_space<semaphore_mem>> -> memref<!tpu.dma_semaphore, #tpu.memory_space<semaphore_mem>>
        tpu.wait_indirect_dma semaphore(%dma_wait3A_424 : memref<!tpu.dma_semaphore, #tpu.memory_space<semaphore_mem>>) src(%dma_wait3A_416 : memref<96x128xf32, #tpu.memory_space<vmem>>) dst(%dma_wait3A_422 : memref<10240x128xf32, #tpu.memory_space<vmem_shared>>)
        %add3A_425 = arith.constant 8 : i32
        %add3A_426 = arith.addi %sub3A_367, %add3A_425 : i32
        %lt3A_427 = arith.cmpi slt, %add3A_426, %select_n3A : i32
        %convert_element_type3A_428 = arith.extui %lt3A_427 : i1 to i32
        %cond3A_429 = arith.constant 0 : i32
        %cond3A_430 = arith.cmpi ne, %convert_element_type3A_428, %cond3A_429 : i32
        scf.if %cond3A_430 {
          %dma_start3A_431 = arith.constant 0 : i32
          %dma_start3A_432 = tpu.memref_slice %arg8[%rem3A_412, %dma_start3A_431] : memref<8x96xi32, #tpu.memory_space<vmem>> -> memref<1x96xi32, #tpu.memory_space<vmem>>
          %dma_start3A_433 = tpu.memref_squeeze %dma_start3A_432 : memref<1x96xi32, #tpu.memory_space<vmem>> -> memref<96xi32, #tpu.memory_space<vmem>>
          %dma_start3A_434 = arith.constant 0 : i32
          %dma_start3A_435 = tpu.memref_slice %arg4[%add3A, %add3A_426, %dma_start3A_434] : memref<32x168x96xi32, #tpu.memory_space<hbm>> -> memref<1x1x96xi32, #tpu.memory_space<hbm>>
          %dma_start3A_436 = tpu.memref_squeeze %dma_start3A_435 : memref<1x1x96xi32, #tpu.memory_space<hbm>> -> memref<96xi32, #tpu.memory_space<hbm>>
          %dma_start3A_437 = tpu.memref_slice %arg14[%rem3A_412] : memref<8x!tpu.dma_semaphore, #tpu.memory_space<semaphore_mem>> -> memref<1x!tpu.dma_semaphore, #tpu.memory_space<semaphore_mem>>
          %dma_start3A_438 = tpu.memref_squeeze %dma_start3A_437 : memref<1x!tpu.dma_semaphore, #tpu.memory_space<semaphore_mem>> -> memref<!tpu.dma_semaphore, #tpu.memory_space<semaphore_mem>>
          %dma_start3A_439 = arith.constant 0 : i32
          %dma_start3A_440 = tpu.memref_slice %arg8[%rem3A_412, %dma_start3A_439] : memref<8x96xi32, #tpu.memory_space<vmem>> -> memref<1x96xi32, #tpu.memory_space<vmem>>
          %dma_start3A_441 = tpu.memref_squeeze %dma_start3A_440 : memref<1x96xi32, #tpu.memory_space<vmem>> -> memref<96xi32, #tpu.memory_space<vmem>>
          %dma_start3A_442 = arith.constant 0 : i32
          %dma_start3A_443 = tpu.memref_slice %arg4[%add3A, %add3A_426, %dma_start3A_442] : memref<32x168x96xi32, #tpu.memory_space<hbm>> -> memref<1x1x96xi32, #tpu.memory_space<hbm>>
          %dma_start3A_444 = tpu.memref_squeeze %dma_start3A_443 : memref<1x1x96xi32, #tpu.memory_space<hbm>> -> memref<96xi32, #tpu.memory_space<hbm>>
          tpu.enqueue_dma source(%dma_start3A_444 : memref<96xi32, #tpu.memory_space<hbm>>) target(%dma_start3A_441 : memref<96xi32, #tpu.memory_space<vmem>>) target_semaphore(%dma_start3A_438 : memref<!tpu.dma_semaphore, #tpu.memory_space<semaphore_mem>>)
        } else {
        }
      } else {
      }
      %dma_wait3A_370 = arith.constant 0 : i32
      %dma_wait3A_371 = tpu.memref_slice %arg8[%rem3A_353, %dma_wait3A_370] : memref<8x96xi32, #tpu.memory_space<vmem>> -> memref<1x96xi32, #tpu.memory_space<vmem>>
      %dma_wait3A_372 = tpu.memref_squeeze %dma_wait3A_371 : memref<1x96xi32, #tpu.memory_space<vmem>> -> memref<96xi32, #tpu.memory_space<vmem>>
      %dma_wait3A_373 = arith.constant 0 : i32
      %dma_wait3A_374 = tpu.memref_slice %arg4[%add3A, %add3A_347, %dma_wait3A_373] : memref<32x168x96xi32, #tpu.memory_space<hbm>> -> memref<1x1x96xi32, #tpu.memory_space<hbm>>
      %dma_wait3A_375 = tpu.memref_squeeze %dma_wait3A_374 : memref<1x1x96xi32, #tpu.memory_space<hbm>> -> memref<96xi32, #tpu.memory_space<hbm>>
      %dma_wait3A_376 = tpu.memref_slice %arg14[%rem3A_353] : memref<8x!tpu.dma_semaphore, #tpu.memory_space<semaphore_mem>> -> memref<1x!tpu.dma_semaphore, #tpu.memory_space<semaphore_mem>>
      %dma_wait3A_377 = tpu.memref_squeeze %dma_wait3A_376 : memref<1x!tpu.dma_semaphore, #tpu.memory_space<semaphore_mem>> -> memref<!tpu.dma_semaphore, #tpu.memory_space<semaphore_mem>>
      %dma_wait3A_378 = arith.constant 0 : i32
      %dma_wait3A_379 = tpu.memref_slice %arg8[%rem3A_353, %dma_wait3A_378] : memref<8x96xi32, #tpu.memory_space<vmem>> -> memref<1x96xi32, #tpu.memory_space<vmem>>
      %dma_wait3A_380 = tpu.memref_squeeze %dma_wait3A_379 : memref<1x96xi32, #tpu.memory_space<vmem>> -> memref<96xi32, #tpu.memory_space<vmem>>
      %dma_wait3A_381 = arith.constant 0 : i32
      %dma_wait3A_382 = tpu.memref_slice %arg4[%add3A, %add3A_347, %dma_wait3A_381] : memref<32x168x96xi32, #tpu.memory_space<hbm>> -> memref<1x1x96xi32, #tpu.memory_space<hbm>>
      %dma_wait3A_383 = tpu.memref_squeeze %dma_wait3A_382 : memref<1x1x96xi32, #tpu.memory_space<hbm>> -> memref<96xi32, #tpu.memory_space<hbm>>
      tpu.wait_dma2 semaphore(%dma_wait3A_377 : memref<!tpu.dma_semaphore, #tpu.memory_space<semaphore_mem>>) src(%dma_wait3A_383 : memref<96xi32, #tpu.memory_space<hbm>>) dst(%dma_wait3A_380 : memref<96xi32, #tpu.memory_space<vmem>>)
      %dma_start3A_384 = arith.constant 0 : i32
      %dma_start3A_385 = arith.constant 0 : i32
      %dma_start3A_386 = tpu.memref_slice %arg9[%rem3A_349, %dma_start3A_384, %dma_start3A_385] : memref<3x96x128xf32, #tpu.memory_space<vmem>> -> memref<1x96x128xf32, #tpu.memory_space<vmem>>
      %dma_start3A_387 = tpu.memref_squeeze %dma_start3A_386 : memref<1x96x128xf32, #tpu.memory_space<vmem>> -> memref<96x128xf32, #tpu.memory_space<vmem>>
      %dma_start3A_388 = arith.constant 0 : i32
      %dma_start3A_389 = tpu.memref_slice %arg8[%rem3A_353, %dma_start3A_388] : memref<8x96xi32, #tpu.memory_space<vmem>> -> memref<1x96xi32, #tpu.memory_space<vmem>>
      %dma_start3A_390 = tpu.memref_squeeze %dma_start3A_389 : memref<1x96xi32, #tpu.memory_space<vmem>> -> memref<96xi32, #tpu.memory_space<vmem>>
      %dma_start3A_391 = arith.constant 0 : i32
      %dma_start3A_392 = arith.constant 0 : i32
      %dma_start3A_393 = tpu.memref_slice %arg10[%dma_start3A_391, %dma_start3A_392] : memref<10240x128xf32, #tpu.memory_space<vmem_shared>> -> memref<10240x128xf32, #tpu.memory_space<vmem_shared>>
      %dma_start3A_394 = tpu.memref_slice %arg12[%rem3A_349] : memref<3x!tpu.dma_semaphore, #tpu.memory_space<semaphore_mem>> -> memref<1x!tpu.dma_semaphore, #tpu.memory_space<semaphore_mem>>
      %dma_start3A_395 = tpu.memref_squeeze %dma_start3A_394 : memref<1x!tpu.dma_semaphore, #tpu.memory_space<semaphore_mem>> -> memref<!tpu.dma_semaphore, #tpu.memory_space<semaphore_mem>>
      tpu.enqueue_indirect_dma source(%dma_start3A_387 : memref<96x128xf32, #tpu.memory_space<vmem>>) target(%dma_start3A_393 : memref<10240x128xf32, #tpu.memory_space<vmem_shared>>) offsets(%dma_start3A_390 : memref<96xi32, #tpu.memory_space<vmem>>) semaphore(%dma_start3A_395 : memref<!tpu.dma_semaphore, #tpu.memory_space<semaphore_mem>>) {add = true}
      %add3A_396 = arith.constant 6 : i32
      %add3A_397 = arith.addi %add3A_347, %add3A_396 : i32
      %lt3A = arith.cmpi slt, %add3A_397, %select_n3A : i32
      %convert_element_type3A_398 = arith.extui %lt3A : i1 to i32
      %cond3A_399 = arith.constant 0 : i32
      %cond3A_400 = arith.cmpi ne, %convert_element_type3A_398, %cond3A_399 : i32
      scf.if %cond3A_400 {
        %dma_start3A_409 = arith.constant 0 : i32
        %dma_start3A_410 = tpu.memref_slice %arg7[%rem3A_351, %dma_start3A_409] : memref<6x96xi32, #tpu.memory_space<vmem>> -> memref<1x96xi32, #tpu.memory_space<vmem>>
        %dma_start3A_411 = tpu.memref_squeeze %dma_start3A_410 : memref<1x96xi32, #tpu.memory_space<vmem>> -> memref<96xi32, #tpu.memory_space<vmem>>
        %dma_start3A_412 = arith.constant 0 : i32
        %dma_start3A_413 = tpu.memref_slice %arg3[%add3A, %add3A_397, %dma_start3A_412] : memref<32x168x96xi32, #tpu.memory_space<hbm>> -> memref<1x1x96xi32, #tpu.memory_space<hbm>>
        %dma_start3A_414 = tpu.memref_squeeze %dma_start3A_413 : memref<1x1x96xi32, #tpu.memory_space<hbm>> -> memref<96xi32, #tpu.memory_space<hbm>>
        %dma_start3A_415 = tpu.memref_slice %arg13[%rem3A_351] : memref<6x!tpu.dma_semaphore, #tpu.memory_space<semaphore_mem>> -> memref<1x!tpu.dma_semaphore, #tpu.memory_space<semaphore_mem>>
        %dma_start3A_416 = tpu.memref_squeeze %dma_start3A_415 : memref<1x!tpu.dma_semaphore, #tpu.memory_space<semaphore_mem>> -> memref<!tpu.dma_semaphore, #tpu.memory_space<semaphore_mem>>
        %dma_start3A_417 = arith.constant 0 : i32
        %dma_start3A_418 = tpu.memref_slice %arg7[%rem3A_351, %dma_start3A_417] : memref<6x96xi32, #tpu.memory_space<vmem>> -> memref<1x96xi32, #tpu.memory_space<vmem>>
        %dma_start3A_419 = tpu.memref_squeeze %dma_start3A_418 : memref<1x96xi32, #tpu.memory_space<vmem>> -> memref<96xi32, #tpu.memory_space<vmem>>
        %dma_start3A_420 = arith.constant 0 : i32
        %dma_start3A_421 = tpu.memref_slice %arg3[%add3A, %add3A_397, %dma_start3A_420] : memref<32x168x96xi32, #tpu.memory_space<hbm>> -> memref<1x1x96xi32, #tpu.memory_space<hbm>>
        %dma_start3A_422 = tpu.memref_squeeze %dma_start3A_421 : memref<1x1x96xi32, #tpu.memory_space<hbm>> -> memref<96xi32, #tpu.memory_space<hbm>>
        tpu.enqueue_dma source(%dma_start3A_422 : memref<96xi32, #tpu.memory_space<hbm>>) target(%dma_start3A_419 : memref<96xi32, #tpu.memory_space<vmem>>) target_semaphore(%dma_start3A_416 : memref<!tpu.dma_semaphore, #tpu.memory_space<semaphore_mem>>)
      } else {
      }
      %add3A_401 = arith.constant 3 : i32
      %add3A_402 = arith.addi %add3A_347, %add3A_401 : i32
      %sub3A_403 = arith.constant 1 : i32
      %sub3A_404 = arith.subi %add3A_402, %sub3A_403 : i32
      %lt3A_405 = arith.cmpi slt, %sub3A_404, %select_n3A : i32
      %convert_element_type3A_406 = arith.extui %lt3A_405 : i1 to i32
      %cond3A_407 = arith.constant 0 : i32
      %cond3A_408 = arith.cmpi ne, %convert_element_type3A_406, %cond3A_407 : i32
      scf.if %cond3A_408 {
        %rem3A_409 = arith.constant 3 : i32
        %rem3A_410 = arith.remsi %sub3A_404, %rem3A_409 : i32
        %rem3A_411 = arith.constant 6 : i32
        %rem3A_412 = arith.remsi %sub3A_404, %rem3A_411 : i32
        %dma_wait3A_413 = arith.constant 0 : i32
        %dma_wait3A_414 = tpu.memref_slice %arg7[%rem3A_412, %dma_wait3A_413] : memref<6x96xi32, #tpu.memory_space<vmem>> -> memref<1x96xi32, #tpu.memory_space<vmem>>
        %dma_wait3A_415 = tpu.memref_squeeze %dma_wait3A_414 : memref<1x96xi32, #tpu.memory_space<vmem>> -> memref<96xi32, #tpu.memory_space<vmem>>
        %dma_wait3A_416 = arith.constant 0 : i32
        %dma_wait3A_417 = tpu.memref_slice %arg3[%add3A, %sub3A_404, %dma_wait3A_416] : memref<32x168x96xi32, #tpu.memory_space<hbm>> -> memref<1x1x96xi32, #tpu.memory_space<hbm>>
        %dma_wait3A_418 = tpu.memref_squeeze %dma_wait3A_417 : memref<1x1x96xi32, #tpu.memory_space<hbm>> -> memref<96xi32, #tpu.memory_space<hbm>>
        %dma_wait3A_419 = tpu.memref_slice %arg13[%rem3A_412] : memref<6x!tpu.dma_semaphore, #tpu.memory_space<semaphore_mem>> -> memref<1x!tpu.dma_semaphore, #tpu.memory_space<semaphore_mem>>
        %dma_wait3A_420 = tpu.memref_squeeze %dma_wait3A_419 : memref<1x!tpu.dma_semaphore, #tpu.memory_space<semaphore_mem>> -> memref<!tpu.dma_semaphore, #tpu.memory_space<semaphore_mem>>
        %dma_wait3A_421 = arith.constant 0 : i32
        %dma_wait3A_422 = tpu.memref_slice %arg7[%rem3A_412, %dma_wait3A_421] : memref<6x96xi32, #tpu.memory_space<vmem>> -> memref<1x96xi32, #tpu.memory_space<vmem>>
        %dma_wait3A_423 = tpu.memref_squeeze %dma_wait3A_422 : memref<1x96xi32, #tpu.memory_space<vmem>> -> memref<96xi32, #tpu.memory_space<vmem>>
        %dma_wait3A_424 = arith.constant 0 : i32
        %dma_wait3A_425 = tpu.memref_slice %arg3[%add3A, %sub3A_404, %dma_wait3A_424] : memref<32x168x96xi32, #tpu.memory_space<hbm>> -> memref<1x1x96xi32, #tpu.memory_space<hbm>>
        %dma_wait3A_426 = tpu.memref_squeeze %dma_wait3A_425 : memref<1x1x96xi32, #tpu.memory_space<hbm>> -> memref<96xi32, #tpu.memory_space<hbm>>
        tpu.wait_dma2 semaphore(%dma_wait3A_420 : memref<!tpu.dma_semaphore, #tpu.memory_space<semaphore_mem>>) src(%dma_wait3A_426 : memref<96xi32, #tpu.memory_space<hbm>>) dst(%dma_wait3A_423 : memref<96xi32, #tpu.memory_space<vmem>>)
        %dma_start3A_427 = arith.constant 0 : i32
        %dma_start3A_428 = arith.constant 0 : i32
        %dma_start3A_429 = tpu.memref_slice %arg9[%rem3A_410, %dma_start3A_427, %dma_start3A_428] : memref<3x96x128xf32, #tpu.memory_space<vmem>> -> memref<1x96x128xf32, #tpu.memory_space<vmem>>
        %dma_start3A_430 = tpu.memref_squeeze %dma_start3A_429 : memref<1x96x128xf32, #tpu.memory_space<vmem>> -> memref<96x128xf32, #tpu.memory_space<vmem>>
        %dma_start3A_431 = arith.constant 0 : i32
        %dma_start3A_432 = tpu.memref_slice %arg7[%rem3A_412, %dma_start3A_431] : memref<6x96xi32, #tpu.memory_space<vmem>> -> memref<1x96xi32, #tpu.memory_space<vmem>>
        %dma_start3A_433 = tpu.memref_squeeze %dma_start3A_432 : memref<1x96xi32, #tpu.memory_space<vmem>> -> memref<96xi32, #tpu.memory_space<vmem>>
        %dma_start3A_434 = arith.constant 0 : i32
        %dma_start3A_435 = arith.constant 0 : i32
        %dma_start3A_436 = tpu.memref_slice %arg2[%dma_start3A_434, %dma_start3A_435] : memref<10000x128xf32, #tpu.memory_space<hbm>> -> memref<10000x128xf32, #tpu.memory_space<hbm>>
        %dma_start3A_437 = tpu.memref_slice %arg11[%rem3A_410] : memref<3x!tpu.dma_semaphore, #tpu.memory_space<semaphore_mem>> -> memref<1x!tpu.dma_semaphore, #tpu.memory_space<semaphore_mem>>
        %dma_start3A_438 = tpu.memref_squeeze %dma_start3A_437 : memref<1x!tpu.dma_semaphore, #tpu.memory_space<semaphore_mem>> -> memref<!tpu.dma_semaphore, #tpu.memory_space<semaphore_mem>>
        tpu.enqueue_indirect_dma source(%dma_start3A_436 : memref<10000x128xf32, #tpu.memory_space<hbm>>) target(%dma_start3A_430 : memref<96x128xf32, #tpu.memory_space<vmem>>) offsets(%dma_start3A_433 : memref<96xi32, #tpu.memory_space<vmem>>) semaphore(%dma_start3A_438 : memref<!tpu.dma_semaphore, #tpu.memory_space<semaphore_mem>>)
      } else {
      }
    }
    %sub3A_321 = arith.constant 1 : i32
    %sub3A_322 = arith.subi %select_n3A, %sub3A_321 : i32
    %rem3A = arith.constant 3 : i32
    %rem3A_323 = arith.remsi %sub3A_322, %rem3A : i32
    %rem3A_324 = arith.constant 8 : i32
    %rem3A_325 = arith.remsi %sub3A_322, %rem3A_324 : i32
    %rem3A_326 = arith.constant 3 : i32
    %rem3A_327 = arith.remsi %sub3A_322, %rem3A_326 : i32
    %dma_wait3A_328 = arith.constant 0 : i32
    %dma_wait3A_329 = arith.constant 0 : i32
    %dma_wait3A_330 = tpu.memref_slice %arg9[%rem3A_323, %dma_wait3A_328, %dma_wait3A_329] : memref<3x96x128xf32, #tpu.memory_space<vmem>> -> memref<1x96x128xf32, #tpu.memory_space<vmem>>
    %dma_wait3A_331 = tpu.memref_squeeze %dma_wait3A_330 : memref<1x96x128xf32, #tpu.memory_space<vmem>> -> memref<96x128xf32, #tpu.memory_space<vmem>>
    %dma_wait3A_332 = arith.constant 0 : i32
    %dma_wait3A_333 = tpu.memref_slice %arg8[%rem3A_325, %dma_wait3A_332] : memref<8x96xi32, #tpu.memory_space<vmem>> -> memref<1x96xi32, #tpu.memory_space<vmem>>
    %dma_wait3A_334 = tpu.memref_squeeze %dma_wait3A_333 : memref<1x96xi32, #tpu.memory_space<vmem>> -> memref<96xi32, #tpu.memory_space<vmem>>
    %dma_wait3A_335 = arith.constant 0 : i32
    %dma_wait3A_336 = arith.constant 0 : i32
    %dma_wait3A_337 = tpu.memref_slice %arg10[%dma_wait3A_335, %dma_wait3A_336] : memref<10240x128xf32, #tpu.memory_space<vmem_shared>> -> memref<10240x128xf32, #tpu.memory_space<vmem_shared>>
    %dma_wait3A_338 = tpu.memref_slice %arg12[%rem3A_327] : memref<3x!tpu.dma_semaphore, #tpu.memory_space<semaphore_mem>> -> memref<1x!tpu.dma_semaphore, #tpu.memory_space<semaphore_mem>>
    %dma_wait3A_339 = tpu.memref_squeeze %dma_wait3A_338 : memref<1x!tpu.dma_semaphore, #tpu.memory_space<semaphore_mem>> -> memref<!tpu.dma_semaphore, #tpu.memory_space<semaphore_mem>>
    tpu.wait_indirect_dma semaphore(%dma_wait3A_339 : memref<!tpu.dma_semaphore, #tpu.memory_space<semaphore_mem>>) src(%dma_wait3A_331 : memref<96x128xf32, #tpu.memory_space<vmem>>) dst(%dma_wait3A_337 : memref<10240x128xf32, #tpu.memory_space<vmem_shared>>)
    %barrier3A_340 = arith.constant 0 : index
    tpu.barrier barrier_id(%barrier3A_340)
    %mul3A_341 = arith.constant 640 : i32
    %mul3A_342 = arith.muli %arg1, %mul3A_341 : i32
    %mul3A_343 = arith.constant 640 : i32
    %mul3A_344 = arith.muli %arg1, %mul3A_343 : i32
    "tpu.region"() ({
      %run_scoped3A = tpu.sem_alloc : memref<!tpu.dma_semaphore, #tpu.memory_space<semaphore_mem>>
      %dma_start3A_345 = arith.constant 0 : i32
      %dma_start3A_346 = tpu.memref_slice %arg6[%arg0, %mul3A_344, %dma_start3A_345] : memref<2x10240x128xf32, #tpu.memory_space<hbm>> -> memref<1x640x128xf32, #tpu.memory_space<hbm>>
      %dma_start3A_347 = tpu.memref_squeeze %dma_start3A_346 : memref<1x640x128xf32, #tpu.memory_space<hbm>> -> memref<640x128xf32, #tpu.memory_space<hbm>>
      %dma_start3A_348 = arith.constant 0 : i32
      %dma_start3A_349 = tpu.memref_slice %arg10[%mul3A_342, %dma_start3A_348] : memref<10240x128xf32, #tpu.memory_space<vmem_shared>> -> memref<640x128xf32, #tpu.memory_space<vmem_shared>>
      tpu.enqueue_dma source(%dma_start3A_349 : memref<640x128xf32, #tpu.memory_space<vmem_shared>>) target(%dma_start3A_347 : memref<640x128xf32, #tpu.memory_space<hbm>>) target_semaphore(%run_scoped3A : memref<!tpu.dma_semaphore, #tpu.memory_space<semaphore_mem>>)
      %dma_wait3A_350 = arith.constant 0 : i32
      %dma_wait3A_351 = tpu.memref_slice %arg6[%arg0, %mul3A_344, %dma_wait3A_350] : memref<2x10240x128xf32, #tpu.memory_space<hbm>> -> memref<1x640x128xf32, #tpu.memory_space<hbm>>
      %dma_wait3A_352 = tpu.memref_squeeze %dma_wait3A_351 : memref<1x640x128xf32, #tpu.memory_space<hbm>> -> memref<640x128xf32, #tpu.memory_space<hbm>>
      %dma_wait3A_353 = arith.constant 0 : i32
      %dma_wait3A_354 = tpu.memref_slice %arg10[%mul3A_342, %dma_wait3A_353] : memref<10240x128xf32, #tpu.memory_space<vmem_shared>> -> memref<640x128xf32, #tpu.memory_space<vmem_shared>>
      tpu.wait_dma2 semaphore(%run_scoped3A : memref<!tpu.dma_semaphore, #tpu.memory_space<semaphore_mem>>) src(%dma_wait3A_354 : memref<640x128xf32, #tpu.memory_space<vmem_shared>>) dst(%dma_wait3A_352 : memref<640x128xf32, #tpu.memory_space<hbm>>)
      tpu.yield
    }) : () -> ()
    return
  }
}

#map = affine_map<(d0, d1) -> (0, 0, 0)>
#map1 = affine_map<(d0, d1) -> (0)>
#map2 = affine_map<(d0, d1) -> (0, 0)>
module attributes {stable_mosaic.version = 14 : i64} {
  func.func @k(%arg0: i32, %arg1: i32, %arg2: memref<32x168x96xi32, #tpu.memory_space<hbm>>, %arg3: memref<96xf32, #tpu.memory_space<hbm>>, %arg4: memref<10240xf32, #tpu.memory_space<hbm>>, %arg5: memref<2x10240xf32, #tpu.memory_space<hbm>>, %arg6: memref<168x96xi32, #tpu.memory_space<vmem>>, %arg7: memref<96xf32, #tpu.memory_space<vmem>>, %arg8: memref<10240xf32, #tpu.memory_space<vmem_shared>>, %arg9: memref<8x!tpu.dma_semaphore, #tpu.memory_space<semaphore_mem>>) attributes {dimension_semantics = [#tpu.dimension_semantics<core_parallel>, #tpu.dimension_semantics<subcore_parallel>], iteration_bounds = array<i64: 2, 16>, scalar_prefetch = 0 : i64, scratch_operands = 4 : i64, tpu.core_type = #tpu.core_type<sc_vector_subcore>, window_params = [{transform_indices = #map}, {transform_indices = #map1}, {transform_indices = #map1}, {transform_indices = #map2}]} {
    %mul3A = arith.constant 16 : i32
    %mul3A_0 = arith.muli %arg0, %mul3A : i32
    %add3A = arith.addi %mul3A_0, %arg1 : i32
    %eq3A = arith.constant 0 : i32
    %eq3A_1 = arith.cmpi eq, %arg0, %eq3A : i32
    %jit3A = arith.constant 168 : i32
    %jit3A_2 = arith.constant 42 : i32
    %select_n3A = arith.select %eq3A_1, %jit3A, %jit3A_2 : i32
    "tpu.region"() ({
      %run_scoped3A = tpu.sem_alloc : memref<!tpu.dma_semaphore, #tpu.memory_space<semaphore_mem>>
      %dma_start3A_97 = arith.constant 0 : i32
      %dma_start3A_98 = arith.constant 0 : i32
      %dma_start3A_99 = tpu.memref_slice %arg2[%add3A, %dma_start3A_97, %dma_start3A_98] : memref<32x168x96xi32, #tpu.memory_space<hbm>> -> memref<1x168x96xi32, #tpu.memory_space<hbm>>
      %dma_start3A_100 = tpu.memref_squeeze %dma_start3A_99 : memref<1x168x96xi32, #tpu.memory_space<hbm>> -> memref<168x96xi32, #tpu.memory_space<hbm>>
      %dma_start3A_101 = arith.constant 0 : i32
      %dma_start3A_102 = arith.constant 0 : i32
      %dma_start3A_103 = tpu.memref_slice %arg2[%add3A, %dma_start3A_101, %dma_start3A_102] : memref<32x168x96xi32, #tpu.memory_space<hbm>> -> memref<1x168x96xi32, #tpu.memory_space<hbm>>
      %dma_start3A_104 = tpu.memref_squeeze %dma_start3A_103 : memref<1x168x96xi32, #tpu.memory_space<hbm>> -> memref<168x96xi32, #tpu.memory_space<hbm>>
      tpu.enqueue_dma source(%dma_start3A_104 : memref<168x96xi32, #tpu.memory_space<hbm>>) target(%arg6 : memref<168x96xi32, #tpu.memory_space<vmem>>) target_semaphore(%run_scoped3A : memref<!tpu.dma_semaphore, #tpu.memory_space<semaphore_mem>>)
      %dma_wait3A = arith.constant 0 : i32
      %dma_wait3A_105 = arith.constant 0 : i32
      %dma_wait3A_106 = tpu.memref_slice %arg2[%add3A, %dma_wait3A, %dma_wait3A_105] : memref<32x168x96xi32, #tpu.memory_space<hbm>> -> memref<1x168x96xi32, #tpu.memory_space<hbm>>
      %dma_wait3A_107 = tpu.memref_squeeze %dma_wait3A_106 : memref<1x168x96xi32, #tpu.memory_space<hbm>> -> memref<168x96xi32, #tpu.memory_space<hbm>>
      %dma_wait3A_108 = arith.constant 0 : i32
      %dma_wait3A_109 = arith.constant 0 : i32
      %dma_wait3A_110 = tpu.memref_slice %arg2[%add3A, %dma_wait3A_108, %dma_wait3A_109] : memref<32x168x96xi32, #tpu.memory_space<hbm>> -> memref<1x168x96xi32, #tpu.memory_space<hbm>>
      %dma_wait3A_111 = tpu.memref_squeeze %dma_wait3A_110 : memref<1x168x96xi32, #tpu.memory_space<hbm>> -> memref<168x96xi32, #tpu.memory_space<hbm>>
      tpu.wait_dma2 semaphore(%run_scoped3A : memref<!tpu.dma_semaphore, #tpu.memory_space<semaphore_mem>>) src(%dma_wait3A_111 : memref<168x96xi32, #tpu.memory_space<hbm>>) dst(%arg6 : memref<168x96xi32, #tpu.memory_space<vmem>>)
      tpu.yield
    }) : () -> ()
    "tpu.region"() ({
      %run_scoped3A = tpu.sem_alloc : memref<!tpu.dma_semaphore, #tpu.memory_space<semaphore_mem>>
      tpu.enqueue_dma source(%arg3 : memref<96xf32, #tpu.memory_space<hbm>>) target(%arg7 : memref<96xf32, #tpu.memory_space<vmem>>) target_semaphore(%run_scoped3A : memref<!tpu.dma_semaphore, #tpu.memory_space<semaphore_mem>>)
      tpu.wait_dma2 semaphore(%run_scoped3A : memref<!tpu.dma_semaphore, #tpu.memory_space<semaphore_mem>>) src(%arg3 : memref<96xf32, #tpu.memory_space<hbm>>) dst(%arg7 : memref<96xf32, #tpu.memory_space<vmem>>)
      tpu.yield
    }) : () -> ()
    %mul3A_3 = arith.constant 640 : i32
    %mul3A_4 = arith.muli %arg1, %mul3A_3 : i32
    "tpu.region"() ({
      %run_scoped3A = tpu.sem_alloc : memref<!tpu.dma_semaphore, #tpu.memory_space<semaphore_mem>>
      %dma_start3A_97 = tpu.memref_slice %arg8[%mul3A_4] : memref<10240xf32, #tpu.memory_space<vmem_shared>> -> memref<640xf32, #tpu.memory_space<vmem_shared>>
      %dma_start3A_98 = arith.constant 0 : i32
      %dma_start3A_99 = tpu.memref_slice %arg4[%dma_start3A_98] : memref<10240xf32, #tpu.memory_space<hbm>> -> memref<640xf32, #tpu.memory_space<hbm>>
      tpu.enqueue_dma source(%dma_start3A_99 : memref<640xf32, #tpu.memory_space<hbm>>) target(%dma_start3A_97 : memref<640xf32, #tpu.memory_space<vmem_shared>>) target_semaphore(%run_scoped3A : memref<!tpu.dma_semaphore, #tpu.memory_space<semaphore_mem>>)
      %dma_wait3A = tpu.memref_slice %arg8[%mul3A_4] : memref<10240xf32, #tpu.memory_space<vmem_shared>> -> memref<640xf32, #tpu.memory_space<vmem_shared>>
      %dma_wait3A_100 = arith.constant 0 : i32
      %dma_wait3A_101 = tpu.memref_slice %arg4[%dma_wait3A_100] : memref<10240xf32, #tpu.memory_space<hbm>> -> memref<640xf32, #tpu.memory_space<hbm>>
      tpu.wait_dma2 semaphore(%run_scoped3A : memref<!tpu.dma_semaphore, #tpu.memory_space<semaphore_mem>>) src(%dma_wait3A_101 : memref<640xf32, #tpu.memory_space<hbm>>) dst(%dma_wait3A : memref<640xf32, #tpu.memory_space<vmem_shared>>)
      tpu.yield
    }) : () -> ()
    %barrier3A = arith.constant 0 : index
    tpu.barrier barrier_id(%barrier3A)
    %dma_start3A = arith.constant 0 : i32
    %dma_start3A_5 = arith.constant 0 : i32
    %dma_start3A_6 = arith.constant 0 : i32
    %dma_start3A_7 = tpu.memref_slice %arg6[%dma_start3A, %dma_start3A_6] : memref<168x96xi32, #tpu.memory_space<vmem>> -> memref<1x96xi32, #tpu.memory_space<vmem>>
    %dma_start3A_8 = tpu.memref_squeeze %dma_start3A_7 : memref<1x96xi32, #tpu.memory_space<vmem>> -> memref<96xi32, #tpu.memory_space<vmem>>
    %dma_start3A_9 = arith.constant 0 : i32
    %dma_start3A_10 = tpu.memref_slice %arg8[%dma_start3A_9] : memref<10240xf32, #tpu.memory_space<vmem_shared>> -> memref<10240xf32, #tpu.memory_space<vmem_shared>>
    %dma_start3A_11 = tpu.memref_slice %arg9[%dma_start3A_5] : memref<8x!tpu.dma_semaphore, #tpu.memory_space<semaphore_mem>> -> memref<1x!tpu.dma_semaphore, #tpu.memory_space<semaphore_mem>>
    %dma_start3A_12 = tpu.memref_squeeze %dma_start3A_11 : memref<1x!tpu.dma_semaphore, #tpu.memory_space<semaphore_mem>> -> memref<!tpu.dma_semaphore, #tpu.memory_space<semaphore_mem>>
    tpu.enqueue_indirect_dma source(%arg7 : memref<96xf32, #tpu.memory_space<vmem>>) target(%dma_start3A_10 : memref<10240xf32, #tpu.memory_space<vmem_shared>>) offsets(%dma_start3A_8 : memref<96xi32, #tpu.memory_space<vmem>>) semaphore(%dma_start3A_12 : memref<!tpu.dma_semaphore, #tpu.memory_space<semaphore_mem>>) {add = true}
    %dma_start3A_13 = arith.constant 1 : i32
    %dma_start3A_14 = arith.constant 1 : i32
    %dma_start3A_15 = arith.constant 0 : i32
    %dma_start3A_16 = tpu.memref_slice %arg6[%dma_start3A_13, %dma_start3A_15] : memref<168x96xi32, #tpu.memory_space<vmem>> -> memref<1x96xi32, #tpu.memory_space<vmem>>
    %dma_start3A_17 = tpu.memref_squeeze %dma_start3A_16 : memref<1x96xi32, #tpu.memory_space<vmem>> -> memref<96xi32, #tpu.memory_space<vmem>>
    %dma_start3A_18 = arith.constant 0 : i32
    %dma_start3A_19 = tpu.memref_slice %arg8[%dma_start3A_18] : memref<10240xf32, #tpu.memory_space<vmem_shared>> -> memref<10240xf32, #tpu.memory_space<vmem_shared>>
    %dma_start3A_20 = tpu.memref_slice %arg9[%dma_start3A_14] : memref<8x!tpu.dma_semaphore, #tpu.memory_space<semaphore_mem>> -> memref<1x!tpu.dma_semaphore, #tpu.memory_space<semaphore_mem>>
    %dma_start3A_21 = tpu.memref_squeeze %dma_start3A_20 : memref<1x!tpu.dma_semaphore, #tpu.memory_space<semaphore_mem>> -> memref<!tpu.dma_semaphore, #tpu.memory_space<semaphore_mem>>
    tpu.enqueue_indirect_dma source(%arg7 : memref<96xf32, #tpu.memory_space<vmem>>) target(%dma_start3A_19 : memref<10240xf32, #tpu.memory_space<vmem_shared>>) offsets(%dma_start3A_17 : memref<96xi32, #tpu.memory_space<vmem>>) semaphore(%dma_start3A_21 : memref<!tpu.dma_semaphore, #tpu.memory_space<semaphore_mem>>) {add = true}
    %dma_start3A_22 = arith.constant 2 : i32
    %dma_start3A_23 = arith.constant 2 : i32
    %dma_start3A_24 = arith.constant 0 : i32
    %dma_start3A_25 = tpu.memref_slice %arg6[%dma_start3A_22, %dma_start3A_24] : memref<168x96xi32, #tpu.memory_space<vmem>> -> memref<1x96xi32, #tpu.memory_space<vmem>>
    %dma_start3A_26 = tpu.memref_squeeze %dma_start3A_25 : memref<1x96xi32, #tpu.memory_space<vmem>> -> memref<96xi32, #tpu.memory_space<vmem>>
    %dma_start3A_27 = arith.constant 0 : i32
    %dma_start3A_28 = tpu.memref_slice %arg8[%dma_start3A_27] : memref<10240xf32, #tpu.memory_space<vmem_shared>> -> memref<10240xf32, #tpu.memory_space<vmem_shared>>
    %dma_start3A_29 = tpu.memref_slice %arg9[%dma_start3A_23] : memref<8x!tpu.dma_semaphore, #tpu.memory_space<semaphore_mem>> -> memref<1x!tpu.dma_semaphore, #tpu.memory_space<semaphore_mem>>
    %dma_start3A_30 = tpu.memref_squeeze %dma_start3A_29 : memref<1x!tpu.dma_semaphore, #tpu.memory_space<semaphore_mem>> -> memref<!tpu.dma_semaphore, #tpu.memory_space<semaphore_mem>>
    tpu.enqueue_indirect_dma source(%arg7 : memref<96xf32, #tpu.memory_space<vmem>>) target(%dma_start3A_28 : memref<10240xf32, #tpu.memory_space<vmem_shared>>) offsets(%dma_start3A_26 : memref<96xi32, #tpu.memory_space<vmem>>) semaphore(%dma_start3A_30 : memref<!tpu.dma_semaphore, #tpu.memory_space<semaphore_mem>>) {add = true}
    %dma_start3A_31 = arith.constant 3 : i32
    %dma_start3A_32 = arith.constant 3 : i32
    %dma_start3A_33 = arith.constant 0 : i32
    %dma_start3A_34 = tpu.memref_slice %arg6[%dma_start3A_31, %dma_start3A_33] : memref<168x96xi32, #tpu.memory_space<vmem>> -> memref<1x96xi32, #tpu.memory_space<vmem>>
    %dma_start3A_35 = tpu.memref_squeeze %dma_start3A_34 : memref<1x96xi32, #tpu.memory_space<vmem>> -> memref<96xi32, #tpu.memory_space<vmem>>
    %dma_start3A_36 = arith.constant 0 : i32
    %dma_start3A_37 = tpu.memref_slice %arg8[%dma_start3A_36] : memref<10240xf32, #tpu.memory_space<vmem_shared>> -> memref<10240xf32, #tpu.memory_space<vmem_shared>>
    %dma_start3A_38 = tpu.memref_slice %arg9[%dma_start3A_32] : memref<8x!tpu.dma_semaphore, #tpu.memory_space<semaphore_mem>> -> memref<1x!tpu.dma_semaphore, #tpu.memory_space<semaphore_mem>>
    %dma_start3A_39 = tpu.memref_squeeze %dma_start3A_38 : memref<1x!tpu.dma_semaphore, #tpu.memory_space<semaphore_mem>> -> memref<!tpu.dma_semaphore, #tpu.memory_space<semaphore_mem>>
    tpu.enqueue_indirect_dma source(%arg7 : memref<96xf32, #tpu.memory_space<vmem>>) target(%dma_start3A_37 : memref<10240xf32, #tpu.memory_space<vmem_shared>>) offsets(%dma_start3A_35 : memref<96xi32, #tpu.memory_space<vmem>>) semaphore(%dma_start3A_39 : memref<!tpu.dma_semaphore, #tpu.memory_space<semaphore_mem>>) {add = true}
    %dma_start3A_40 = arith.constant 4 : i32
    %dma_start3A_41 = arith.constant 4 : i32
    %dma_start3A_42 = arith.constant 0 : i32
    %dma_start3A_43 = tpu.memref_slice %arg6[%dma_start3A_40, %dma_start3A_42] : memref<168x96xi32, #tpu.memory_space<vmem>> -> memref<1x96xi32, #tpu.memory_space<vmem>>
    %dma_start3A_44 = tpu.memref_squeeze %dma_start3A_43 : memref<1x96xi32, #tpu.memory_space<vmem>> -> memref<96xi32, #tpu.memory_space<vmem>>
    %dma_start3A_45 = arith.constant 0 : i32
    %dma_start3A_46 = tpu.memref_slice %arg8[%dma_start3A_45] : memref<10240xf32, #tpu.memory_space<vmem_shared>> -> memref<10240xf32, #tpu.memory_space<vmem_shared>>
    %dma_start3A_47 = tpu.memref_slice %arg9[%dma_start3A_41] : memref<8x!tpu.dma_semaphore, #tpu.memory_space<semaphore_mem>> -> memref<1x!tpu.dma_semaphore, #tpu.memory_space<semaphore_mem>>
    %dma_start3A_48 = tpu.memref_squeeze %dma_start3A_47 : memref<1x!tpu.dma_semaphore, #tpu.memory_space<semaphore_mem>> -> memref<!tpu.dma_semaphore, #tpu.memory_space<semaphore_mem>>
    tpu.enqueue_indirect_dma source(%arg7 : memref<96xf32, #tpu.memory_space<vmem>>) target(%dma_start3A_46 : memref<10240xf32, #tpu.memory_space<vmem_shared>>) offsets(%dma_start3A_44 : memref<96xi32, #tpu.memory_space<vmem>>) semaphore(%dma_start3A_48 : memref<!tpu.dma_semaphore, #tpu.memory_space<semaphore_mem>>) {add = true}
    %dma_start3A_49 = arith.constant 5 : i32
    %dma_start3A_50 = arith.constant 5 : i32
    %dma_start3A_51 = arith.constant 0 : i32
    %dma_start3A_52 = tpu.memref_slice %arg6[%dma_start3A_49, %dma_start3A_51] : memref<168x96xi32, #tpu.memory_space<vmem>> -> memref<1x96xi32, #tpu.memory_space<vmem>>
    %dma_start3A_53 = tpu.memref_squeeze %dma_start3A_52 : memref<1x96xi32, #tpu.memory_space<vmem>> -> memref<96xi32, #tpu.memory_space<vmem>>
    %dma_start3A_54 = arith.constant 0 : i32
    %dma_start3A_55 = tpu.memref_slice %arg8[%dma_start3A_54] : memref<10240xf32, #tpu.memory_space<vmem_shared>> -> memref<10240xf32, #tpu.memory_space<vmem_shared>>
    %dma_start3A_56 = tpu.memref_slice %arg9[%dma_start3A_50] : memref<8x!tpu.dma_semaphore, #tpu.memory_space<semaphore_mem>> -> memref<1x!tpu.dma_semaphore, #tpu.memory_space<semaphore_mem>>
    %dma_start3A_57 = tpu.memref_squeeze %dma_start3A_56 : memref<1x!tpu.dma_semaphore, #tpu.memory_space<semaphore_mem>> -> memref<!tpu.dma_semaphore, #tpu.memory_space<semaphore_mem>>
    tpu.enqueue_indirect_dma source(%arg7 : memref<96xf32, #tpu.memory_space<vmem>>) target(%dma_start3A_55 : memref<10240xf32, #tpu.memory_space<vmem_shared>>) offsets(%dma_start3A_53 : memref<96xi32, #tpu.memory_space<vmem>>) semaphore(%dma_start3A_57 : memref<!tpu.dma_semaphore, #tpu.memory_space<semaphore_mem>>) {add = true}
    %dma_start3A_58 = arith.constant 6 : i32
    %dma_start3A_59 = arith.constant 6 : i32
    %dma_start3A_60 = arith.constant 0 : i32
    %dma_start3A_61 = tpu.memref_slice %arg6[%dma_start3A_58, %dma_start3A_60] : memref<168x96xi32, #tpu.memory_space<vmem>> -> memref<1x96xi32, #tpu.memory_space<vmem>>
    %dma_start3A_62 = tpu.memref_squeeze %dma_start3A_61 : memref<1x96xi32, #tpu.memory_space<vmem>> -> memref<96xi32, #tpu.memory_space<vmem>>
    %dma_start3A_63 = arith.constant 0 : i32
    %dma_start3A_64 = tpu.memref_slice %arg8[%dma_start3A_63] : memref<10240xf32, #tpu.memory_space<vmem_shared>> -> memref<10240xf32, #tpu.memory_space<vmem_shared>>
    %dma_start3A_65 = tpu.memref_slice %arg9[%dma_start3A_59] : memref<8x!tpu.dma_semaphore, #tpu.memory_space<semaphore_mem>> -> memref<1x!tpu.dma_semaphore, #tpu.memory_space<semaphore_mem>>
    %dma_start3A_66 = tpu.memref_squeeze %dma_start3A_65 : memref<1x!tpu.dma_semaphore, #tpu.memory_space<semaphore_mem>> -> memref<!tpu.dma_semaphore, #tpu.memory_space<semaphore_mem>>
    tpu.enqueue_indirect_dma source(%arg7 : memref<96xf32, #tpu.memory_space<vmem>>) target(%dma_start3A_64 : memref<10240xf32, #tpu.memory_space<vmem_shared>>) offsets(%dma_start3A_62 : memref<96xi32, #tpu.memory_space<vmem>>) semaphore(%dma_start3A_66 : memref<!tpu.dma_semaphore, #tpu.memory_space<semaphore_mem>>) {add = true}
    %dma_start3A_67 = arith.constant 7 : i32
    %dma_start3A_68 = arith.constant 7 : i32
    %dma_start3A_69 = arith.constant 0 : i32
    %dma_start3A_70 = tpu.memref_slice %arg6[%dma_start3A_67, %dma_start3A_69] : memref<168x96xi32, #tpu.memory_space<vmem>> -> memref<1x96xi32, #tpu.memory_space<vmem>>
    %dma_start3A_71 = tpu.memref_squeeze %dma_start3A_70 : memref<1x96xi32, #tpu.memory_space<vmem>> -> memref<96xi32, #tpu.memory_space<vmem>>
    %dma_start3A_72 = arith.constant 0 : i32
    %dma_start3A_73 = tpu.memref_slice %arg8[%dma_start3A_72] : memref<10240xf32, #tpu.memory_space<vmem_shared>> -> memref<10240xf32, #tpu.memory_space<vmem_shared>>
    %dma_start3A_74 = tpu.memref_slice %arg9[%dma_start3A_68] : memref<8x!tpu.dma_semaphore, #tpu.memory_space<semaphore_mem>> -> memref<1x!tpu.dma_semaphore, #tpu.memory_space<semaphore_mem>>
    %dma_start3A_75 = tpu.memref_squeeze %dma_start3A_74 : memref<1x!tpu.dma_semaphore, #tpu.memory_space<semaphore_mem>> -> memref<!tpu.dma_semaphore, #tpu.memory_space<semaphore_mem>>
    tpu.enqueue_indirect_dma source(%arg7 : memref<96xf32, #tpu.memory_space<vmem>>) target(%dma_start3A_73 : memref<10240xf32, #tpu.memory_space<vmem_shared>>) offsets(%dma_start3A_71 : memref<96xi32, #tpu.memory_space<vmem>>) semaphore(%dma_start3A_75 : memref<!tpu.dma_semaphore, #tpu.memory_space<semaphore_mem>>) {add = true}
    %sub3A = arith.constant 0 : i32
    %sub3A_76 = arith.subi %select_n3A, %sub3A : i32
    %sub3A_77 = arith.constant 1 : i32
    %sub3A_78 = arith.constant 1 : i32
    %sub3A_79 = arith.subi %sub3A_77, %sub3A_78 : i32
    %add3A_80 = arith.addi %sub3A_76, %sub3A_79 : i32
    %div3A = arith.constant 1 : i32
    %div3A_81 = arith.divsi %add3A_80, %div3A : i32
    %while3A = arith.constant 1 : i32
    %while3A_82 = arith.constant 0 : i32
    %while3A_83 = arith.constant 0 : i32
    %while3A_84 = arith.subi %div3A_81, %while3A_83 : i32
    %while3A_85 = arith.addi %while3A_83, %while3A_84 : i32
    %while3A_86 = arith.constant 1 : i32
    %while3A_87 = arith.divsi %while3A_84, %while3A_86 : i32
    %while3A_88 = arith.muli %while3A_87, %while3A_86 : i32
    %while3A_89 = arith.addi %while3A_83, %while3A_88 : i32
    %while3A_90 = arith.constant 1 : i32
    scf.for %while3A_97 = %while3A_83 to %while3A_89 step %while3A_90  : i32 {
      %mul3A_98 = arith.muli %while3A_97, %while3A : i32
      %add3A_99 = arith.addi %while3A_82, %mul3A_98 : i32
      %rem3A = arith.constant 8 : i32
      %rem3A_100 = arith.remsi %add3A_99, %rem3A : i32
      %dma_wait3A = arith.constant 0 : i32
      %dma_wait3A_101 = tpu.memref_slice %arg6[%add3A_99, %dma_wait3A] : memref<168x96xi32, #tpu.memory_space<vmem>> -> memref<1x96xi32, #tpu.memory_space<vmem>>
      %dma_wait3A_102 = tpu.memref_squeeze %dma_wait3A_101 : memref<1x96xi32, #tpu.memory_space<vmem>> -> memref<96xi32, #tpu.memory_space<vmem>>
      %dma_wait3A_103 = arith.constant 0 : i32
      %dma_wait3A_104 = tpu.memref_slice %arg8[%dma_wait3A_103] : memref<10240xf32, #tpu.memory_space<vmem_shared>> -> memref<10240xf32, #tpu.memory_space<vmem_shared>>
      %dma_wait3A_105 = tpu.memref_slice %arg9[%rem3A_100] : memref<8x!tpu.dma_semaphore, #tpu.memory_space<semaphore_mem>> -> memref<1x!tpu.dma_semaphore, #tpu.memory_space<semaphore_mem>>
      %dma_wait3A_106 = tpu.memref_squeeze %dma_wait3A_105 : memref<1x!tpu.dma_semaphore, #tpu.memory_space<semaphore_mem>> -> memref<!tpu.dma_semaphore, #tpu.memory_space<semaphore_mem>>
      tpu.wait_indirect_dma semaphore(%dma_wait3A_106 : memref<!tpu.dma_semaphore, #tpu.memory_space<semaphore_mem>>) src(%arg7 : memref<96xf32, #tpu.memory_space<vmem>>) dst(%dma_wait3A_104 : memref<10240xf32, #tpu.memory_space<vmem_shared>>)
      %add3A_107 = arith.constant 8 : i32
      %add3A_108 = arith.addi %add3A_99, %add3A_107 : i32
      %lt3A = arith.cmpi slt, %add3A_108, %select_n3A : i32
      %convert_element_type3A = arith.extui %lt3A : i1 to i32
      %cond3A = arith.constant 0 : i32
      %cond3A_109 = arith.cmpi ne, %convert_element_type3A, %cond3A : i32
      scf.if %cond3A_109 {
        %dma_start3A_110 = arith.constant 0 : i32
        %dma_start3A_111 = tpu.memref_slice %arg6[%add3A_108, %dma_start3A_110] : memref<168x96xi32, #tpu.memory_space<vmem>> -> memref<1x96xi32, #tpu.memory_space<vmem>>
        %dma_start3A_112 = tpu.memref_squeeze %dma_start3A_111 : memref<1x96xi32, #tpu.memory_space<vmem>> -> memref<96xi32, #tpu.memory_space<vmem>>
        %dma_start3A_113 = arith.constant 0 : i32
        %dma_start3A_114 = tpu.memref_slice %arg8[%dma_start3A_113] : memref<10240xf32, #tpu.memory_space<vmem_shared>> -> memref<10240xf32, #tpu.memory_space<vmem_shared>>
        %dma_start3A_115 = tpu.memref_slice %arg9[%rem3A_100] : memref<8x!tpu.dma_semaphore, #tpu.memory_space<semaphore_mem>> -> memref<1x!tpu.dma_semaphore, #tpu.memory_space<semaphore_mem>>
        %dma_start3A_116 = tpu.memref_squeeze %dma_start3A_115 : memref<1x!tpu.dma_semaphore, #tpu.memory_space<semaphore_mem>> -> memref<!tpu.dma_semaphore, #tpu.memory_space<semaphore_mem>>
        tpu.enqueue_indirect_dma source(%arg7 : memref<96xf32, #tpu.memory_space<vmem>>) target(%dma_start3A_114 : memref<10240xf32, #tpu.memory_space<vmem_shared>>) offsets(%dma_start3A_112 : memref<96xi32, #tpu.memory_space<vmem>>) semaphore(%dma_start3A_116 : memref<!tpu.dma_semaphore, #tpu.memory_space<semaphore_mem>>) {add = true}
      } else {
      }
    }
    %while3A_91 = arith.constant 1 : i32
    scf.for %while3A_97 = %while3A_89 to %while3A_85 step %while3A_91  : i32 {
      %mul3A_98 = arith.muli %while3A_97, %while3A : i32
      %add3A_99 = arith.addi %while3A_82, %mul3A_98 : i32
      %rem3A = arith.constant 8 : i32
      %rem3A_100 = arith.remsi %add3A_99, %rem3A : i32
      %dma_wait3A = arith.constant 0 : i32
      %dma_wait3A_101 = tpu.memref_slice %arg6[%add3A_99, %dma_wait3A] : memref<168x96xi32, #tpu.memory_space<vmem>> -> memref<1x96xi32, #tpu.memory_space<vmem>>
      %dma_wait3A_102 = tpu.memref_squeeze %dma_wait3A_101 : memref<1x96xi32, #tpu.memory_space<vmem>> -> memref<96xi32, #tpu.memory_space<vmem>>
      %dma_wait3A_103 = arith.constant 0 : i32
      %dma_wait3A_104 = tpu.memref_slice %arg8[%dma_wait3A_103] : memref<10240xf32, #tpu.memory_space<vmem_shared>> -> memref<10240xf32, #tpu.memory_space<vmem_shared>>
      %dma_wait3A_105 = tpu.memref_slice %arg9[%rem3A_100] : memref<8x!tpu.dma_semaphore, #tpu.memory_space<semaphore_mem>> -> memref<1x!tpu.dma_semaphore, #tpu.memory_space<semaphore_mem>>
      %dma_wait3A_106 = tpu.memref_squeeze %dma_wait3A_105 : memref<1x!tpu.dma_semaphore, #tpu.memory_space<semaphore_mem>> -> memref<!tpu.dma_semaphore, #tpu.memory_space<semaphore_mem>>
      tpu.wait_indirect_dma semaphore(%dma_wait3A_106 : memref<!tpu.dma_semaphore, #tpu.memory_space<semaphore_mem>>) src(%arg7 : memref<96xf32, #tpu.memory_space<vmem>>) dst(%dma_wait3A_104 : memref<10240xf32, #tpu.memory_space<vmem_shared>>)
      %add3A_107 = arith.constant 8 : i32
      %add3A_108 = arith.addi %add3A_99, %add3A_107 : i32
      %lt3A = arith.cmpi slt, %add3A_108, %select_n3A : i32
      %convert_element_type3A = arith.extui %lt3A : i1 to i32
      %cond3A = arith.constant 0 : i32
      %cond3A_109 = arith.cmpi ne, %convert_element_type3A, %cond3A : i32
      scf.if %cond3A_109 {
        %dma_start3A_110 = arith.constant 0 : i32
        %dma_start3A_111 = tpu.memref_slice %arg6[%add3A_108, %dma_start3A_110] : memref<168x96xi32, #tpu.memory_space<vmem>> -> memref<1x96xi32, #tpu.memory_space<vmem>>
        %dma_start3A_112 = tpu.memref_squeeze %dma_start3A_111 : memref<1x96xi32, #tpu.memory_space<vmem>> -> memref<96xi32, #tpu.memory_space<vmem>>
        %dma_start3A_113 = arith.constant 0 : i32
        %dma_start3A_114 = tpu.memref_slice %arg8[%dma_start3A_113] : memref<10240xf32, #tpu.memory_space<vmem_shared>> -> memref<10240xf32, #tpu.memory_space<vmem_shared>>
        %dma_start3A_115 = tpu.memref_slice %arg9[%rem3A_100] : memref<8x!tpu.dma_semaphore, #tpu.memory_space<semaphore_mem>> -> memref<1x!tpu.dma_semaphore, #tpu.memory_space<semaphore_mem>>
        %dma_start3A_116 = tpu.memref_squeeze %dma_start3A_115 : memref<1x!tpu.dma_semaphore, #tpu.memory_space<semaphore_mem>> -> memref<!tpu.dma_semaphore, #tpu.memory_space<semaphore_mem>>
        tpu.enqueue_indirect_dma source(%arg7 : memref<96xf32, #tpu.memory_space<vmem>>) target(%dma_start3A_114 : memref<10240xf32, #tpu.memory_space<vmem_shared>>) offsets(%dma_start3A_112 : memref<96xi32, #tpu.memory_space<vmem>>) semaphore(%dma_start3A_116 : memref<!tpu.dma_semaphore, #tpu.memory_space<semaphore_mem>>) {add = true}
      } else {
      }
    }
    %barrier3A_92 = arith.constant 0 : index
    tpu.barrier barrier_id(%barrier3A_92)
    %mul3A_93 = arith.constant 640 : i32
    %mul3A_94 = arith.muli %arg1, %mul3A_93 : i32
    %mul3A_95 = arith.constant 640 : i32
    %mul3A_96 = arith.muli %arg1, %mul3A_95 : i32
    "tpu.region"() ({
      %run_scoped3A = tpu.sem_alloc : memref<!tpu.dma_semaphore, #tpu.memory_space<semaphore_mem>>
      %dma_start3A_97 = tpu.memref_slice %arg5[%arg0, %mul3A_96] : memref<2x10240xf32, #tpu.memory_space<hbm>> -> memref<1x640xf32, #tpu.memory_space<hbm>>
      %dma_start3A_98 = tpu.memref_squeeze %dma_start3A_97 : memref<1x640xf32, #tpu.memory_space<hbm>> -> memref<640xf32, #tpu.memory_space<hbm>>
      %dma_start3A_99 = tpu.memref_slice %arg8[%mul3A_94] : memref<10240xf32, #tpu.memory_space<vmem_shared>> -> memref<640xf32, #tpu.memory_space<vmem_shared>>
      tpu.enqueue_dma source(%dma_start3A_99 : memref<640xf32, #tpu.memory_space<vmem_shared>>) target(%dma_start3A_98 : memref<640xf32, #tpu.memory_space<hbm>>) target_semaphore(%run_scoped3A : memref<!tpu.dma_semaphore, #tpu.memory_space<semaphore_mem>>)
      %dma_wait3A = tpu.memref_slice %arg5[%arg0, %mul3A_96] : memref<2x10240xf32, #tpu.memory_space<hbm>> -> memref<1x640xf32, #tpu.memory_space<hbm>>
      %dma_wait3A_100 = tpu.memref_squeeze %dma_wait3A : memref<1x640xf32, #tpu.memory_space<hbm>> -> memref<640xf32, #tpu.memory_space<hbm>>
      %dma_wait3A_101 = tpu.memref_slice %arg8[%mul3A_94] : memref<10240xf32, #tpu.memory_space<vmem_shared>> -> memref<640xf32, #tpu.memory_space<vmem_shared>>
      tpu.wait_dma2 semaphore(%run_scoped3A : memref<!tpu.dma_semaphore, #tpu.memory_space<semaphore_mem>>) src(%dma_wait3A_101 : memref<640xf32, #tpu.memory_space<vmem_shared>>) dst(%dma_wait3A_100 : memref<640xf32, #tpu.memory_space<hbm>>)
      tpu.yield
    }) : () -> ()
    return
  }
}

#map = affine_map<(d0, d1) -> (0, 0)>
#map1 = affine_map<(d0, d1) -> (0, 0, 0)>
module attributes {stable_mosaic.version = 14 : i64} {
  func.func @k(%arg0: i32, %arg1: i32, %arg2: memref<10000x128xf32, #tpu.memory_space<hbm>>, %arg3: memref<32x168x96xi32, #tpu.memory_space<hbm>>, %arg4: memref<32x168x96xi32, #tpu.memory_space<hbm>>, %arg5: memref<640x128xf32, #tpu.memory_space<hbm>>, %arg6: memref<2x10240x128xf32, #tpu.memory_space<hbm>>, %arg7: memref<6x96xi32, #tpu.memory_space<vmem>>, %arg8: memref<8x96xi32, #tpu.memory_space<vmem>>, %arg9: memref<3x96x128xf32, #tpu.memory_space<vmem>>, %arg10: memref<10240x128xf32, #tpu.memory_space<vmem_shared>>, %arg11: memref<3x!tpu.dma_semaphore, #tpu.memory_space<semaphore_mem>>, %arg12: memref<3x!tpu.dma_semaphore, #tpu.memory_space<semaphore_mem>>, %arg13: memref<6x!tpu.dma_semaphore, #tpu.memory_space<semaphore_mem>>, %arg14: memref<8x!tpu.dma_semaphore, #tpu.memory_space<semaphore_mem>>) attributes {dimension_semantics = [#tpu.dimension_semantics<core_parallel>, #tpu.dimension_semantics<subcore_parallel>], iteration_bounds = array<i64: 2, 16>, scalar_prefetch = 0 : i64, scratch_operands = 8 : i64, tpu.core_type = #tpu.core_type<sc_vector_subcore>, window_params = [{transform_indices = #map}, {transform_indices = #map1}, {transform_indices = #map1}, {transform_indices = #map}, {transform_indices = #map1}]} {
    %mul3A = arith.constant 16 : i32
    %mul3A_0 = arith.muli %arg0, %mul3A : i32
    %add3A = arith.addi %mul3A_0, %arg1 : i32
    %eq3A = arith.constant 0 : i32
    %eq3A_1 = arith.cmpi eq, %arg0, %eq3A : i32
    %jit3A = arith.constant 168 : i32
    %jit3A_2 = arith.constant 42 : i32
    %select_n3A = arith.select %eq3A_1, %jit3A, %jit3A_2 : i32
    %mul3A_3 = arith.constant 640 : i32
    %mul3A_4 = arith.muli %arg1, %mul3A_3 : i32
    "tpu.region"() ({
      %run_scoped3A = tpu.sem_alloc : memref<!tpu.dma_semaphore, #tpu.memory_space<semaphore_mem>>
      %dma_start3A_345 = arith.constant 0 : i32
      %dma_start3A_346 = tpu.memref_slice %arg10[%mul3A_4, %dma_start3A_345] : memref<10240x128xf32, #tpu.memory_space<vmem_shared>> -> memref<640x128xf32, #tpu.memory_space<vmem_shared>>
      tpu.enqueue_dma source(%arg5 : memref<640x128xf32, #tpu.memory_space<hbm>>) target(%dma_start3A_346 : memref<640x128xf32, #tpu.memory_space<vmem_shared>>) target_semaphore(%run_scoped3A : memref<!tpu.dma_semaphore, #tpu.memory_space<semaphore_mem>>)
      %dma_wait3A_347 = arith.constant 0 : i32
      %dma_wait3A_348 = tpu.memref_slice %arg10[%mul3A_4, %dma_wait3A_347] : memref<10240x128xf32, #tpu.memory_space<vmem_shared>> -> memref<640x128xf32, #tpu.memory_space<vmem_shared>>
      tpu.wait_dma2 semaphore(%run_scoped3A : memref<!tpu.dma_semaphore, #tpu.memory_space<semaphore_mem>>) src(%arg5 : memref<640x128xf32, #tpu.memory_space<hbm>>) dst(%dma_wait3A_348 : memref<640x128xf32, #tpu.memory_space<vmem_shared>>)
      tpu.yield
    }) : () -> ()
    %dma_start3A = arith.constant 0 : i32
    %dma_start3A_5 = arith.constant 0 : i32
    %dma_start3A_6 = arith.constant 0 : i32
    %dma_start3A_7 = arith.constant 0 : i32
    %dma_start3A_8 = tpu.memref_slice %arg7[%dma_start3A_5, %dma_start3A_7] : memref<6x96xi32, #tpu.memory_space<vmem>> -> memref<1x96xi32, #tpu.memory_space<vmem>>
    %dma_start3A_9 = tpu.memref_squeeze %dma_start3A_8 : memref<1x96xi32, #tpu.memory_space<vmem>> -> memref<96xi32, #tpu.memory_space<vmem>>
    %dma_start3A_10 = arith.constant 0 : i32
    %dma_start3A_11 = tpu.memref_slice %arg3[%add3A, %dma_start3A, %dma_start3A_10] : memref<32x168x96xi32, #tpu.memory_space<hbm>> -> memref<1x1x96xi32, #tpu.memory_space<hbm>>
    %dma_start3A_12 = tpu.memref_squeeze %dma_start3A_11 : memref<1x1x96xi32, #tpu.memory_space<hbm>> -> memref<96xi32, #tpu.memory_space<hbm>>
    %dma_start3A_13 = tpu.memref_slice %arg13[%dma_start3A_6] : memref<6x!tpu.dma_semaphore, #tpu.memory_space<semaphore_mem>> -> memref<1x!tpu.dma_semaphore, #tpu.memory_space<semaphore_mem>>
    %dma_start3A_14 = tpu.memref_squeeze %dma_start3A_13 : memref<1x!tpu.dma_semaphore, #tpu.memory_space<semaphore_mem>> -> memref<!tpu.dma_semaphore, #tpu.memory_space<semaphore_mem>>
    %dma_start3A_15 = arith.constant 0 : i32
    %dma_start3A_16 = tpu.memref_slice %arg7[%dma_start3A_5, %dma_start3A_15] : memref<6x96xi32, #tpu.memory_space<vmem>> -> memref<1x96xi32, #tpu.memory_space<vmem>>
    %dma_start3A_17 = tpu.memref_squeeze %dma_start3A_16 : memref<1x96xi32, #tpu.memory_space<vmem>> -> memref<96xi32, #tpu.memory_space<vmem>>
    %dma_start3A_18 = arith.constant 0 : i32
    %dma_start3A_19 = tpu.memref_slice %arg3[%add3A, %dma_start3A, %dma_start3A_18] : memref<32x168x96xi32, #tpu.memory_space<hbm>> -> memref<1x1x96xi32, #tpu.memory_space<hbm>>
    %dma_start3A_20 = tpu.memref_squeeze %dma_start3A_19 : memref<1x1x96xi32, #tpu.memory_space<hbm>> -> memref<96xi32, #tpu.memory_space<hbm>>
    tpu.enqueue_dma source(%dma_start3A_20 : memref<96xi32, #tpu.memory_space<hbm>>) target(%dma_start3A_17 : memref<96xi32, #tpu.memory_space<vmem>>) target_semaphore(%dma_start3A_14 : memref<!tpu.dma_semaphore, #tpu.memory_space<semaphore_mem>>)
    %dma_start3A_21 = arith.constant 1 : i32
    %dma_start3A_22 = arith.constant 1 : i32
    %dma_start3A_23 = arith.constant 1 : i32
    %dma_start3A_24 = arith.constant 0 : i32
    %dma_start3A_25 = tpu.memref_slice %arg7[%dma_start3A_22, %dma_start3A_24] : memref<6x96xi32, #tpu.memory_space<vmem>> -> memref<1x96xi32, #tpu.memory_space<vmem>>
    %dma_start3A_26 = tpu.memref_squeeze %dma_start3A_25 : memref<1x96xi32, #tpu.memory_space<vmem>> -> memref<96xi32, #tpu.memory_space<vmem>>
    %dma_start3A_27 = arith.constant 0 : i32
    %dma_start3A_28 = tpu.memref_slice %arg3[%add3A, %dma_start3A_21, %dma_start3A_27] : memref<32x168x96xi32, #tpu.memory_space<hbm>> -> memref<1x1x96xi32, #tpu.memory_space<hbm>>
    %dma_start3A_29 = tpu.memref_squeeze %dma_start3A_28 : memref<1x1x96xi32, #tpu.memory_space<hbm>> -> memref<96xi32, #tpu.memory_space<hbm>>
    %dma_start3A_30 = tpu.memref_slice %arg13[%dma_start3A_23] : memref<6x!tpu.dma_semaphore, #tpu.memory_space<semaphore_mem>> -> memref<1x!tpu.dma_semaphore, #tpu.memory_space<semaphore_mem>>
    %dma_start3A_31 = tpu.memref_squeeze %dma_start3A_30 : memref<1x!tpu.dma_semaphore, #tpu.memory_space<semaphore_mem>> -> memref<!tpu.dma_semaphore, #tpu.memory_space<semaphore_mem>>
    %dma_start3A_32 = arith.constant 0 : i32
    %dma_start3A_33 = tpu.memref_slice %arg7[%dma_start3A_22, %dma_start3A_32] : memref<6x96xi32, #tpu.memory_space<vmem>> -> memref<1x96xi32, #tpu.memory_space<vmem>>
    %dma_start3A_34 = tpu.memref_squeeze %dma_start3A_33 : memref<1x96xi32, #tpu.memory_space<vmem>> -> memref<96xi32, #tpu.memory_space<vmem>>
    %dma_start3A_35 = arith.constant 0 : i32
    %dma_start3A_36 = tpu.memref_slice %arg3[%add3A, %dma_start3A_21, %dma_start3A_35] : memref<32x168x96xi32, #tpu.memory_space<hbm>> -> memref<1x1x96xi32, #tpu.memory_space<hbm>>
    %dma_start3A_37 = tpu.memref_squeeze %dma_start3A_36 : memref<1x1x96xi32, #tpu.memory_space<hbm>> -> memref<96xi32, #tpu.memory_space<hbm>>
    tpu.enqueue_dma source(%dma_start3A_37 : memref<96xi32, #tpu.memory_space<hbm>>) target(%dma_start3A_34 : memref<96xi32, #tpu.memory_space<vmem>>) target_semaphore(%dma_start3A_31 : memref<!tpu.dma_semaphore, #tpu.memory_space<semaphore_mem>>)
    %dma_start3A_38 = arith.constant 2 : i32
    %dma_start3A_39 = arith.constant 2 : i32
    %dma_start3A_40 = arith.constant 2 : i32
    %dma_start3A_41 = arith.constant 0 : i32
    %dma_start3A_42 = tpu.memref_slice %arg7[%dma_start3A_39, %dma_start3A_41] : memref<6x96xi32, #tpu.memory_space<vmem>> -> memref<1x96xi32, #tpu.memory_space<vmem>>
    %dma_start3A_43 = tpu.memref_squeeze %dma_start3A_42 : memref<1x96xi32, #tpu.memory_space<vmem>> -> memref<96xi32, #tpu.memory_space<vmem>>
    %dma_start3A_44 = arith.constant 0 : i32
    %dma_start3A_45 = tpu.memref_slice %arg3[%add3A, %dma_start3A_38, %dma_start3A_44] : memref<32x168x96xi32, #tpu.memory_space<hbm>> -> memref<1x1x96xi32, #tpu.memory_space<hbm>>
    %dma_start3A_46 = tpu.memref_squeeze %dma_start3A_45 : memref<1x1x96xi32, #tpu.memory_space<hbm>> -> memref<96xi32, #tpu.memory_space<hbm>>
    %dma_start3A_47 = tpu.memref_slice %arg13[%dma_start3A_40] : memref<6x!tpu.dma_semaphore, #tpu.memory_space<semaphore_mem>> -> memref<1x!tpu.dma_semaphore, #tpu.memory_space<semaphore_mem>>
    %dma_start3A_48 = tpu.memref_squeeze %dma_start3A_47 : memref<1x!tpu.dma_semaphore, #tpu.memory_space<semaphore_mem>> -> memref<!tpu.dma_semaphore, #tpu.memory_space<semaphore_mem>>
    %dma_start3A_49 = arith.constant 0 : i32
    %dma_start3A_50 = tpu.memref_slice %arg7[%dma_start3A_39, %dma_start3A_49] : memref<6x96xi32, #tpu.memory_space<vmem>> -> memref<1x96xi32, #tpu.memory_space<vmem>>
    %dma_start3A_51 = tpu.memref_squeeze %dma_start3A_50 : memref<1x96xi32, #tpu.memory_space<vmem>> -> memref<96xi32, #tpu.memory_space<vmem>>
    %dma_start3A_52 = arith.constant 0 : i32
    %dma_start3A_53 = tpu.memref_slice %arg3[%add3A, %dma_start3A_38, %dma_start3A_52] : memref<32x168x96xi32, #tpu.memory_space<hbm>> -> memref<1x1x96xi32, #tpu.memory_space<hbm>>
    %dma_start3A_54 = tpu.memref_squeeze %dma_start3A_53 : memref<1x1x96xi32, #tpu.memory_space<hbm>> -> memref<96xi32, #tpu.memory_space<hbm>>
    tpu.enqueue_dma source(%dma_start3A_54 : memref<96xi32, #tpu.memory_space<hbm>>) target(%dma_start3A_51 : memref<96xi32, #tpu.memory_space<vmem>>) target_semaphore(%dma_start3A_48 : memref<!tpu.dma_semaphore, #tpu.memory_space<semaphore_mem>>)
    %dma_start3A_55 = arith.constant 3 : i32
    %dma_start3A_56 = arith.constant 3 : i32
    %dma_start3A_57 = arith.constant 3 : i32
    %dma_start3A_58 = arith.constant 0 : i32
    %dma_start3A_59 = tpu.memref_slice %arg7[%dma_start3A_56, %dma_start3A_58] : memref<6x96xi32, #tpu.memory_space<vmem>> -> memref<1x96xi32, #tpu.memory_space<vmem>>
    %dma_start3A_60 = tpu.memref_squeeze %dma_start3A_59 : memref<1x96xi32, #tpu.memory_space<vmem>> -> memref<96xi32, #tpu.memory_space<vmem>>
    %dma_start3A_61 = arith.constant 0 : i32
    %dma_start3A_62 = tpu.memref_slice %arg3[%add3A, %dma_start3A_55, %dma_start3A_61] : memref<32x168x96xi32, #tpu.memory_space<hbm>> -> memref<1x1x96xi32, #tpu.memory_space<hbm>>
    %dma_start3A_63 = tpu.memref_squeeze %dma_start3A_62 : memref<1x1x96xi32, #tpu.memory_space<hbm>> -> memref<96xi32, #tpu.memory_space<hbm>>
    %dma_start3A_64 = tpu.memref_slice %arg13[%dma_start3A_57] : memref<6x!tpu.dma_semaphore, #tpu.memory_space<semaphore_mem>> -> memref<1x!tpu.dma_semaphore, #tpu.memory_space<semaphore_mem>>
    %dma_start3A_65 = tpu.memref_squeeze %dma_start3A_64 : memref<1x!tpu.dma_semaphore, #tpu.memory_space<semaphore_mem>> -> memref<!tpu.dma_semaphore, #tpu.memory_space<semaphore_mem>>
    %dma_start3A_66 = arith.constant 0 : i32
    %dma_start3A_67 = tpu.memref_slice %arg7[%dma_start3A_56, %dma_start3A_66] : memref<6x96xi32, #tpu.memory_space<vmem>> -> memref<1x96xi32, #tpu.memory_space<vmem>>
    %dma_start3A_68 = tpu.memref_squeeze %dma_start3A_67 : memref<1x96xi32, #tpu.memory_space<vmem>> -> memref<96xi32, #tpu.memory_space<vmem>>
    %dma_start3A_69 = arith.constant 0 : i32
    %dma_start3A_70 = tpu.memref_slice %arg3[%add3A, %dma_start3A_55, %dma_start3A_69] : memref<32x168x96xi32, #tpu.memory_space<hbm>> -> memref<1x1x96xi32, #tpu.memory_space<hbm>>
    %dma_start3A_71 = tpu.memref_squeeze %dma_start3A_70 : memref<1x1x96xi32, #tpu.memory_space<hbm>> -> memref<96xi32, #tpu.memory_space<hbm>>
    tpu.enqueue_dma source(%dma_start3A_71 : memref<96xi32, #tpu.memory_space<hbm>>) target(%dma_start3A_68 : memref<96xi32, #tpu.memory_space<vmem>>) target_semaphore(%dma_start3A_65 : memref<!tpu.dma_semaphore, #tpu.memory_space<semaphore_mem>>)
    %dma_start3A_72 = arith.constant 4 : i32
    %dma_start3A_73 = arith.constant 4 : i32
    %dma_start3A_74 = arith.constant 4 : i32
    %dma_start3A_75 = arith.constant 0 : i32
    %dma_start3A_76 = tpu.memref_slice %arg7[%dma_start3A_73, %dma_start3A_75] : memref<6x96xi32, #tpu.memory_space<vmem>> -> memref<1x96xi32, #tpu.memory_space<vmem>>
    %dma_start3A_77 = tpu.memref_squeeze %dma_start3A_76 : memref<1x96xi32, #tpu.memory_space<vmem>> -> memref<96xi32, #tpu.memory_space<vmem>>
    %dma_start3A_78 = arith.constant 0 : i32
    %dma_start3A_79 = tpu.memref_slice %arg3[%add3A, %dma_start3A_72, %dma_start3A_78] : memref<32x168x96xi32, #tpu.memory_space<hbm>> -> memref<1x1x96xi32, #tpu.memory_space<hbm>>
    %dma_start3A_80 = tpu.memref_squeeze %dma_start3A_79 : memref<1x1x96xi32, #tpu.memory_space<hbm>> -> memref<96xi32, #tpu.memory_space<hbm>>
    %dma_start3A_81 = tpu.memref_slice %arg13[%dma_start3A_74] : memref<6x!tpu.dma_semaphore, #tpu.memory_space<semaphore_mem>> -> memref<1x!tpu.dma_semaphore, #tpu.memory_space<semaphore_mem>>
    %dma_start3A_82 = tpu.memref_squeeze %dma_start3A_81 : memref<1x!tpu.dma_semaphore, #tpu.memory_space<semaphore_mem>> -> memref<!tpu.dma_semaphore, #tpu.memory_space<semaphore_mem>>
    %dma_start3A_83 = arith.constant 0 : i32
    %dma_start3A_84 = tpu.memref_slice %arg7[%dma_start3A_73, %dma_start3A_83] : memref<6x96xi32, #tpu.memory_space<vmem>> -> memref<1x96xi32, #tpu.memory_space<vmem>>
    %dma_start3A_85 = tpu.memref_squeeze %dma_start3A_84 : memref<1x96xi32, #tpu.memory_space<vmem>> -> memref<96xi32, #tpu.memory_space<vmem>>
    %dma_start3A_86 = arith.constant 0 : i32
    %dma_start3A_87 = tpu.memref_slice %arg3[%add3A, %dma_start3A_72, %dma_start3A_86] : memref<32x168x96xi32, #tpu.memory_space<hbm>> -> memref<1x1x96xi32, #tpu.memory_space<hbm>>
    %dma_start3A_88 = tpu.memref_squeeze %dma_start3A_87 : memref<1x1x96xi32, #tpu.memory_space<hbm>> -> memref<96xi32, #tpu.memory_space<hbm>>
    tpu.enqueue_dma source(%dma_start3A_88 : memref<96xi32, #tpu.memory_space<hbm>>) target(%dma_start3A_85 : memref<96xi32, #tpu.memory_space<vmem>>) target_semaphore(%dma_start3A_82 : memref<!tpu.dma_semaphore, #tpu.memory_space<semaphore_mem>>)
    %dma_start3A_89 = arith.constant 5 : i32
    %dma_start3A_90 = arith.constant 5 : i32
    %dma_start3A_91 = arith.constant 5 : i32
    %dma_start3A_92 = arith.constant 0 : i32
    %dma_start3A_93 = tpu.memref_slice %arg7[%dma_start3A_90, %dma_start3A_92] : memref<6x96xi32, #tpu.memory_space<vmem>> -> memref<1x96xi32, #tpu.memory_space<vmem>>
    %dma_start3A_94 = tpu.memref_squeeze %dma_start3A_93 : memref<1x96xi32, #tpu.memory_space<vmem>> -> memref<96xi32, #tpu.memory_space<vmem>>
    %dma_start3A_95 = arith.constant 0 : i32
    %dma_start3A_96 = tpu.memref_slice %arg3[%add3A, %dma_start3A_89, %dma_start3A_95] : memref<32x168x96xi32, #tpu.memory_space<hbm>> -> memref<1x1x96xi32, #tpu.memory_space<hbm>>
    %dma_start3A_97 = tpu.memref_squeeze %dma_start3A_96 : memref<1x1x96xi32, #tpu.memory_space<hbm>> -> memref<96xi32, #tpu.memory_space<hbm>>
    %dma_start3A_98 = tpu.memref_slice %arg13[%dma_start3A_91] : memref<6x!tpu.dma_semaphore, #tpu.memory_space<semaphore_mem>> -> memref<1x!tpu.dma_semaphore, #tpu.memory_space<semaphore_mem>>
    %dma_start3A_99 = tpu.memref_squeeze %dma_start3A_98 : memref<1x!tpu.dma_semaphore, #tpu.memory_space<semaphore_mem>> -> memref<!tpu.dma_semaphore, #tpu.memory_space<semaphore_mem>>
    %dma_start3A_100 = arith.constant 0 : i32
    %dma_start3A_101 = tpu.memref_slice %arg7[%dma_start3A_90, %dma_start3A_100] : memref<6x96xi32, #tpu.memory_space<vmem>> -> memref<1x96xi32, #tpu.memory_space<vmem>>
    %dma_start3A_102 = tpu.memref_squeeze %dma_start3A_101 : memref<1x96xi32, #tpu.memory_space<vmem>> -> memref<96xi32, #tpu.memory_space<vmem>>
    %dma_start3A_103 = arith.constant 0 : i32
    %dma_start3A_104 = tpu.memref_slice %arg3[%add3A, %dma_start3A_89, %dma_start3A_103] : memref<32x168x96xi32, #tpu.memory_space<hbm>> -> memref<1x1x96xi32, #tpu.memory_space<hbm>>
    %dma_start3A_105 = tpu.memref_squeeze %dma_start3A_104 : memref<1x1x96xi32, #tpu.memory_space<hbm>> -> memref<96xi32, #tpu.memory_space<hbm>>
    tpu.enqueue_dma source(%dma_start3A_105 : memref<96xi32, #tpu.memory_space<hbm>>) target(%dma_start3A_102 : memref<96xi32, #tpu.memory_space<vmem>>) target_semaphore(%dma_start3A_99 : memref<!tpu.dma_semaphore, #tpu.memory_space<semaphore_mem>>)
    %dma_start3A_106 = arith.constant 0 : i32
    %dma_start3A_107 = arith.constant 0 : i32
    %dma_start3A_108 = arith.constant 0 : i32
    %dma_start3A_109 = arith.constant 0 : i32
    %dma_start3A_110 = tpu.memref_slice %arg8[%dma_start3A_107, %dma_start3A_109] : memref<8x96xi32, #tpu.memory_space<vmem>> -> memref<1x96xi32, #tpu.memory_space<vmem>>
    %dma_start3A_111 = tpu.memref_squeeze %dma_start3A_110 : memref<1x96xi32, #tpu.memory_space<vmem>> -> memref<96xi32, #tpu.memory_space<vmem>>
    %dma_start3A_112 = arith.constant 0 : i32
    %dma_start3A_113 = tpu.memref_slice %arg4[%add3A, %dma_start3A_106, %dma_start3A_112] : memref<32x168x96xi32, #tpu.memory_space<hbm>> -> memref<1x1x96xi32, #tpu.memory_space<hbm>>
    %dma_start3A_114 = tpu.memref_squeeze %dma_start3A_113 : memref<1x1x96xi32, #tpu.memory_space<hbm>> -> memref<96xi32, #tpu.memory_space<hbm>>
    %dma_start3A_115 = tpu.memref_slice %arg14[%dma_start3A_108] : memref<8x!tpu.dma_semaphore, #tpu.memory_space<semaphore_mem>> -> memref<1x!tpu.dma_semaphore, #tpu.memory_space<semaphore_mem>>
    %dma_start3A_116 = tpu.memref_squeeze %dma_start3A_115 : memref<1x!tpu.dma_semaphore, #tpu.memory_space<semaphore_mem>> -> memref<!tpu.dma_semaphore, #tpu.memory_space<semaphore_mem>>
    %dma_start3A_117 = arith.constant 0 : i32
    %dma_start3A_118 = tpu.memref_slice %arg8[%dma_start3A_107, %dma_start3A_117] : memref<8x96xi32, #tpu.memory_space<vmem>> -> memref<1x96xi32, #tpu.memory_space<vmem>>
    %dma_start3A_119 = tpu.memref_squeeze %dma_start3A_118 : memref<1x96xi32, #tpu.memory_space<vmem>> -> memref<96xi32, #tpu.memory_space<vmem>>
    %dma_start3A_120 = arith.constant 0 : i32
    %dma_start3A_121 = tpu.memref_slice %arg4[%add3A, %dma_start3A_106, %dma_start3A_120] : memref<32x168x96xi32, #tpu.memory_space<hbm>> -> memref<1x1x96xi32, #tpu.memory_space<hbm>>
    %dma_start3A_122 = tpu.memref_squeeze %dma_start3A_121 : memref<1x1x96xi32, #tpu.memory_space<hbm>> -> memref<96xi32, #tpu.memory_space<hbm>>
    tpu.enqueue_dma source(%dma_start3A_122 : memref<96xi32, #tpu.memory_space<hbm>>) target(%dma_start3A_119 : memref<96xi32, #tpu.memory_space<vmem>>) target_semaphore(%dma_start3A_116 : memref<!tpu.dma_semaphore, #tpu.memory_space<semaphore_mem>>)
    %dma_start3A_123 = arith.constant 1 : i32
    %dma_start3A_124 = arith.constant 1 : i32
    %dma_start3A_125 = arith.constant 1 : i32
    %dma_start3A_126 = arith.constant 0 : i32
    %dma_start3A_127 = tpu.memref_slice %arg8[%dma_start3A_124, %dma_start3A_126] : memref<8x96xi32, #tpu.memory_space<vmem>> -> memref<1x96xi32, #tpu.memory_space<vmem>>
    %dma_start3A_128 = tpu.memref_squeeze %dma_start3A_127 : memref<1x96xi32, #tpu.memory_space<vmem>> -> memref<96xi32, #tpu.memory_space<vmem>>
    %dma_start3A_129 = arith.constant 0 : i32
    %dma_start3A_130 = tpu.memref_slice %arg4[%add3A, %dma_start3A_123, %dma_start3A_129] : memref<32x168x96xi32, #tpu.memory_space<hbm>> -> memref<1x1x96xi32, #tpu.memory_space<hbm>>
    %dma_start3A_131 = tpu.memref_squeeze %dma_start3A_130 : memref<1x1x96xi32, #tpu.memory_space<hbm>> -> memref<96xi32, #tpu.memory_space<hbm>>
    %dma_start3A_132 = tpu.memref_slice %arg14[%dma_start3A_125] : memref<8x!tpu.dma_semaphore, #tpu.memory_space<semaphore_mem>> -> memref<1x!tpu.dma_semaphore, #tpu.memory_space<semaphore_mem>>
    %dma_start3A_133 = tpu.memref_squeeze %dma_start3A_132 : memref<1x!tpu.dma_semaphore, #tpu.memory_space<semaphore_mem>> -> memref<!tpu.dma_semaphore, #tpu.memory_space<semaphore_mem>>
    %dma_start3A_134 = arith.constant 0 : i32
    %dma_start3A_135 = tpu.memref_slice %arg8[%dma_start3A_124, %dma_start3A_134] : memref<8x96xi32, #tpu.memory_space<vmem>> -> memref<1x96xi32, #tpu.memory_space<vmem>>
    %dma_start3A_136 = tpu.memref_squeeze %dma_start3A_135 : memref<1x96xi32, #tpu.memory_space<vmem>> -> memref<96xi32, #tpu.memory_space<vmem>>
    %dma_start3A_137 = arith.constant 0 : i32
    %dma_start3A_138 = tpu.memref_slice %arg4[%add3A, %dma_start3A_123, %dma_start3A_137] : memref<32x168x96xi32, #tpu.memory_space<hbm>> -> memref<1x1x96xi32, #tpu.memory_space<hbm>>
    %dma_start3A_139 = tpu.memref_squeeze %dma_start3A_138 : memref<1x1x96xi32, #tpu.memory_space<hbm>> -> memref<96xi32, #tpu.memory_space<hbm>>
    tpu.enqueue_dma source(%dma_start3A_139 : memref<96xi32, #tpu.memory_space<hbm>>) target(%dma_start3A_136 : memref<96xi32, #tpu.memory_space<vmem>>) target_semaphore(%dma_start3A_133 : memref<!tpu.dma_semaphore, #tpu.memory_space<semaphore_mem>>)
    %dma_start3A_140 = arith.constant 2 : i32
    %dma_start3A_141 = arith.constant 2 : i32
    %dma_start3A_142 = arith.constant 2 : i32
    %dma_start3A_143 = arith.constant 0 : i32
    %dma_start3A_144 = tpu.memref_slice %arg8[%dma_start3A_141, %dma_start3A_143] : memref<8x96xi32, #tpu.memory_space<vmem>> -> memref<1x96xi32, #tpu.memory_space<vmem>>
    %dma_start3A_145 = tpu.memref_squeeze %dma_start3A_144 : memref<1x96xi32, #tpu.memory_space<vmem>> -> memref<96xi32, #tpu.memory_space<vmem>>
    %dma_start3A_146 = arith.constant 0 : i32
    %dma_start3A_147 = tpu.memref_slice %arg4[%add3A, %dma_start3A_140, %dma_start3A_146] : memref<32x168x96xi32, #tpu.memory_space<hbm>> -> memref<1x1x96xi32, #tpu.memory_space<hbm>>
    %dma_start3A_148 = tpu.memref_squeeze %dma_start3A_147 : memref<1x1x96xi32, #tpu.memory_space<hbm>> -> memref<96xi32, #tpu.memory_space<hbm>>
    %dma_start3A_149 = tpu.memref_slice %arg14[%dma_start3A_142] : memref<8x!tpu.dma_semaphore, #tpu.memory_space<semaphore_mem>> -> memref<1x!tpu.dma_semaphore, #tpu.memory_space<semaphore_mem>>
    %dma_start3A_150 = tpu.memref_squeeze %dma_start3A_149 : memref<1x!tpu.dma_semaphore, #tpu.memory_space<semaphore_mem>> -> memref<!tpu.dma_semaphore, #tpu.memory_space<semaphore_mem>>
    %dma_start3A_151 = arith.constant 0 : i32
    %dma_start3A_152 = tpu.memref_slice %arg8[%dma_start3A_141, %dma_start3A_151] : memref<8x96xi32, #tpu.memory_space<vmem>> -> memref<1x96xi32, #tpu.memory_space<vmem>>
    %dma_start3A_153 = tpu.memref_squeeze %dma_start3A_152 : memref<1x96xi32, #tpu.memory_space<vmem>> -> memref<96xi32, #tpu.memory_space<vmem>>
    %dma_start3A_154 = arith.constant 0 : i32
    %dma_start3A_155 = tpu.memref_slice %arg4[%add3A, %dma_start3A_140, %dma_start3A_154] : memref<32x168x96xi32, #tpu.memory_space<hbm>> -> memref<1x1x96xi32, #tpu.memory_space<hbm>>
    %dma_start3A_156 = tpu.memref_squeeze %dma_start3A_155 : memref<1x1x96xi32, #tpu.memory_space<hbm>> -> memref<96xi32, #tpu.memory_space<hbm>>
    tpu.enqueue_dma source(%dma_start3A_156 : memref<96xi32, #tpu.memory_space<hbm>>) target(%dma_start3A_153 : memref<96xi32, #tpu.memory_space<vmem>>) target_semaphore(%dma_start3A_150 : memref<!tpu.dma_semaphore, #tpu.memory_space<semaphore_mem>>)
    %dma_start3A_157 = arith.constant 3 : i32
    %dma_start3A_158 = arith.constant 3 : i32
    %dma_start3A_159 = arith.constant 3 : i32
    %dma_start3A_160 = arith.constant 0 : i32
    %dma_start3A_161 = tpu.memref_slice %arg8[%dma_start3A_158, %dma_start3A_160] : memref<8x96xi32, #tpu.memory_space<vmem>> -> memref<1x96xi32, #tpu.memory_space<vmem>>
    %dma_start3A_162 = tpu.memref_squeeze %dma_start3A_161 : memref<1x96xi32, #tpu.memory_space<vmem>> -> memref<96xi32, #tpu.memory_space<vmem>>
    %dma_start3A_163 = arith.constant 0 : i32
    %dma_start3A_164 = tpu.memref_slice %arg4[%add3A, %dma_start3A_157, %dma_start3A_163] : memref<32x168x96xi32, #tpu.memory_space<hbm>> -> memref<1x1x96xi32, #tpu.memory_space<hbm>>
    %dma_start3A_165 = tpu.memref_squeeze %dma_start3A_164 : memref<1x1x96xi32, #tpu.memory_space<hbm>> -> memref<96xi32, #tpu.memory_space<hbm>>
    %dma_start3A_166 = tpu.memref_slice %arg14[%dma_start3A_159] : memref<8x!tpu.dma_semaphore, #tpu.memory_space<semaphore_mem>> -> memref<1x!tpu.dma_semaphore, #tpu.memory_space<semaphore_mem>>
    %dma_start3A_167 = tpu.memref_squeeze %dma_start3A_166 : memref<1x!tpu.dma_semaphore, #tpu.memory_space<semaphore_mem>> -> memref<!tpu.dma_semaphore, #tpu.memory_space<semaphore_mem>>
    %dma_start3A_168 = arith.constant 0 : i32
    %dma_start3A_169 = tpu.memref_slice %arg8[%dma_start3A_158, %dma_start3A_168] : memref<8x96xi32, #tpu.memory_space<vmem>> -> memref<1x96xi32, #tpu.memory_space<vmem>>
    %dma_start3A_170 = tpu.memref_squeeze %dma_start3A_169 : memref<1x96xi32, #tpu.memory_space<vmem>> -> memref<96xi32, #tpu.memory_space<vmem>>
    %dma_start3A_171 = arith.constant 0 : i32
    %dma_start3A_172 = tpu.memref_slice %arg4[%add3A, %dma_start3A_157, %dma_start3A_171] : memref<32x168x96xi32, #tpu.memory_space<hbm>> -> memref<1x1x96xi32, #tpu.memory_space<hbm>>
    %dma_start3A_173 = tpu.memref_squeeze %dma_start3A_172 : memref<1x1x96xi32, #tpu.memory_space<hbm>> -> memref<96xi32, #tpu.memory_space<hbm>>
    tpu.enqueue_dma source(%dma_start3A_173 : memref<96xi32, #tpu.memory_space<hbm>>) target(%dma_start3A_170 : memref<96xi32, #tpu.memory_space<vmem>>) target_semaphore(%dma_start3A_167 : memref<!tpu.dma_semaphore, #tpu.memory_space<semaphore_mem>>)
    %dma_start3A_174 = arith.constant 4 : i32
    %dma_start3A_175 = arith.constant 4 : i32
    %dma_start3A_176 = arith.constant 4 : i32
    %dma_start3A_177 = arith.constant 0 : i32
    %dma_start3A_178 = tpu.memref_slice %arg8[%dma_start3A_175, %dma_start3A_177] : memref<8x96xi32, #tpu.memory_space<vmem>> -> memref<1x96xi32, #tpu.memory_space<vmem>>
    %dma_start3A_179 = tpu.memref_squeeze %dma_start3A_178 : memref<1x96xi32, #tpu.memory_space<vmem>> -> memref<96xi32, #tpu.memory_space<vmem>>
    %dma_start3A_180 = arith.constant 0 : i32
    %dma_start3A_181 = tpu.memref_slice %arg4[%add3A, %dma_start3A_174, %dma_start3A_180] : memref<32x168x96xi32, #tpu.memory_space<hbm>> -> memref<1x1x96xi32, #tpu.memory_space<hbm>>
    %dma_start3A_182 = tpu.memref_squeeze %dma_start3A_181 : memref<1x1x96xi32, #tpu.memory_space<hbm>> -> memref<96xi32, #tpu.memory_space<hbm>>
    %dma_start3A_183 = tpu.memref_slice %arg14[%dma_start3A_176] : memref<8x!tpu.dma_semaphore, #tpu.memory_space<semaphore_mem>> -> memref<1x!tpu.dma_semaphore, #tpu.memory_space<semaphore_mem>>
    %dma_start3A_184 = tpu.memref_squeeze %dma_start3A_183 : memref<1x!tpu.dma_semaphore, #tpu.memory_space<semaphore_mem>> -> memref<!tpu.dma_semaphore, #tpu.memory_space<semaphore_mem>>
    %dma_start3A_185 = arith.constant 0 : i32
    %dma_start3A_186 = tpu.memref_slice %arg8[%dma_start3A_175, %dma_start3A_185] : memref<8x96xi32, #tpu.memory_space<vmem>> -> memref<1x96xi32, #tpu.memory_space<vmem>>
    %dma_start3A_187 = tpu.memref_squeeze %dma_start3A_186 : memref<1x96xi32, #tpu.memory_space<vmem>> -> memref<96xi32, #tpu.memory_space<vmem>>
    %dma_start3A_188 = arith.constant 0 : i32
    %dma_start3A_189 = tpu.memref_slice %arg4[%add3A, %dma_start3A_174, %dma_start3A_188] : memref<32x168x96xi32, #tpu.memory_space<hbm>> -> memref<1x1x96xi32, #tpu.memory_space<hbm>>
    %dma_start3A_190 = tpu.memref_squeeze %dma_start3A_189 : memref<1x1x96xi32, #tpu.memory_space<hbm>> -> memref<96xi32, #tpu.memory_space<hbm>>
    tpu.enqueue_dma source(%dma_start3A_190 : memref<96xi32, #tpu.memory_space<hbm>>) target(%dma_start3A_187 : memref<96xi32, #tpu.memory_space<vmem>>) target_semaphore(%dma_start3A_184 : memref<!tpu.dma_semaphore, #tpu.memory_space<semaphore_mem>>)
    %dma_start3A_191 = arith.constant 5 : i32
    %dma_start3A_192 = arith.constant 5 : i32
    %dma_start3A_193 = arith.constant 5 : i32
    %dma_start3A_194 = arith.constant 0 : i32
    %dma_start3A_195 = tpu.memref_slice %arg8[%dma_start3A_192, %dma_start3A_194] : memref<8x96xi32, #tpu.memory_space<vmem>> -> memref<1x96xi32, #tpu.memory_space<vmem>>
    %dma_start3A_196 = tpu.memref_squeeze %dma_start3A_195 : memref<1x96xi32, #tpu.memory_space<vmem>> -> memref<96xi32, #tpu.memory_space<vmem>>
    %dma_start3A_197 = arith.constant 0 : i32
    %dma_start3A_198 = tpu.memref_slice %arg4[%add3A, %dma_start3A_191, %dma_start3A_197] : memref<32x168x96xi32, #tpu.memory_space<hbm>> -> memref<1x1x96xi32, #tpu.memory_space<hbm>>
    %dma_start3A_199 = tpu.memref_squeeze %dma_start3A_198 : memref<1x1x96xi32, #tpu.memory_space<hbm>> -> memref<96xi32, #tpu.memory_space<hbm>>
    %dma_start3A_200 = tpu.memref_slice %arg14[%dma_start3A_193] : memref<8x!tpu.dma_semaphore, #tpu.memory_space<semaphore_mem>> -> memref<1x!tpu.dma_semaphore, #tpu.memory_space<semaphore_mem>>
    %dma_start3A_201 = tpu.memref_squeeze %dma_start3A_200 : memref<1x!tpu.dma_semaphore, #tpu.memory_space<semaphore_mem>> -> memref<!tpu.dma_semaphore, #tpu.memory_space<semaphore_mem>>
    %dma_start3A_202 = arith.constant 0 : i32
    %dma_start3A_203 = tpu.memref_slice %arg8[%dma_start3A_192, %dma_start3A_202] : memref<8x96xi32, #tpu.memory_space<vmem>> -> memref<1x96xi32, #tpu.memory_space<vmem>>
    %dma_start3A_204 = tpu.memref_squeeze %dma_start3A_203 : memref<1x96xi32, #tpu.memory_space<vmem>> -> memref<96xi32, #tpu.memory_space<vmem>>
    %dma_start3A_205 = arith.constant 0 : i32
    %dma_start3A_206 = tpu.memref_slice %arg4[%add3A, %dma_start3A_191, %dma_start3A_205] : memref<32x168x96xi32, #tpu.memory_space<hbm>> -> memref<1x1x96xi32, #tpu.memory_space<hbm>>
    %dma_start3A_207 = tpu.memref_squeeze %dma_start3A_206 : memref<1x1x96xi32, #tpu.memory_space<hbm>> -> memref<96xi32, #tpu.memory_space<hbm>>
    tpu.enqueue_dma source(%dma_start3A_207 : memref<96xi32, #tpu.memory_space<hbm>>) target(%dma_start3A_204 : memref<96xi32, #tpu.memory_space<vmem>>) target_semaphore(%dma_start3A_201 : memref<!tpu.dma_semaphore, #tpu.memory_space<semaphore_mem>>)
    %dma_start3A_208 = arith.constant 6 : i32
    %dma_start3A_209 = arith.constant 6 : i32
    %dma_start3A_210 = arith.constant 6 : i32
    %dma_start3A_211 = arith.constant 0 : i32
    %dma_start3A_212 = tpu.memref_slice %arg8[%dma_start3A_209, %dma_start3A_211] : memref<8x96xi32, #tpu.memory_space<vmem>> -> memref<1x96xi32, #tpu.memory_space<vmem>>
    %dma_start3A_213 = tpu.memref_squeeze %dma_start3A_212 : memref<1x96xi32, #tpu.memory_space<vmem>> -> memref<96xi32, #tpu.memory_space<vmem>>
    %dma_start3A_214 = arith.constant 0 : i32
    %dma_start3A_215 = tpu.memref_slice %arg4[%add3A, %dma_start3A_208, %dma_start3A_214] : memref<32x168x96xi32, #tpu.memory_space<hbm>> -> memref<1x1x96xi32, #tpu.memory_space<hbm>>
    %dma_start3A_216 = tpu.memref_squeeze %dma_start3A_215 : memref<1x1x96xi32, #tpu.memory_space<hbm>> -> memref<96xi32, #tpu.memory_space<hbm>>
    %dma_start3A_217 = tpu.memref_slice %arg14[%dma_start3A_210] : memref<8x!tpu.dma_semaphore, #tpu.memory_space<semaphore_mem>> -> memref<1x!tpu.dma_semaphore, #tpu.memory_space<semaphore_mem>>
    %dma_start3A_218 = tpu.memref_squeeze %dma_start3A_217 : memref<1x!tpu.dma_semaphore, #tpu.memory_space<semaphore_mem>> -> memref<!tpu.dma_semaphore, #tpu.memory_space<semaphore_mem>>
    %dma_start3A_219 = arith.constant 0 : i32
    %dma_start3A_220 = tpu.memref_slice %arg8[%dma_start3A_209, %dma_start3A_219] : memref<8x96xi32, #tpu.memory_space<vmem>> -> memref<1x96xi32, #tpu.memory_space<vmem>>
    %dma_start3A_221 = tpu.memref_squeeze %dma_start3A_220 : memref<1x96xi32, #tpu.memory_space<vmem>> -> memref<96xi32, #tpu.memory_space<vmem>>
    %dma_start3A_222 = arith.constant 0 : i32
    %dma_start3A_223 = tpu.memref_slice %arg4[%add3A, %dma_start3A_208, %dma_start3A_222] : memref<32x168x96xi32, #tpu.memory_space<hbm>> -> memref<1x1x96xi32, #tpu.memory_space<hbm>>
    %dma_start3A_224 = tpu.memref_squeeze %dma_start3A_223 : memref<1x1x96xi32, #tpu.memory_space<hbm>> -> memref<96xi32, #tpu.memory_space<hbm>>
    tpu.enqueue_dma source(%dma_start3A_224 : memref<96xi32, #tpu.memory_space<hbm>>) target(%dma_start3A_221 : memref<96xi32, #tpu.memory_space<vmem>>) target_semaphore(%dma_start3A_218 : memref<!tpu.dma_semaphore, #tpu.memory_space<semaphore_mem>>)
    %dma_start3A_225 = arith.constant 7 : i32
    %dma_start3A_226 = arith.constant 7 : i32
    %dma_start3A_227 = arith.constant 7 : i32
    %dma_start3A_228 = arith.constant 0 : i32
    %dma_start3A_229 = tpu.memref_slice %arg8[%dma_start3A_226, %dma_start3A_228] : memref<8x96xi32, #tpu.memory_space<vmem>> -> memref<1x96xi32, #tpu.memory_space<vmem>>
    %dma_start3A_230 = tpu.memref_squeeze %dma_start3A_229 : memref<1x96xi32, #tpu.memory_space<vmem>> -> memref<96xi32, #tpu.memory_space<vmem>>
    %dma_start3A_231 = arith.constant 0 : i32
    %dma_start3A_232 = tpu.memref_slice %arg4[%add3A, %dma_start3A_225, %dma_start3A_231] : memref<32x168x96xi32, #tpu.memory_space<hbm>> -> memref<1x1x96xi32, #tpu.memory_space<hbm>>
    %dma_start3A_233 = tpu.memref_squeeze %dma_start3A_232 : memref<1x1x96xi32, #tpu.memory_space<hbm>> -> memref<96xi32, #tpu.memory_space<hbm>>
    %dma_start3A_234 = tpu.memref_slice %arg14[%dma_start3A_227] : memref<8x!tpu.dma_semaphore, #tpu.memory_space<semaphore_mem>> -> memref<1x!tpu.dma_semaphore, #tpu.memory_space<semaphore_mem>>
    %dma_start3A_235 = tpu.memref_squeeze %dma_start3A_234 : memref<1x!tpu.dma_semaphore, #tpu.memory_space<semaphore_mem>> -> memref<!tpu.dma_semaphore, #tpu.memory_space<semaphore_mem>>
    %dma_start3A_236 = arith.constant 0 : i32
    %dma_start3A_237 = tpu.memref_slice %arg8[%dma_start3A_226, %dma_start3A_236] : memref<8x96xi32, #tpu.memory_space<vmem>> -> memref<1x96xi32, #tpu.memory_space<vmem>>
    %dma_start3A_238 = tpu.memref_squeeze %dma_start3A_237 : memref<1x96xi32, #tpu.memory_space<vmem>> -> memref<96xi32, #tpu.memory_space<vmem>>
    %dma_start3A_239 = arith.constant 0 : i32
    %dma_start3A_240 = tpu.memref_slice %arg4[%add3A, %dma_start3A_225, %dma_start3A_239] : memref<32x168x96xi32, #tpu.memory_space<hbm>> -> memref<1x1x96xi32, #tpu.memory_space<hbm>>
    %dma_start3A_241 = tpu.memref_squeeze %dma_start3A_240 : memref<1x1x96xi32, #tpu.memory_space<hbm>> -> memref<96xi32, #tpu.memory_space<hbm>>
    tpu.enqueue_dma source(%dma_start3A_241 : memref<96xi32, #tpu.memory_space<hbm>>) target(%dma_start3A_238 : memref<96xi32, #tpu.memory_space<vmem>>) target_semaphore(%dma_start3A_235 : memref<!tpu.dma_semaphore, #tpu.memory_space<semaphore_mem>>)
    %barrier3A = arith.constant 0 : index
    tpu.barrier barrier_id(%barrier3A)
    %dma_wait3A = arith.constant 0 : i32
    %dma_wait3A_242 = arith.constant 0 : i32
    %dma_wait3A_243 = arith.constant 0 : i32
    %dma_wait3A_244 = arith.constant 0 : i32
    %dma_wait3A_245 = tpu.memref_slice %arg7[%dma_wait3A_242, %dma_wait3A_244] : memref<6x96xi32, #tpu.memory_space<vmem>> -> memref<1x96xi32, #tpu.memory_space<vmem>>
    %dma_wait3A_246 = tpu.memref_squeeze %dma_wait3A_245 : memref<1x96xi32, #tpu.memory_space<vmem>> -> memref<96xi32, #tpu.memory_space<vmem>>
    %dma_wait3A_247 = arith.constant 0 : i32
    %dma_wait3A_248 = tpu.memref_slice %arg3[%add3A, %dma_wait3A, %dma_wait3A_247] : memref<32x168x96xi32, #tpu.memory_space<hbm>> -> memref<1x1x96xi32, #tpu.memory_space<hbm>>
    %dma_wait3A_249 = tpu.memref_squeeze %dma_wait3A_248 : memref<1x1x96xi32, #tpu.memory_space<hbm>> -> memref<96xi32, #tpu.memory_space<hbm>>
    %dma_wait3A_250 = tpu.memref_slice %arg13[%dma_wait3A_243] : memref<6x!tpu.dma_semaphore, #tpu.memory_space<semaphore_mem>> -> memref<1x!tpu.dma_semaphore, #tpu.memory_space<semaphore_mem>>
    %dma_wait3A_251 = tpu.memref_squeeze %dma_wait3A_250 : memref<1x!tpu.dma_semaphore, #tpu.memory_space<semaphore_mem>> -> memref<!tpu.dma_semaphore, #tpu.memory_space<semaphore_mem>>
    %dma_wait3A_252 = arith.constant 0 : i32
    %dma_wait3A_253 = tpu.memref_slice %arg7[%dma_wait3A_242, %dma_wait3A_252] : memref<6x96xi32, #tpu.memory_space<vmem>> -> memref<1x96xi32, #tpu.memory_space<vmem>>
    %dma_wait3A_254 = tpu.memref_squeeze %dma_wait3A_253 : memref<1x96xi32, #tpu.memory_space<vmem>> -> memref<96xi32, #tpu.memory_space<vmem>>
    %dma_wait3A_255 = arith.constant 0 : i32
    %dma_wait3A_256 = tpu.memref_slice %arg3[%add3A, %dma_wait3A, %dma_wait3A_255] : memref<32x168x96xi32, #tpu.memory_space<hbm>> -> memref<1x1x96xi32, #tpu.memory_space<hbm>>
    %dma_wait3A_257 = tpu.memref_squeeze %dma_wait3A_256 : memref<1x1x96xi32, #tpu.memory_space<hbm>> -> memref<96xi32, #tpu.memory_space<hbm>>
    tpu.wait_dma2 semaphore(%dma_wait3A_251 : memref<!tpu.dma_semaphore, #tpu.memory_space<semaphore_mem>>) src(%dma_wait3A_257 : memref<96xi32, #tpu.memory_space<hbm>>) dst(%dma_wait3A_254 : memref<96xi32, #tpu.memory_space<vmem>>)
    %dma_start3A_258 = arith.constant 0 : i32
    %dma_start3A_259 = arith.constant 0 : i32
    %dma_start3A_260 = arith.constant 0 : i32
    %dma_start3A_261 = arith.constant 0 : i32
    %dma_start3A_262 = arith.constant 0 : i32
    %dma_start3A_263 = tpu.memref_slice %arg9[%dma_start3A_259, %dma_start3A_261, %dma_start3A_262] : memref<3x96x128xf32, #tpu.memory_space<vmem>> -> memref<1x96x128xf32, #tpu.memory_space<vmem>>
    %dma_start3A_264 = tpu.memref_squeeze %dma_start3A_263 : memref<1x96x128xf32, #tpu.memory_space<vmem>> -> memref<96x128xf32, #tpu.memory_space<vmem>>
    %dma_start3A_265 = arith.constant 0 : i32
    %dma_start3A_266 = tpu.memref_slice %arg7[%dma_start3A_258, %dma_start3A_265] : memref<6x96xi32, #tpu.memory_space<vmem>> -> memref<1x96xi32, #tpu.memory_space<vmem>>
    %dma_start3A_267 = tpu.memref_squeeze %dma_start3A_266 : memref<1x96xi32, #tpu.memory_space<vmem>> -> memref<96xi32, #tpu.memory_space<vmem>>
    %dma_start3A_268 = arith.constant 0 : i32
    %dma_start3A_269 = arith.constant 0 : i32
    %dma_start3A_270 = tpu.memref_slice %arg2[%dma_start3A_268, %dma_start3A_269] : memref<10000x128xf32, #tpu.memory_space<hbm>> -> memref<10000x128xf32, #tpu.memory_space<hbm>>
    %dma_start3A_271 = tpu.memref_slice %arg11[%dma_start3A_260] : memref<3x!tpu.dma_semaphore, #tpu.memory_space<semaphore_mem>> -> memref<1x!tpu.dma_semaphore, #tpu.memory_space<semaphore_mem>>
    %dma_start3A_272 = tpu.memref_squeeze %dma_start3A_271 : memref<1x!tpu.dma_semaphore, #tpu.memory_space<semaphore_mem>> -> memref<!tpu.dma_semaphore, #tpu.memory_space<semaphore_mem>>
    tpu.enqueue_indirect_dma source(%dma_start3A_270 : memref<10000x128xf32, #tpu.memory_space<hbm>>) target(%dma_start3A_264 : memref<96x128xf32, #tpu.memory_space<vmem>>) offsets(%dma_start3A_267 : memref<96xi32, #tpu.memory_space<vmem>>) semaphore(%dma_start3A_272 : memref<!tpu.dma_semaphore, #tpu.memory_space<semaphore_mem>>)
    %dma_wait3A_273 = arith.constant 1 : i32
    %dma_wait3A_274 = arith.constant 1 : i32
    %dma_wait3A_275 = arith.constant 1 : i32
    %dma_wait3A_276 = arith.constant 0 : i32
    %dma_wait3A_277 = tpu.memref_slice %arg7[%dma_wait3A_274, %dma_wait3A_276] : memref<6x96xi32, #tpu.memory_space<vmem>> -> memref<1x96xi32, #tpu.memory_space<vmem>>
    %dma_wait3A_278 = tpu.memref_squeeze %dma_wait3A_277 : memref<1x96xi32, #tpu.memory_space<vmem>> -> memref<96xi32, #tpu.memory_space<vmem>>
    %dma_wait3A_279 = arith.constant 0 : i32
    %dma_wait3A_280 = tpu.memref_slice %arg3[%add3A, %dma_wait3A_273, %dma_wait3A_279] : memref<32x168x96xi32, #tpu.memory_space<hbm>> -> memref<1x1x96xi32, #tpu.memory_space<hbm>>
    %dma_wait3A_281 = tpu.memref_squeeze %dma_wait3A_280 : memref<1x1x96xi32, #tpu.memory_space<hbm>> -> memref<96xi32, #tpu.memory_space<hbm>>
    %dma_wait3A_282 = tpu.memref_slice %arg13[%dma_wait3A_275] : memref<6x!tpu.dma_semaphore, #tpu.memory_space<semaphore_mem>> -> memref<1x!tpu.dma_semaphore, #tpu.memory_space<semaphore_mem>>
    %dma_wait3A_283 = tpu.memref_squeeze %dma_wait3A_282 : memref<1x!tpu.dma_semaphore, #tpu.memory_space<semaphore_mem>> -> memref<!tpu.dma_semaphore, #tpu.memory_space<semaphore_mem>>
    %dma_wait3A_284 = arith.constant 0 : i32
    %dma_wait3A_285 = tpu.memref_slice %arg7[%dma_wait3A_274, %dma_wait3A_284] : memref<6x96xi32, #tpu.memory_space<vmem>> -> memref<1x96xi32, #tpu.memory_space<vmem>>
    %dma_wait3A_286 = tpu.memref_squeeze %dma_wait3A_285 : memref<1x96xi32, #tpu.memory_space<vmem>> -> memref<96xi32, #tpu.memory_space<vmem>>
    %dma_wait3A_287 = arith.constant 0 : i32
    %dma_wait3A_288 = tpu.memref_slice %arg3[%add3A, %dma_wait3A_273, %dma_wait3A_287] : memref<32x168x96xi32, #tpu.memory_space<hbm>> -> memref<1x1x96xi32, #tpu.memory_space<hbm>>
    %dma_wait3A_289 = tpu.memref_squeeze %dma_wait3A_288 : memref<1x1x96xi32, #tpu.memory_space<hbm>> -> memref<96xi32, #tpu.memory_space<hbm>>
    tpu.wait_dma2 semaphore(%dma_wait3A_283 : memref<!tpu.dma_semaphore, #tpu.memory_space<semaphore_mem>>) src(%dma_wait3A_289 : memref<96xi32, #tpu.memory_space<hbm>>) dst(%dma_wait3A_286 : memref<96xi32, #tpu.memory_space<vmem>>)
    %dma_start3A_290 = arith.constant 1 : i32
    %dma_start3A_291 = arith.constant 1 : i32
    %dma_start3A_292 = arith.constant 1 : i32
    %dma_start3A_293 = arith.constant 0 : i32
    %dma_start3A_294 = arith.constant 0 : i32
    %dma_start3A_295 = tpu.memref_slice %arg9[%dma_start3A_291, %dma_start3A_293, %dma_start3A_294] : memref<3x96x128xf32, #tpu.memory_space<vmem>> -> memref<1x96x128xf32, #tpu.memory_space<vmem>>
    %dma_start3A_296 = tpu.memref_squeeze %dma_start3A_295 : memref<1x96x128xf32, #tpu.memory_space<vmem>> -> memref<96x128xf32, #tpu.memory_space<vmem>>
    %dma_start3A_297 = arith.constant 0 : i32
    %dma_start3A_298 = tpu.memref_slice %arg7[%dma_start3A_290, %dma_start3A_297] : memref<6x96xi32, #tpu.memory_space<vmem>> -> memref<1x96xi32, #tpu.memory_space<vmem>>
    %dma_start3A_299 = tpu.memref_squeeze %dma_start3A_298 : memref<1x96xi32, #tpu.memory_space<vmem>> -> memref<96xi32, #tpu.memory_space<vmem>>
    %dma_start3A_300 = arith.constant 0 : i32
    %dma_start3A_301 = arith.constant 0 : i32
    %dma_start3A_302 = tpu.memref_slice %arg2[%dma_start3A_300, %dma_start3A_301] : memref<10000x128xf32, #tpu.memory_space<hbm>> -> memref<10000x128xf32, #tpu.memory_space<hbm>>
    %dma_start3A_303 = tpu.memref_slice %arg11[%dma_start3A_292] : memref<3x!tpu.dma_semaphore, #tpu.memory_space<semaphore_mem>> -> memref<1x!tpu.dma_semaphore, #tpu.memory_space<semaphore_mem>>
    %dma_start3A_304 = tpu.memref_squeeze %dma_start3A_303 : memref<1x!tpu.dma_semaphore, #tpu.memory_space<semaphore_mem>> -> memref<!tpu.dma_semaphore, #tpu.memory_space<semaphore_mem>>
    tpu.enqueue_indirect_dma source(%dma_start3A_302 : memref<10000x128xf32, #tpu.memory_space<hbm>>) target(%dma_start3A_296 : memref<96x128xf32, #tpu.memory_space<vmem>>) offsets(%dma_start3A_299 : memref<96xi32, #tpu.memory_space<vmem>>) semaphore(%dma_start3A_304 : memref<!tpu.dma_semaphore, #tpu.memory_space<semaphore_mem>>)
    %sub3A = arith.constant 0 : i32
    %sub3A_305 = arith.subi %select_n3A, %sub3A : i32
    %sub3A_306 = arith.constant 1 : i32
    %sub3A_307 = arith.constant 1 : i32
    %sub3A_308 = arith.subi %sub3A_306, %sub3A_307 : i32
    %add3A_309 = arith.addi %sub3A_305, %sub3A_308 : i32
    %div3A = arith.constant 1 : i32
    %div3A_310 = arith.divsi %add3A_309, %div3A : i32
    %while3A = arith.constant 1 : i32
    %while3A_311 = arith.constant 0 : i32
    %while3A_312 = arith.constant 0 : i32
    %while3A_313 = arith.subi %div3A_310, %while3A_312 : i32
    %while3A_314 = arith.addi %while3A_312, %while3A_313 : i32
    %while3A_315 = arith.constant 1 : i32
    %while3A_316 = arith.divsi %while3A_313, %while3A_315 : i32
    %while3A_317 = arith.muli %while3A_316, %while3A_315 : i32
    %while3A_318 = arith.addi %while3A_312, %while3A_317 : i32
    %while3A_319 = arith.constant 1 : i32
    scf.for %while3A_345 = %while3A_312 to %while3A_318 step %while3A_319  : i32 {
      %mul3A_346 = arith.muli %while3A_345, %while3A : i32
      %add3A_347 = arith.addi %while3A_311, %mul3A_346 : i32
      %rem3A_348 = arith.constant 3 : i32
      %rem3A_349 = arith.remsi %add3A_347, %rem3A_348 : i32
      %rem3A_350 = arith.constant 6 : i32
      %rem3A_351 = arith.remsi %add3A_347, %rem3A_350 : i32
      %rem3A_352 = arith.constant 8 : i32
      %rem3A_353 = arith.remsi %add3A_347, %rem3A_352 : i32
      %dma_wait3A_354 = arith.constant 0 : i32
      %dma_wait3A_355 = arith.constant 0 : i32
      %dma_wait3A_356 = tpu.memref_slice %arg9[%rem3A_349, %dma_wait3A_354, %dma_wait3A_355] : memref<3x96x128xf32, #tpu.memory_space<vmem>> -> memref<1x96x128xf32, #tpu.memory_space<vmem>>
      %dma_wait3A_357 = tpu.memref_squeeze %dma_wait3A_356 : memref<1x96x128xf32, #tpu.memory_space<vmem>> -> memref<96x128xf32, #tpu.memory_space<vmem>>
      %dma_wait3A_358 = arith.constant 0 : i32
      %dma_wait3A_359 = tpu.memref_slice %arg7[%rem3A_351, %dma_wait3A_358] : memref<6x96xi32, #tpu.memory_space<vmem>> -> memref<1x96xi32, #tpu.memory_space<vmem>>
      %dma_wait3A_360 = tpu.memref_squeeze %dma_wait3A_359 : memref<1x96xi32, #tpu.memory_space<vmem>> -> memref<96xi32, #tpu.memory_space<vmem>>
      %dma_wait3A_361 = arith.constant 0 : i32
      %dma_wait3A_362 = arith.constant 0 : i32
      %dma_wait3A_363 = tpu.memref_slice %arg2[%dma_wait3A_361, %dma_wait3A_362] : memref<10000x128xf32, #tpu.memory_space<hbm>> -> memref<10000x128xf32, #tpu.memory_space<hbm>>
      %dma_wait3A_364 = tpu.memref_slice %arg11[%rem3A_349] : memref<3x!tpu.dma_semaphore, #tpu.memory_space<semaphore_mem>> -> memref<1x!tpu.dma_semaphore, #tpu.memory_space<semaphore_mem>>
      %dma_wait3A_365 = tpu.memref_squeeze %dma_wait3A_364 : memref<1x!tpu.dma_semaphore, #tpu.memory_space<semaphore_mem>> -> memref<!tpu.dma_semaphore, #tpu.memory_space<semaphore_mem>>
      tpu.wait_indirect_dma semaphore(%dma_wait3A_365 : memref<!tpu.dma_semaphore, #tpu.memory_space<semaphore_mem>>) src(%dma_wait3A_363 : memref<10000x128xf32, #tpu.memory_space<hbm>>) dst(%dma_wait3A_357 : memref<96x128xf32, #tpu.memory_space<vmem>>)
      %sub3A_366 = arith.constant 1 : i32
      %sub3A_367 = arith.subi %add3A_347, %sub3A_366 : i32
      %ge3A = arith.constant 0 : i32
      %ge3A_368 = arith.cmpi sge, %sub3A_367, %ge3A : i32
      %convert_element_type3A = arith.extui %ge3A_368 : i1 to i32
      %cond3A = arith.constant 0 : i32
      %cond3A_369 = arith.cmpi ne, %convert_element_type3A, %cond3A : i32
      scf.if %cond3A_369 {
        %rem3A_409 = arith.constant 3 : i32
        %rem3A_410 = arith.remsi %sub3A_367, %rem3A_409 : i32
        %rem3A_411 = arith.constant 8 : i32
        %rem3A_412 = arith.remsi %sub3A_367, %rem3A_411 : i32
        %dma_wait3A_413 = arith.constant 0 : i32
        %dma_wait3A_414 = arith.constant 0 : i32
        %dma_wait3A_415 = tpu.memref_slice %arg9[%rem3A_410, %dma_wait3A_413, %dma_wait3A_414] : memref<3x96x128xf32, #tpu.memory_space<vmem>> -> memref<1x96x128xf32, #tpu.memory_space<vmem>>
        %dma_wait3A_416 = tpu.memref_squeeze %dma_wait3A_415 : memref<1x96x128xf32, #tpu.memory_space<vmem>> -> memref<96x128xf32, #tpu.memory_space<vmem>>
        %dma_wait3A_417 = arith.constant 0 : i32
        %dma_wait3A_418 = tpu.memref_slice %arg8[%rem3A_412, %dma_wait3A_417] : memref<8x96xi32, #tpu.memory_space<vmem>> -> memref<1x96xi32, #tpu.memory_space<vmem>>
        %dma_wait3A_419 = tpu.memref_squeeze %dma_wait3A_418 : memref<1x96xi32, #tpu.memory_space<vmem>> -> memref<96xi32, #tpu.memory_space<vmem>>
        %dma_wait3A_420 = arith.constant 0 : i32
        %dma_wait3A_421 = arith.constant 0 : i32
        %dma_wait3A_422 = tpu.memref_slice %arg10[%dma_wait3A_420, %dma_wait3A_421] : memref<10240x128xf32, #tpu.memory_space<vmem_shared>> -> memref<10240x128xf32, #tpu.memory_space<vmem_shared>>
        %dma_wait3A_423 = tpu.memref_slice %arg12[%rem3A_410] : memref<3x!tpu.dma_semaphore, #tpu.memory_space<semaphore_mem>> -> memref<1x!tpu.dma_semaphore, #tpu.memory_space<semaphore_mem>>
        %dma_wait3A_424 = tpu.memref_squeeze %dma_wait3A_423 : memref<1x!tpu.dma_semaphore, #tpu.memory_space<semaphore_mem>> -> memref<!tpu.dma_semaphore, #tpu.memory_space<semaphore_mem>>
        tpu.wait_indirect_dma semaphore(%dma_wait3A_424 : memref<!tpu.dma_semaphore, #tpu.memory_space<semaphore_mem>>) src(%dma_wait3A_416 : memref<96x128xf32, #tpu.memory_space<vmem>>) dst(%dma_wait3A_422 : memref<10240x128xf32, #tpu.memory_space<vmem_shared>>)
        %add3A_425 = arith.constant 8 : i32
        %add3A_426 = arith.addi %sub3A_367, %add3A_425 : i32
        %lt3A_427 = arith.cmpi slt, %add3A_426, %select_n3A : i32
        %convert_element_type3A_428 = arith.extui %lt3A_427 : i1 to i32
        %cond3A_429 = arith.constant 0 : i32
        %cond3A_430 = arith.cmpi ne, %convert_element_type3A_428, %cond3A_429 : i32
        scf.if %cond3A_430 {
          %dma_start3A_431 = arith.constant 0 : i32
          %dma_start3A_432 = tpu.memref_slice %arg8[%rem3A_412, %dma_start3A_431] : memref<8x96xi32, #tpu.memory_space<vmem>> -> memref<1x96xi32, #tpu.memory_space<vmem>>
          %dma_start3A_433 = tpu.memref_squeeze %dma_start3A_432 : memref<1x96xi32, #tpu.memory_space<vmem>> -> memref<96xi32, #tpu.memory_space<vmem>>
          %dma_start3A_434 = arith.constant 0 : i32
          %dma_start3A_435 = tpu.memref_slice %arg4[%add3A, %add3A_426, %dma_start3A_434] : memref<32x168x96xi32, #tpu.memory_space<hbm>> -> memref<1x1x96xi32, #tpu.memory_space<hbm>>
          %dma_start3A_436 = tpu.memref_squeeze %dma_start3A_435 : memref<1x1x96xi32, #tpu.memory_space<hbm>> -> memref<96xi32, #tpu.memory_space<hbm>>
          %dma_start3A_437 = tpu.memref_slice %arg14[%rem3A_412] : memref<8x!tpu.dma_semaphore, #tpu.memory_space<semaphore_mem>> -> memref<1x!tpu.dma_semaphore, #tpu.memory_space<semaphore_mem>>
          %dma_start3A_438 = tpu.memref_squeeze %dma_start3A_437 : memref<1x!tpu.dma_semaphore, #tpu.memory_space<semaphore_mem>> -> memref<!tpu.dma_semaphore, #tpu.memory_space<semaphore_mem>>
          %dma_start3A_439 = arith.constant 0 : i32
          %dma_start3A_440 = tpu.memref_slice %arg8[%rem3A_412, %dma_start3A_439] : memref<8x96xi32, #tpu.memory_space<vmem>> -> memref<1x96xi32, #tpu.memory_space<vmem>>
          %dma_start3A_441 = tpu.memref_squeeze %dma_start3A_440 : memref<1x96xi32, #tpu.memory_space<vmem>> -> memref<96xi32, #tpu.memory_space<vmem>>
          %dma_start3A_442 = arith.constant 0 : i32
          %dma_start3A_443 = tpu.memref_slice %arg4[%add3A, %add3A_426, %dma_start3A_442] : memref<32x168x96xi32, #tpu.memory_space<hbm>> -> memref<1x1x96xi32, #tpu.memory_space<hbm>>
          %dma_start3A_444 = tpu.memref_squeeze %dma_start3A_443 : memref<1x1x96xi32, #tpu.memory_space<hbm>> -> memref<96xi32, #tpu.memory_space<hbm>>
          tpu.enqueue_dma source(%dma_start3A_444 : memref<96xi32, #tpu.memory_space<hbm>>) target(%dma_start3A_441 : memref<96xi32, #tpu.memory_space<vmem>>) target_semaphore(%dma_start3A_438 : memref<!tpu.dma_semaphore, #tpu.memory_space<semaphore_mem>>)
        } else {
        }
      } else {
      }
      %dma_wait3A_370 = arith.constant 0 : i32
      %dma_wait3A_371 = tpu.memref_slice %arg8[%rem3A_353, %dma_wait3A_370] : memref<8x96xi32, #tpu.memory_space<vmem>> -> memref<1x96xi32, #tpu.memory_space<vmem>>
      %dma_wait3A_372 = tpu.memref_squeeze %dma_wait3A_371 : memref<1x96xi32, #tpu.memory_space<vmem>> -> memref<96xi32, #tpu.memory_space<vmem>>
      %dma_wait3A_373 = arith.constant 0 : i32
      %dma_wait3A_374 = tpu.memref_slice %arg4[%add3A, %add3A_347, %dma_wait3A_373] : memref<32x168x96xi32, #tpu.memory_space<hbm>> -> memref<1x1x96xi32, #tpu.memory_space<hbm>>
      %dma_wait3A_375 = tpu.memref_squeeze %dma_wait3A_374 : memref<1x1x96xi32, #tpu.memory_space<hbm>> -> memref<96xi32, #tpu.memory_space<hbm>>
      %dma_wait3A_376 = tpu.memref_slice %arg14[%rem3A_353] : memref<8x!tpu.dma_semaphore, #tpu.memory_space<semaphore_mem>> -> memref<1x!tpu.dma_semaphore, #tpu.memory_space<semaphore_mem>>
      %dma_wait3A_377 = tpu.memref_squeeze %dma_wait3A_376 : memref<1x!tpu.dma_semaphore, #tpu.memory_space<semaphore_mem>> -> memref<!tpu.dma_semaphore, #tpu.memory_space<semaphore_mem>>
      %dma_wait3A_378 = arith.constant 0 : i32
      %dma_wait3A_379 = tpu.memref_slice %arg8[%rem3A_353, %dma_wait3A_378] : memref<8x96xi32, #tpu.memory_space<vmem>> -> memref<1x96xi32, #tpu.memory_space<vmem>>
      %dma_wait3A_380 = tpu.memref_squeeze %dma_wait3A_379 : memref<1x96xi32, #tpu.memory_space<vmem>> -> memref<96xi32, #tpu.memory_space<vmem>>
      %dma_wait3A_381 = arith.constant 0 : i32
      %dma_wait3A_382 = tpu.memref_slice %arg4[%add3A, %add3A_347, %dma_wait3A_381] : memref<32x168x96xi32, #tpu.memory_space<hbm>> -> memref<1x1x96xi32, #tpu.memory_space<hbm>>
      %dma_wait3A_383 = tpu.memref_squeeze %dma_wait3A_382 : memref<1x1x96xi32, #tpu.memory_space<hbm>> -> memref<96xi32, #tpu.memory_space<hbm>>
      tpu.wait_dma2 semaphore(%dma_wait3A_377 : memref<!tpu.dma_semaphore, #tpu.memory_space<semaphore_mem>>) src(%dma_wait3A_383 : memref<96xi32, #tpu.memory_space<hbm>>) dst(%dma_wait3A_380 : memref<96xi32, #tpu.memory_space<vmem>>)
      %dma_start3A_384 = arith.constant 0 : i32
      %dma_start3A_385 = arith.constant 0 : i32
      %dma_start3A_386 = tpu.memref_slice %arg9[%rem3A_349, %dma_start3A_384, %dma_start3A_385] : memref<3x96x128xf32, #tpu.memory_space<vmem>> -> memref<1x96x128xf32, #tpu.memory_space<vmem>>
      %dma_start3A_387 = tpu.memref_squeeze %dma_start3A_386 : memref<1x96x128xf32, #tpu.memory_space<vmem>> -> memref<96x128xf32, #tpu.memory_space<vmem>>
      %dma_start3A_388 = arith.constant 0 : i32
      %dma_start3A_389 = tpu.memref_slice %arg8[%rem3A_353, %dma_start3A_388] : memref<8x96xi32, #tpu.memory_space<vmem>> -> memref<1x96xi32, #tpu.memory_space<vmem>>
      %dma_start3A_390 = tpu.memref_squeeze %dma_start3A_389 : memref<1x96xi32, #tpu.memory_space<vmem>> -> memref<96xi32, #tpu.memory_space<vmem>>
      %dma_start3A_391 = arith.constant 0 : i32
      %dma_start3A_392 = arith.constant 0 : i32
      %dma_start3A_393 = tpu.memref_slice %arg10[%dma_start3A_391, %dma_start3A_392] : memref<10240x128xf32, #tpu.memory_space<vmem_shared>> -> memref<10240x128xf32, #tpu.memory_space<vmem_shared>>
      %dma_start3A_394 = tpu.memref_slice %arg12[%rem3A_349] : memref<3x!tpu.dma_semaphore, #tpu.memory_space<semaphore_mem>> -> memref<1x!tpu.dma_semaphore, #tpu.memory_space<semaphore_mem>>
      %dma_start3A_395 = tpu.memref_squeeze %dma_start3A_394 : memref<1x!tpu.dma_semaphore, #tpu.memory_space<semaphore_mem>> -> memref<!tpu.dma_semaphore, #tpu.memory_space<semaphore_mem>>
      tpu.enqueue_indirect_dma source(%dma_start3A_387 : memref<96x128xf32, #tpu.memory_space<vmem>>) target(%dma_start3A_393 : memref<10240x128xf32, #tpu.memory_space<vmem_shared>>) offsets(%dma_start3A_390 : memref<96xi32, #tpu.memory_space<vmem>>) semaphore(%dma_start3A_395 : memref<!tpu.dma_semaphore, #tpu.memory_space<semaphore_mem>>) {add = true}
      %add3A_396 = arith.constant 6 : i32
      %add3A_397 = arith.addi %add3A_347, %add3A_396 : i32
      %lt3A = arith.cmpi slt, %add3A_397, %select_n3A : i32
      %convert_element_type3A_398 = arith.extui %lt3A : i1 to i32
      %cond3A_399 = arith.constant 0 : i32
      %cond3A_400 = arith.cmpi ne, %convert_element_type3A_398, %cond3A_399 : i32
      scf.if %cond3A_400 {
        %dma_start3A_409 = arith.constant 0 : i32
        %dma_start3A_410 = tpu.memref_slice %arg7[%rem3A_351, %dma_start3A_409] : memref<6x96xi32, #tpu.memory_space<vmem>> -> memref<1x96xi32, #tpu.memory_space<vmem>>
        %dma_start3A_411 = tpu.memref_squeeze %dma_start3A_410 : memref<1x96xi32, #tpu.memory_space<vmem>> -> memref<96xi32, #tpu.memory_space<vmem>>
        %dma_start3A_412 = arith.constant 0 : i32
        %dma_start3A_413 = tpu.memref_slice %arg3[%add3A, %add3A_397, %dma_start3A_412] : memref<32x168x96xi32, #tpu.memory_space<hbm>> -> memref<1x1x96xi32, #tpu.memory_space<hbm>>
        %dma_start3A_414 = tpu.memref_squeeze %dma_start3A_413 : memref<1x1x96xi32, #tpu.memory_space<hbm>> -> memref<96xi32, #tpu.memory_space<hbm>>
        %dma_start3A_415 = tpu.memref_slice %arg13[%rem3A_351] : memref<6x!tpu.dma_semaphore, #tpu.memory_space<semaphore_mem>> -> memref<1x!tpu.dma_semaphore, #tpu.memory_space<semaphore_mem>>
        %dma_start3A_416 = tpu.memref_squeeze %dma_start3A_415 : memref<1x!tpu.dma_semaphore, #tpu.memory_space<semaphore_mem>> -> memref<!tpu.dma_semaphore, #tpu.memory_space<semaphore_mem>>
        %dma_start3A_417 = arith.constant 0 : i32
        %dma_start3A_418 = tpu.memref_slice %arg7[%rem3A_351, %dma_start3A_417] : memref<6x96xi32, #tpu.memory_space<vmem>> -> memref<1x96xi32, #tpu.memory_space<vmem>>
        %dma_start3A_419 = tpu.memref_squeeze %dma_start3A_418 : memref<1x96xi32, #tpu.memory_space<vmem>> -> memref<96xi32, #tpu.memory_space<vmem>>
        %dma_start3A_420 = arith.constant 0 : i32
        %dma_start3A_421 = tpu.memref_slice %arg3[%add3A, %add3A_397, %dma_start3A_420] : memref<32x168x96xi32, #tpu.memory_space<hbm>> -> memref<1x1x96xi32, #tpu.memory_space<hbm>>
        %dma_start3A_422 = tpu.memref_squeeze %dma_start3A_421 : memref<1x1x96xi32, #tpu.memory_space<hbm>> -> memref<96xi32, #tpu.memory_space<hbm>>
        tpu.enqueue_dma source(%dma_start3A_422 : memref<96xi32, #tpu.memory_space<hbm>>) target(%dma_start3A_419 : memref<96xi32, #tpu.memory_space<vmem>>) target_semaphore(%dma_start3A_416 : memref<!tpu.dma_semaphore, #tpu.memory_space<semaphore_mem>>)
      } else {
      }
      %add3A_401 = arith.constant 3 : i32
      %add3A_402 = arith.addi %add3A_347, %add3A_401 : i32
      %sub3A_403 = arith.constant 1 : i32
      %sub3A_404 = arith.subi %add3A_402, %sub3A_403 : i32
      %lt3A_405 = arith.cmpi slt, %sub3A_404, %select_n3A : i32
      %convert_element_type3A_406 = arith.extui %lt3A_405 : i1 to i32
      %cond3A_407 = arith.constant 0 : i32
      %cond3A_408 = arith.cmpi ne, %convert_element_type3A_406, %cond3A_407 : i32
      scf.if %cond3A_408 {
        %rem3A_409 = arith.constant 3 : i32
        %rem3A_410 = arith.remsi %sub3A_404, %rem3A_409 : i32
        %rem3A_411 = arith.constant 6 : i32
        %rem3A_412 = arith.remsi %sub3A_404, %rem3A_411 : i32
        %dma_wait3A_413 = arith.constant 0 : i32
        %dma_wait3A_414 = tpu.memref_slice %arg7[%rem3A_412, %dma_wait3A_413] : memref<6x96xi32, #tpu.memory_space<vmem>> -> memref<1x96xi32, #tpu.memory_space<vmem>>
        %dma_wait3A_415 = tpu.memref_squeeze %dma_wait3A_414 : memref<1x96xi32, #tpu.memory_space<vmem>> -> memref<96xi32, #tpu.memory_space<vmem>>
        %dma_wait3A_416 = arith.constant 0 : i32
        %dma_wait3A_417 = tpu.memref_slice %arg3[%add3A, %sub3A_404, %dma_wait3A_416] : memref<32x168x96xi32, #tpu.memory_space<hbm>> -> memref<1x1x96xi32, #tpu.memory_space<hbm>>
        %dma_wait3A_418 = tpu.memref_squeeze %dma_wait3A_417 : memref<1x1x96xi32, #tpu.memory_space<hbm>> -> memref<96xi32, #tpu.memory_space<hbm>>
        %dma_wait3A_419 = tpu.memref_slice %arg13[%rem3A_412] : memref<6x!tpu.dma_semaphore, #tpu.memory_space<semaphore_mem>> -> memref<1x!tpu.dma_semaphore, #tpu.memory_space<semaphore_mem>>
        %dma_wait3A_420 = tpu.memref_squeeze %dma_wait3A_419 : memref<1x!tpu.dma_semaphore, #tpu.memory_space<semaphore_mem>> -> memref<!tpu.dma_semaphore, #tpu.memory_space<semaphore_mem>>
        %dma_wait3A_421 = arith.constant 0 : i32
        %dma_wait3A_422 = tpu.memref_slice %arg7[%rem3A_412, %dma_wait3A_421] : memref<6x96xi32, #tpu.memory_space<vmem>> -> memref<1x96xi32, #tpu.memory_space<vmem>>
        %dma_wait3A_423 = tpu.memref_squeeze %dma_wait3A_422 : memref<1x96xi32, #tpu.memory_space<vmem>> -> memref<96xi32, #tpu.memory_space<vmem>>
        %dma_wait3A_424 = arith.constant 0 : i32
        %dma_wait3A_425 = tpu.memref_slice %arg3[%add3A, %sub3A_404, %dma_wait3A_424] : memref<32x168x96xi32, #tpu.memory_space<hbm>> -> memref<1x1x96xi32, #tpu.memory_space<hbm>>
        %dma_wait3A_426 = tpu.memref_squeeze %dma_wait3A_425 : memref<1x1x96xi32, #tpu.memory_space<hbm>> -> memref<96xi32, #tpu.memory_space<hbm>>
        tpu.wait_dma2 semaphore(%dma_wait3A_420 : memref<!tpu.dma_semaphore, #tpu.memory_space<semaphore_mem>>) src(%dma_wait3A_426 : memref<96xi32, #tpu.memory_space<hbm>>) dst(%dma_wait3A_423 : memref<96xi32, #tpu.memory_space<vmem>>)
        %dma_start3A_427 = arith.constant 0 : i32
        %dma_start3A_428 = arith.constant 0 : i32
        %dma_start3A_429 = tpu.memref_slice %arg9[%rem3A_410, %dma_start3A_427, %dma_start3A_428] : memref<3x96x128xf32, #tpu.memory_space<vmem>> -> memref<1x96x128xf32, #tpu.memory_space<vmem>>
        %dma_start3A_430 = tpu.memref_squeeze %dma_start3A_429 : memref<1x96x128xf32, #tpu.memory_space<vmem>> -> memref<96x128xf32, #tpu.memory_space<vmem>>
        %dma_start3A_431 = arith.constant 0 : i32
        %dma_start3A_432 = tpu.memref_slice %arg7[%rem3A_412, %dma_start3A_431] : memref<6x96xi32, #tpu.memory_space<vmem>> -> memref<1x96xi32, #tpu.memory_space<vmem>>
        %dma_start3A_433 = tpu.memref_squeeze %dma_start3A_432 : memref<1x96xi32, #tpu.memory_space<vmem>> -> memref<96xi32, #tpu.memory_space<vmem>>
        %dma_start3A_434 = arith.constant 0 : i32
        %dma_start3A_435 = arith.constant 0 : i32
        %dma_start3A_436 = tpu.memref_slice %arg2[%dma_start3A_434, %dma_start3A_435] : memref<10000x128xf32, #tpu.memory_space<hbm>> -> memref<10000x128xf32, #tpu.memory_space<hbm>>
        %dma_start3A_437 = tpu.memref_slice %arg11[%rem3A_410] : memref<3x!tpu.dma_semaphore, #tpu.memory_space<semaphore_mem>> -> memref<1x!tpu.dma_semaphore, #tpu.memory_space<semaphore_mem>>
        %dma_start3A_438 = tpu.memref_squeeze %dma_start3A_437 : memref<1x!tpu.dma_semaphore, #tpu.memory_space<semaphore_mem>> -> memref<!tpu.dma_semaphore, #tpu.memory_space<semaphore_mem>>
        tpu.enqueue_indirect_dma source(%dma_start3A_436 : memref<10000x128xf32, #tpu.memory_space<hbm>>) target(%dma_start3A_430 : memref<96x128xf32, #tpu.memory_space<vmem>>) offsets(%dma_start3A_433 : memref<96xi32, #tpu.memory_space<vmem>>) semaphore(%dma_start3A_438 : memref<!tpu.dma_semaphore, #tpu.memory_space<semaphore_mem>>)
      } else {
      }
    }
    %while3A_320 = arith.constant 1 : i32
    scf.for %while3A_345 = %while3A_318 to %while3A_314 step %while3A_320  : i32 {
      %mul3A_346 = arith.muli %while3A_345, %while3A : i32
      %add3A_347 = arith.addi %while3A_311, %mul3A_346 : i32
      %rem3A_348 = arith.constant 3 : i32
      %rem3A_349 = arith.remsi %add3A_347, %rem3A_348 : i32
      %rem3A_350 = arith.constant 6 : i32
      %rem3A_351 = arith.remsi %add3A_347, %rem3A_350 : i32
      %rem3A_352 = arith.constant 8 : i32
      %rem3A_353 = arith.remsi %add3A_347, %rem3A_352 : i32
      %dma_wait3A_354 = arith.constant 0 : i32
      %dma_wait3A_355 = arith.constant 0 : i32
      %dma_wait3A_356 = tpu.memref_slice %arg9[%rem3A_349, %dma_wait3A_354, %dma_wait3A_355] : memref<3x96x128xf32, #tpu.memory_space<vmem>> -> memref<1x96x128xf32, #tpu.memory_space<vmem>>
      %dma_wait3A_357 = tpu.memref_squeeze %dma_wait3A_356 : memref<1x96x128xf32, #tpu.memory_space<vmem>> -> memref<96x128xf32, #tpu.memory_space<vmem>>
      %dma_wait3A_358 = arith.constant 0 : i32
      %dma_wait3A_359 = tpu.memref_slice %arg7[%rem3A_351, %dma_wait3A_358] : memref<6x96xi32, #tpu.memory_space<vmem>> -> memref<1x96xi32, #tpu.memory_space<vmem>>
      %dma_wait3A_360 = tpu.memref_squeeze %dma_wait3A_359 : memref<1x96xi32, #tpu.memory_space<vmem>> -> memref<96xi32, #tpu.memory_space<vmem>>
      %dma_wait3A_361 = arith.constant 0 : i32
      %dma_wait3A_362 = arith.constant 0 : i32
      %dma_wait3A_363 = tpu.memref_slice %arg2[%dma_wait3A_361, %dma_wait3A_362] : memref<10000x128xf32, #tpu.memory_space<hbm>> -> memref<10000x128xf32, #tpu.memory_space<hbm>>
      %dma_wait3A_364 = tpu.memref_slice %arg11[%rem3A_349] : memref<3x!tpu.dma_semaphore, #tpu.memory_space<semaphore_mem>> -> memref<1x!tpu.dma_semaphore, #tpu.memory_space<semaphore_mem>>
      %dma_wait3A_365 = tpu.memref_squeeze %dma_wait3A_364 : memref<1x!tpu.dma_semaphore, #tpu.memory_space<semaphore_mem>> -> memref<!tpu.dma_semaphore, #tpu.memory_space<semaphore_mem>>
      tpu.wait_indirect_dma semaphore(%dma_wait3A_365 : memref<!tpu.dma_semaphore, #tpu.memory_space<semaphore_mem>>) src(%dma_wait3A_363 : memref<10000x128xf32, #tpu.memory_space<hbm>>) dst(%dma_wait3A_357 : memref<96x128xf32, #tpu.memory_space<vmem>>)
      %sub3A_366 = arith.constant 1 : i32
      %sub3A_367 = arith.subi %add3A_347, %sub3A_366 : i32
      %ge3A = arith.constant 0 : i32
      %ge3A_368 = arith.cmpi sge, %sub3A_367, %ge3A : i32
      %convert_element_type3A = arith.extui %ge3A_368 : i1 to i32
      %cond3A = arith.constant 0 : i32
      %cond3A_369 = arith.cmpi ne, %convert_element_type3A, %cond3A : i32
      scf.if %cond3A_369 {
        %rem3A_409 = arith.constant 3 : i32
        %rem3A_410 = arith.remsi %sub3A_367, %rem3A_409 : i32
        %rem3A_411 = arith.constant 8 : i32
        %rem3A_412 = arith.remsi %sub3A_367, %rem3A_411 : i32
        %dma_wait3A_413 = arith.constant 0 : i32
        %dma_wait3A_414 = arith.constant 0 : i32
        %dma_wait3A_415 = tpu.memref_slice %arg9[%rem3A_410, %dma_wait3A_413, %dma_wait3A_414] : memref<3x96x128xf32, #tpu.memory_space<vmem>> -> memref<1x96x128xf32, #tpu.memory_space<vmem>>
        %dma_wait3A_416 = tpu.memref_squeeze %dma_wait3A_415 : memref<1x96x128xf32, #tpu.memory_space<vmem>> -> memref<96x128xf32, #tpu.memory_space<vmem>>
        %dma_wait3A_417 = arith.constant 0 : i32
        %dma_wait3A_418 = tpu.memref_slice %arg8[%rem3A_412, %dma_wait3A_417] : memref<8x96xi32, #tpu.memory_space<vmem>> -> memref<1x96xi32, #tpu.memory_space<vmem>>
        %dma_wait3A_419 = tpu.memref_squeeze %dma_wait3A_418 : memref<1x96xi32, #tpu.memory_space<vmem>> -> memref<96xi32, #tpu.memory_space<vmem>>
        %dma_wait3A_420 = arith.constant 0 : i32
        %dma_wait3A_421 = arith.constant 0 : i32
        %dma_wait3A_422 = tpu.memref_slice %arg10[%dma_wait3A_420, %dma_wait3A_421] : memref<10240x128xf32, #tpu.memory_space<vmem_shared>> -> memref<10240x128xf32, #tpu.memory_space<vmem_shared>>
        %dma_wait3A_423 = tpu.memref_slice %arg12[%rem3A_410] : memref<3x!tpu.dma_semaphore, #tpu.memory_space<semaphore_mem>> -> memref<1x!tpu.dma_semaphore, #tpu.memory_space<semaphore_mem>>
        %dma_wait3A_424 = tpu.memref_squeeze %dma_wait3A_423 : memref<1x!tpu.dma_semaphore, #tpu.memory_space<semaphore_mem>> -> memref<!tpu.dma_semaphore, #tpu.memory_space<semaphore_mem>>
        tpu.wait_indirect_dma semaphore(%dma_wait3A_424 : memref<!tpu.dma_semaphore, #tpu.memory_space<semaphore_mem>>) src(%dma_wait3A_416 : memref<96x128xf32, #tpu.memory_space<vmem>>) dst(%dma_wait3A_422 : memref<10240x128xf32, #tpu.memory_space<vmem_shared>>)
        %add3A_425 = arith.constant 8 : i32
        %add3A_426 = arith.addi %sub3A_367, %add3A_425 : i32
        %lt3A_427 = arith.cmpi slt, %add3A_426, %select_n3A : i32
        %convert_element_type3A_428 = arith.extui %lt3A_427 : i1 to i32
        %cond3A_429 = arith.constant 0 : i32
        %cond3A_430 = arith.cmpi ne, %convert_element_type3A_428, %cond3A_429 : i32
        scf.if %cond3A_430 {
          %dma_start3A_431 = arith.constant 0 : i32
          %dma_start3A_432 = tpu.memref_slice %arg8[%rem3A_412, %dma_start3A_431] : memref<8x96xi32, #tpu.memory_space<vmem>> -> memref<1x96xi32, #tpu.memory_space<vmem>>
          %dma_start3A_433 = tpu.memref_squeeze %dma_start3A_432 : memref<1x96xi32, #tpu.memory_space<vmem>> -> memref<96xi32, #tpu.memory_space<vmem>>
          %dma_start3A_434 = arith.constant 0 : i32
          %dma_start3A_435 = tpu.memref_slice %arg4[%add3A, %add3A_426, %dma_start3A_434] : memref<32x168x96xi32, #tpu.memory_space<hbm>> -> memref<1x1x96xi32, #tpu.memory_space<hbm>>
          %dma_start3A_436 = tpu.memref_squeeze %dma_start3A_435 : memref<1x1x96xi32, #tpu.memory_space<hbm>> -> memref<96xi32, #tpu.memory_space<hbm>>
          %dma_start3A_437 = tpu.memref_slice %arg14[%rem3A_412] : memref<8x!tpu.dma_semaphore, #tpu.memory_space<semaphore_mem>> -> memref<1x!tpu.dma_semaphore, #tpu.memory_space<semaphore_mem>>
          %dma_start3A_438 = tpu.memref_squeeze %dma_start3A_437 : memref<1x!tpu.dma_semaphore, #tpu.memory_space<semaphore_mem>> -> memref<!tpu.dma_semaphore, #tpu.memory_space<semaphore_mem>>
          %dma_start3A_439 = arith.constant 0 : i32
          %dma_start3A_440 = tpu.memref_slice %arg8[%rem3A_412, %dma_start3A_439] : memref<8x96xi32, #tpu.memory_space<vmem>> -> memref<1x96xi32, #tpu.memory_space<vmem>>
          %dma_start3A_441 = tpu.memref_squeeze %dma_start3A_440 : memref<1x96xi32, #tpu.memory_space<vmem>> -> memref<96xi32, #tpu.memory_space<vmem>>
          %dma_start3A_442 = arith.constant 0 : i32
          %dma_start3A_443 = tpu.memref_slice %arg4[%add3A, %add3A_426, %dma_start3A_442] : memref<32x168x96xi32, #tpu.memory_space<hbm>> -> memref<1x1x96xi32, #tpu.memory_space<hbm>>
          %dma_start3A_444 = tpu.memref_squeeze %dma_start3A_443 : memref<1x1x96xi32, #tpu.memory_space<hbm>> -> memref<96xi32, #tpu.memory_space<hbm>>
          tpu.enqueue_dma source(%dma_start3A_444 : memref<96xi32, #tpu.memory_space<hbm>>) target(%dma_start3A_441 : memref<96xi32, #tpu.memory_space<vmem>>) target_semaphore(%dma_start3A_438 : memref<!tpu.dma_semaphore, #tpu.memory_space<semaphore_mem>>)
        } else {
        }
      } else {
      }
      %dma_wait3A_370 = arith.constant 0 : i32
      %dma_wait3A_371 = tpu.memref_slice %arg8[%rem3A_353, %dma_wait3A_370] : memref<8x96xi32, #tpu.memory_space<vmem>> -> memref<1x96xi32, #tpu.memory_space<vmem>>
      %dma_wait3A_372 = tpu.memref_squeeze %dma_wait3A_371 : memref<1x96xi32, #tpu.memory_space<vmem>> -> memref<96xi32, #tpu.memory_space<vmem>>
      %dma_wait3A_373 = arith.constant 0 : i32
      %dma_wait3A_374 = tpu.memref_slice %arg4[%add3A, %add3A_347, %dma_wait3A_373] : memref<32x168x96xi32, #tpu.memory_space<hbm>> -> memref<1x1x96xi32, #tpu.memory_space<hbm>>
      %dma_wait3A_375 = tpu.memref_squeeze %dma_wait3A_374 : memref<1x1x96xi32, #tpu.memory_space<hbm>> -> memref<96xi32, #tpu.memory_space<hbm>>
      %dma_wait3A_376 = tpu.memref_slice %arg14[%rem3A_353] : memref<8x!tpu.dma_semaphore, #tpu.memory_space<semaphore_mem>> -> memref<1x!tpu.dma_semaphore, #tpu.memory_space<semaphore_mem>>
      %dma_wait3A_377 = tpu.memref_squeeze %dma_wait3A_376 : memref<1x!tpu.dma_semaphore, #tpu.memory_space<semaphore_mem>> -> memref<!tpu.dma_semaphore, #tpu.memory_space<semaphore_mem>>
      %dma_wait3A_378 = arith.constant 0 : i32
      %dma_wait3A_379 = tpu.memref_slice %arg8[%rem3A_353, %dma_wait3A_378] : memref<8x96xi32, #tpu.memory_space<vmem>> -> memref<1x96xi32, #tpu.memory_space<vmem>>
      %dma_wait3A_380 = tpu.memref_squeeze %dma_wait3A_379 : memref<1x96xi32, #tpu.memory_space<vmem>> -> memref<96xi32, #tpu.memory_space<vmem>>
      %dma_wait3A_381 = arith.constant 0 : i32
      %dma_wait3A_382 = tpu.memref_slice %arg4[%add3A, %add3A_347, %dma_wait3A_381] : memref<32x168x96xi32, #tpu.memory_space<hbm>> -> memref<1x1x96xi32, #tpu.memory_space<hbm>>
      %dma_wait3A_383 = tpu.memref_squeeze %dma_wait3A_382 : memref<1x1x96xi32, #tpu.memory_space<hbm>> -> memref<96xi32, #tpu.memory_space<hbm>>
      tpu.wait_dma2 semaphore(%dma_wait3A_377 : memref<!tpu.dma_semaphore, #tpu.memory_space<semaphore_mem>>) src(%dma_wait3A_383 : memref<96xi32, #tpu.memory_space<hbm>>) dst(%dma_wait3A_380 : memref<96xi32, #tpu.memory_space<vmem>>)
      %dma_start3A_384 = arith.constant 0 : i32
      %dma_start3A_385 = arith.constant 0 : i32
      %dma_start3A_386 = tpu.memref_slice %arg9[%rem3A_349, %dma_start3A_384, %dma_start3A_385] : memref<3x96x128xf32, #tpu.memory_space<vmem>> -> memref<1x96x128xf32, #tpu.memory_space<vmem>>
      %dma_start3A_387 = tpu.memref_squeeze %dma_start3A_386 : memref<1x96x128xf32, #tpu.memory_space<vmem>> -> memref<96x128xf32, #tpu.memory_space<vmem>>
      %dma_start3A_388 = arith.constant 0 : i32
      %dma_start3A_389 = tpu.memref_slice %arg8[%rem3A_353, %dma_start3A_388] : memref<8x96xi32, #tpu.memory_space<vmem>> -> memref<1x96xi32, #tpu.memory_space<vmem>>
      %dma_start3A_390 = tpu.memref_squeeze %dma_start3A_389 : memref<1x96xi32, #tpu.memory_space<vmem>> -> memref<96xi32, #tpu.memory_space<vmem>>
      %dma_start3A_391 = arith.constant 0 : i32
      %dma_start3A_392 = arith.constant 0 : i32
      %dma_start3A_393 = tpu.memref_slice %arg10[%dma_start3A_391, %dma_start3A_392] : memref<10240x128xf32, #tpu.memory_space<vmem_shared>> -> memref<10240x128xf32, #tpu.memory_space<vmem_shared>>
      %dma_start3A_394 = tpu.memref_slice %arg12[%rem3A_349] : memref<3x!tpu.dma_semaphore, #tpu.memory_space<semaphore_mem>> -> memref<1x!tpu.dma_semaphore, #tpu.memory_space<semaphore_mem>>
      %dma_start3A_395 = tpu.memref_squeeze %dma_start3A_394 : memref<1x!tpu.dma_semaphore, #tpu.memory_space<semaphore_mem>> -> memref<!tpu.dma_semaphore, #tpu.memory_space<semaphore_mem>>
      tpu.enqueue_indirect_dma source(%dma_start3A_387 : memref<96x128xf32, #tpu.memory_space<vmem>>) target(%dma_start3A_393 : memref<10240x128xf32, #tpu.memory_space<vmem_shared>>) offsets(%dma_start3A_390 : memref<96xi32, #tpu.memory_space<vmem>>) semaphore(%dma_start3A_395 : memref<!tpu.dma_semaphore, #tpu.memory_space<semaphore_mem>>) {add = true}
      %add3A_396 = arith.constant 6 : i32
      %add3A_397 = arith.addi %add3A_347, %add3A_396 : i32
      %lt3A = arith.cmpi slt, %add3A_397, %select_n3A : i32
      %convert_element_type3A_398 = arith.extui %lt3A : i1 to i32
      %cond3A_399 = arith.constant 0 : i32
      %cond3A_400 = arith.cmpi ne, %convert_element_type3A_398, %cond3A_399 : i32
      scf.if %cond3A_400 {
        %dma_start3A_409 = arith.constant 0 : i32
        %dma_start3A_410 = tpu.memref_slice %arg7[%rem3A_351, %dma_start3A_409] : memref<6x96xi32, #tpu.memory_space<vmem>> -> memref<1x96xi32, #tpu.memory_space<vmem>>
        %dma_start3A_411 = tpu.memref_squeeze %dma_start3A_410 : memref<1x96xi32, #tpu.memory_space<vmem>> -> memref<96xi32, #tpu.memory_space<vmem>>
        %dma_start3A_412 = arith.constant 0 : i32
        %dma_start3A_413 = tpu.memref_slice %arg3[%add3A, %add3A_397, %dma_start3A_412] : memref<32x168x96xi32, #tpu.memory_space<hbm>> -> memref<1x1x96xi32, #tpu.memory_space<hbm>>
        %dma_start3A_414 = tpu.memref_squeeze %dma_start3A_413 : memref<1x1x96xi32, #tpu.memory_space<hbm>> -> memref<96xi32, #tpu.memory_space<hbm>>
        %dma_start3A_415 = tpu.memref_slice %arg13[%rem3A_351] : memref<6x!tpu.dma_semaphore, #tpu.memory_space<semaphore_mem>> -> memref<1x!tpu.dma_semaphore, #tpu.memory_space<semaphore_mem>>
        %dma_start3A_416 = tpu.memref_squeeze %dma_start3A_415 : memref<1x!tpu.dma_semaphore, #tpu.memory_space<semaphore_mem>> -> memref<!tpu.dma_semaphore, #tpu.memory_space<semaphore_mem>>
        %dma_start3A_417 = arith.constant 0 : i32
        %dma_start3A_418 = tpu.memref_slice %arg7[%rem3A_351, %dma_start3A_417] : memref<6x96xi32, #tpu.memory_space<vmem>> -> memref<1x96xi32, #tpu.memory_space<vmem>>
        %dma_start3A_419 = tpu.memref_squeeze %dma_start3A_418 : memref<1x96xi32, #tpu.memory_space<vmem>> -> memref<96xi32, #tpu.memory_space<vmem>>
        %dma_start3A_420 = arith.constant 0 : i32
        %dma_start3A_421 = tpu.memref_slice %arg3[%add3A, %add3A_397, %dma_start3A_420] : memref<32x168x96xi32, #tpu.memory_space<hbm>> -> memref<1x1x96xi32, #tpu.memory_space<hbm>>
        %dma_start3A_422 = tpu.memref_squeeze %dma_start3A_421 : memref<1x1x96xi32, #tpu.memory_space<hbm>> -> memref<96xi32, #tpu.memory_space<hbm>>
        tpu.enqueue_dma source(%dma_start3A_422 : memref<96xi32, #tpu.memory_space<hbm>>) target(%dma_start3A_419 : memref<96xi32, #tpu.memory_space<vmem>>) target_semaphore(%dma_start3A_416 : memref<!tpu.dma_semaphore, #tpu.memory_space<semaphore_mem>>)
      } else {
      }
      %add3A_401 = arith.constant 3 : i32
      %add3A_402 = arith.addi %add3A_347, %add3A_401 : i32
      %sub3A_403 = arith.constant 1 : i32
      %sub3A_404 = arith.subi %add3A_402, %sub3A_403 : i32
      %lt3A_405 = arith.cmpi slt, %sub3A_404, %select_n3A : i32
      %convert_element_type3A_406 = arith.extui %lt3A_405 : i1 to i32
      %cond3A_407 = arith.constant 0 : i32
      %cond3A_408 = arith.cmpi ne, %convert_element_type3A_406, %cond3A_407 : i32
      scf.if %cond3A_408 {
        %rem3A_409 = arith.constant 3 : i32
        %rem3A_410 = arith.remsi %sub3A_404, %rem3A_409 : i32
        %rem3A_411 = arith.constant 6 : i32
        %rem3A_412 = arith.remsi %sub3A_404, %rem3A_411 : i32
        %dma_wait3A_413 = arith.constant 0 : i32
        %dma_wait3A_414 = tpu.memref_slice %arg7[%rem3A_412, %dma_wait3A_413] : memref<6x96xi32, #tpu.memory_space<vmem>> -> memref<1x96xi32, #tpu.memory_space<vmem>>
        %dma_wait3A_415 = tpu.memref_squeeze %dma_wait3A_414 : memref<1x96xi32, #tpu.memory_space<vmem>> -> memref<96xi32, #tpu.memory_space<vmem>>
        %dma_wait3A_416 = arith.constant 0 : i32
        %dma_wait3A_417 = tpu.memref_slice %arg3[%add3A, %sub3A_404, %dma_wait3A_416] : memref<32x168x96xi32, #tpu.memory_space<hbm>> -> memref<1x1x96xi32, #tpu.memory_space<hbm>>
        %dma_wait3A_418 = tpu.memref_squeeze %dma_wait3A_417 : memref<1x1x96xi32, #tpu.memory_space<hbm>> -> memref<96xi32, #tpu.memory_space<hbm>>
        %dma_wait3A_419 = tpu.memref_slice %arg13[%rem3A_412] : memref<6x!tpu.dma_semaphore, #tpu.memory_space<semaphore_mem>> -> memref<1x!tpu.dma_semaphore, #tpu.memory_space<semaphore_mem>>
        %dma_wait3A_420 = tpu.memref_squeeze %dma_wait3A_419 : memref<1x!tpu.dma_semaphore, #tpu.memory_space<semaphore_mem>> -> memref<!tpu.dma_semaphore, #tpu.memory_space<semaphore_mem>>
        %dma_wait3A_421 = arith.constant 0 : i32
        %dma_wait3A_422 = tpu.memref_slice %arg7[%rem3A_412, %dma_wait3A_421] : memref<6x96xi32, #tpu.memory_space<vmem>> -> memref<1x96xi32, #tpu.memory_space<vmem>>
        %dma_wait3A_423 = tpu.memref_squeeze %dma_wait3A_422 : memref<1x96xi32, #tpu.memory_space<vmem>> -> memref<96xi32, #tpu.memory_space<vmem>>
        %dma_wait3A_424 = arith.constant 0 : i32
        %dma_wait3A_425 = tpu.memref_slice %arg3[%add3A, %sub3A_404, %dma_wait3A_424] : memref<32x168x96xi32, #tpu.memory_space<hbm>> -> memref<1x1x96xi32, #tpu.memory_space<hbm>>
        %dma_wait3A_426 = tpu.memref_squeeze %dma_wait3A_425 : memref<1x1x96xi32, #tpu.memory_space<hbm>> -> memref<96xi32, #tpu.memory_space<hbm>>
        tpu.wait_dma2 semaphore(%dma_wait3A_420 : memref<!tpu.dma_semaphore, #tpu.memory_space<semaphore_mem>>) src(%dma_wait3A_426 : memref<96xi32, #tpu.memory_space<hbm>>) dst(%dma_wait3A_423 : memref<96xi32, #tpu.memory_space<vmem>>)
        %dma_start3A_427 = arith.constant 0 : i32
        %dma_start3A_428 = arith.constant 0 : i32
        %dma_start3A_429 = tpu.memref_slice %arg9[%rem3A_410, %dma_start3A_427, %dma_start3A_428] : memref<3x96x128xf32, #tpu.memory_space<vmem>> -> memref<1x96x128xf32, #tpu.memory_space<vmem>>
        %dma_start3A_430 = tpu.memref_squeeze %dma_start3A_429 : memref<1x96x128xf32, #tpu.memory_space<vmem>> -> memref<96x128xf32, #tpu.memory_space<vmem>>
        %dma_start3A_431 = arith.constant 0 : i32
        %dma_start3A_432 = tpu.memref_slice %arg7[%rem3A_412, %dma_start3A_431] : memref<6x96xi32, #tpu.memory_space<vmem>> -> memref<1x96xi32, #tpu.memory_space<vmem>>
        %dma_start3A_433 = tpu.memref_squeeze %dma_start3A_432 : memref<1x96xi32, #tpu.memory_space<vmem>> -> memref<96xi32, #tpu.memory_space<vmem>>
        %dma_start3A_434 = arith.constant 0 : i32
        %dma_start3A_435 = arith.constant 0 : i32
        %dma_start3A_436 = tpu.memref_slice %arg2[%dma_start3A_434, %dma_start3A_435] : memref<10000x128xf32, #tpu.memory_space<hbm>> -> memref<10000x128xf32, #tpu.memory_space<hbm>>
        %dma_start3A_437 = tpu.memref_slice %arg11[%rem3A_410] : memref<3x!tpu.dma_semaphore, #tpu.memory_space<semaphore_mem>> -> memref<1x!tpu.dma_semaphore, #tpu.memory_space<semaphore_mem>>
        %dma_start3A_438 = tpu.memref_squeeze %dma_start3A_437 : memref<1x!tpu.dma_semaphore, #tpu.memory_space<semaphore_mem>> -> memref<!tpu.dma_semaphore, #tpu.memory_space<semaphore_mem>>
        tpu.enqueue_indirect_dma source(%dma_start3A_436 : memref<10000x128xf32, #tpu.memory_space<hbm>>) target(%dma_start3A_430 : memref<96x128xf32, #tpu.memory_space<vmem>>) offsets(%dma_start3A_433 : memref<96xi32, #tpu.memory_space<vmem>>) semaphore(%dma_start3A_438 : memref<!tpu.dma_semaphore, #tpu.memory_space<semaphore_mem>>)
      } else {
      }
    }
    %sub3A_321 = arith.constant 1 : i32
    %sub3A_322 = arith.subi %select_n3A, %sub3A_321 : i32
    %rem3A = arith.constant 3 : i32
    %rem3A_323 = arith.remsi %sub3A_322, %rem3A : i32
    %rem3A_324 = arith.constant 8 : i32
    %rem3A_325 = arith.remsi %sub3A_322, %rem3A_324 : i32
    %rem3A_326 = arith.constant 3 : i32
    %rem3A_327 = arith.remsi %sub3A_322, %rem3A_326 : i32
    %dma_wait3A_328 = arith.constant 0 : i32
    %dma_wait3A_329 = arith.constant 0 : i32
    %dma_wait3A_330 = tpu.memref_slice %arg9[%rem3A_323, %dma_wait3A_328, %dma_wait3A_329] : memref<3x96x128xf32, #tpu.memory_space<vmem>> -> memref<1x96x128xf32, #tpu.memory_space<vmem>>
    %dma_wait3A_331 = tpu.memref_squeeze %dma_wait3A_330 : memref<1x96x128xf32, #tpu.memory_space<vmem>> -> memref<96x128xf32, #tpu.memory_space<vmem>>
    %dma_wait3A_332 = arith.constant 0 : i32
    %dma_wait3A_333 = tpu.memref_slice %arg8[%rem3A_325, %dma_wait3A_332] : memref<8x96xi32, #tpu.memory_space<vmem>> -> memref<1x96xi32, #tpu.memory_space<vmem>>
    %dma_wait3A_334 = tpu.memref_squeeze %dma_wait3A_333 : memref<1x96xi32, #tpu.memory_space<vmem>> -> memref<96xi32, #tpu.memory_space<vmem>>
    %dma_wait3A_335 = arith.constant 0 : i32
    %dma_wait3A_336 = arith.constant 0 : i32
    %dma_wait3A_337 = tpu.memref_slice %arg10[%dma_wait3A_335, %dma_wait3A_336] : memref<10240x128xf32, #tpu.memory_space<vmem_shared>> -> memref<10240x128xf32, #tpu.memory_space<vmem_shared>>
    %dma_wait3A_338 = tpu.memref_slice %arg12[%rem3A_327] : memref<3x!tpu.dma_semaphore, #tpu.memory_space<semaphore_mem>> -> memref<1x!tpu.dma_semaphore, #tpu.memory_space<semaphore_mem>>
    %dma_wait3A_339 = tpu.memref_squeeze %dma_wait3A_338 : memref<1x!tpu.dma_semaphore, #tpu.memory_space<semaphore_mem>> -> memref<!tpu.dma_semaphore, #tpu.memory_space<semaphore_mem>>
    tpu.wait_indirect_dma semaphore(%dma_wait3A_339 : memref<!tpu.dma_semaphore, #tpu.memory_space<semaphore_mem>>) src(%dma_wait3A_331 : memref<96x128xf32, #tpu.memory_space<vmem>>) dst(%dma_wait3A_337 : memref<10240x128xf32, #tpu.memory_space<vmem_shared>>)
    %barrier3A_340 = arith.constant 0 : index
    tpu.barrier barrier_id(%barrier3A_340)
    %mul3A_341 = arith.constant 640 : i32
    %mul3A_342 = arith.muli %arg1, %mul3A_341 : i32
    %mul3A_343 = arith.constant 640 : i32
    %mul3A_344 = arith.muli %arg1, %mul3A_343 : i32
    "tpu.region"() ({
      %run_scoped3A = tpu.sem_alloc : memref<!tpu.dma_semaphore, #tpu.memory_space<semaphore_mem>>
      %dma_start3A_345 = arith.constant 0 : i32
      %dma_start3A_346 = tpu.memref_slice %arg6[%arg0, %mul3A_344, %dma_start3A_345] : memref<2x10240x128xf32, #tpu.memory_space<hbm>> -> memref<1x640x128xf32, #tpu.memory_space<hbm>>
      %dma_start3A_347 = tpu.memref_squeeze %dma_start3A_346 : memref<1x640x128xf32, #tpu.memory_space<hbm>> -> memref<640x128xf32, #tpu.memory_space<hbm>>
      %dma_start3A_348 = arith.constant 0 : i32
      %dma_start3A_349 = tpu.memref_slice %arg10[%mul3A_342, %dma_start3A_348] : memref<10240x128xf32, #tpu.memory_space<vmem_shared>> -> memref<640x128xf32, #tpu.memory_space<vmem_shared>>
      tpu.enqueue_dma source(%dma_start3A_349 : memref<640x128xf32, #tpu.memory_space<vmem_shared>>) target(%dma_start3A_347 : memref<640x128xf32, #tpu.memory_space<hbm>>) target_semaphore(%run_scoped3A : memref<!tpu.dma_semaphore, #tpu.memory_space<semaphore_mem>>)
      %dma_wait3A_350 = arith.constant 0 : i32
      %dma_wait3A_351 = tpu.memref_slice %arg6[%arg0, %mul3A_344, %dma_wait3A_350] : memref<2x10240x128xf32, #tpu.memory_space<hbm>> -> memref<1x640x128xf32, #tpu.memory_space<hbm>>
      %dma_wait3A_352 = tpu.memref_squeeze %dma_wait3A_351 : memref<1x640x128xf32, #tpu.memory_space<hbm>> -> memref<640x128xf32, #tpu.memory_space<hbm>>
      %dma_wait3A_353 = arith.constant 0 : i32
      %dma_wait3A_354 = tpu.memref_slice %arg10[%mul3A_342, %dma_wait3A_353] : memref<10240x128xf32, #tpu.memory_space<vmem_shared>> -> memref<640x128xf32, #tpu.memory_space<vmem_shared>>
      tpu.wait_dma2 semaphore(%run_scoped3A : memref<!tpu.dma_semaphore, #tpu.memory_space<semaphore_mem>>) src(%dma_wait3A_354 : memref<640x128xf32, #tpu.memory_space<vmem_shared>>) dst(%dma_wait3A_352 : memref<640x128xf32, #tpu.memory_space<hbm>>)
      tpu.yield
    }) : () -> ()
    return
  }
}

module attributes {stable_mosaic.version = 14 : i64} {
  func.func @_tc_first(%arg0: memref<10000x128xf32, #tpu.memory_space<vmem>>, %arg1: memref<128x128xf32, #tpu.memory_space<vmem>>, %arg2: memref<2x10240x1xf32, #tpu.memory_space<vmem>>, %arg3: memref<10000x128xf32, #tpu.memory_space<vmem>>) attributes {dimension_semantics = [], scalar_prefetch = 0 : i64, scratch_operands = 0 : i64, tpu.core_type = #tpu.core_type<tc>} {
    %get3A = arith.constant 0 : index
    %get3A_0 = arith.constant 0 : index
    %get3A_1 = arith.constant 0 : index
    %get3A_2 = vector.load %arg2[%get3A, %get3A_0, %get3A_1] : memref<2x10240x1xf32, #tpu.memory_space<vmem>>, vector<1x10000x1xf32>
    %get3A_3 = vector.shape_cast %get3A_2 : vector<1x10000x1xf32> to vector<10000x1xf32>
    %get3A_4 = arith.constant 1 : index
    %get3A_5 = arith.constant 0 : index
    %get3A_6 = arith.constant 0 : index
    %get3A_7 = vector.load %arg2[%get3A_4, %get3A_5, %get3A_6] : memref<2x10240x1xf32, #tpu.memory_space<vmem>>, vector<1x10000x1xf32>
    %get3A_8 = vector.shape_cast %get3A_7 : vector<1x10000x1xf32> to vector<10000x1xf32>
    %add3A = arith.addf %get3A_3, %get3A_8 : vector<10000x1xf32>
    %add3A_9 = arith.constant 1.000000e+00 : f32
    %add3A_10 = vector.broadcast %add3A_9 : f32 to vector<10000x1xf32>
    %add3A_11 = arith.addf %add3A, %add3A_10 : vector<10000x1xf32>
    %rsqrt3A = math.rsqrt %add3A_11 : vector<10000x1xf32>
    %get3A_12 = arith.constant 0 : index
    %get3A_13 = arith.constant 0 : index
    %get3A_14 = vector.load %arg0[%get3A_12, %get3A_13] : memref<10000x128xf32, #tpu.memory_space<vmem>>, vector<10000x128xf32>
    %get3A_15 = arith.constant 0 : index
    %get3A_16 = arith.constant 0 : index
    %get3A_17 = vector.load %arg1[%get3A_15, %get3A_16] : memref<128x128xf32, #tpu.memory_space<vmem>>, vector<128x128xf32>
    %dot_general3A = arith.constant dense<0.000000e+00> : vector<10000x128xf32>
    %dot_general3A_18 = tpu.matmul %get3A_14, %get3A_17, %dot_general3A {dimension_numbers = #tpu.dot_dimension_numbers<[1], [0], [0], [1], [0, 0, 1, 1], [], []>, transpose_lhs_hint = false} : vector<10000x128xf32>, vector<128x128xf32>, vector<10000x128xf32> -> vector<10000x128xf32>
    %mul3A = vector.broadcast %rsqrt3A : vector<10000x1xf32> to vector<10000x128xf32>
    %mul3A_19 = arith.mulf %dot_general3A_18, %mul3A : vector<10000x128xf32>
    %swap3A = arith.constant 0 : index
    %swap3A_20 = arith.constant 0 : index
    %swap3A_21 = vector.load %arg3[%swap3A, %swap3A_20] : memref<10000x128xf32, #tpu.memory_space<vmem>>, vector<10000x128xf32>
    tpu.vector_store %arg3[%swap3A, %swap3A_20], %mul3A_19 {strides = array<i32>} : memref<10000x128xf32, #tpu.memory_space<vmem>>, vector<10000x128xf32>,
    return
  }
}

module attributes {stable_mosaic.version = 14 : i64} {
  func.func @_tc_mid(%arg0: memref<2x10240x128xf32, #tpu.memory_space<vmem>>, %arg1: memref<10000x128xf32, #tpu.memory_space<vmem>>, %arg2: memref<2x10240x1xf32, #tpu.memory_space<vmem>>, %arg3: memref<1x128xf32, #tpu.memory_space<vmem>>, %arg4: memref<128x128xf32, #tpu.memory_space<vmem>>, %arg5: memref<10000x128xf32, #tpu.memory_space<vmem>>) attributes {dimension_semantics = [], scalar_prefetch = 0 : i64, scratch_operands = 0 : i64, tpu.core_type = #tpu.core_type<tc>} {
    %get3A = arith.constant 0 : index
    %get3A_0 = arith.constant 0 : index
    %get3A_1 = arith.constant 0 : index
    %get3A_2 = vector.load %arg2[%get3A, %get3A_0, %get3A_1] : memref<2x10240x1xf32, #tpu.memory_space<vmem>>, vector<1x10000x1xf32>
    %get3A_3 = vector.shape_cast %get3A_2 : vector<1x10000x1xf32> to vector<10000x1xf32>
    %get3A_4 = arith.constant 1 : index
    %get3A_5 = arith.constant 0 : index
    %get3A_6 = arith.constant 0 : index
    %get3A_7 = vector.load %arg2[%get3A_4, %get3A_5, %get3A_6] : memref<2x10240x1xf32, #tpu.memory_space<vmem>>, vector<1x10000x1xf32>
    %get3A_8 = vector.shape_cast %get3A_7 : vector<1x10000x1xf32> to vector<10000x1xf32>
    %add3A = arith.addf %get3A_3, %get3A_8 : vector<10000x1xf32>
    %add3A_9 = arith.constant 1.000000e+00 : f32
    %add3A_10 = vector.broadcast %add3A_9 : f32 to vector<10000x1xf32>
    %add3A_11 = arith.addf %add3A, %add3A_10 : vector<10000x1xf32>
    %rsqrt3A = math.rsqrt %add3A_11 : vector<10000x1xf32>
    %get3A_12 = arith.constant 0 : index
    %get3A_13 = arith.constant 0 : index
    %get3A_14 = arith.constant 0 : index
    %get3A_15 = vector.load %arg0[%get3A_12, %get3A_13, %get3A_14] : memref<2x10240x128xf32, #tpu.memory_space<vmem>>, vector<1x10000x128xf32>
    %get3A_16 = vector.shape_cast %get3A_15 : vector<1x10000x128xf32> to vector<10000x128xf32>
    %get3A_17 = arith.constant 1 : index
    %get3A_18 = arith.constant 0 : index
    %get3A_19 = arith.constant 0 : index
    %get3A_20 = vector.load %arg0[%get3A_17, %get3A_18, %get3A_19] : memref<2x10240x128xf32, #tpu.memory_space<vmem>>, vector<1x10000x128xf32>
    %get3A_21 = vector.shape_cast %get3A_20 : vector<1x10000x128xf32> to vector<10000x128xf32>
    %add3A_22 = arith.addf %get3A_16, %get3A_21 : vector<10000x128xf32>
    %get3A_23 = arith.constant 0 : index
    %get3A_24 = arith.constant 0 : index
    %get3A_25 = vector.load %arg1[%get3A_23, %get3A_24] : memref<10000x128xf32, #tpu.memory_space<vmem>>, vector<10000x128xf32>
    %add3A_26 = arith.addf %add3A_22, %get3A_25 : vector<10000x128xf32>
    %mul3A = vector.broadcast %rsqrt3A : vector<10000x1xf32> to vector<10000x128xf32>
    %mul3A_27 = arith.mulf %add3A_26, %mul3A : vector<10000x128xf32>
    %get3A_28 = arith.constant 0 : index
    %get3A_29 = arith.constant 0 : index
    %get3A_30 = vector.load %arg3[%get3A_28, %get3A_29] : memref<1x128xf32, #tpu.memory_space<vmem>>, vector<1x128xf32>
    %add3A_31 = vector.broadcast %get3A_30 : vector<1x128xf32> to vector<10000x128xf32>
    %add3A_32 = arith.addf %mul3A_27, %add3A_31 : vector<10000x128xf32>
    %max3A = arith.constant 0.000000e+00 : f32
    %max3A_33 = vector.broadcast %max3A : f32 to vector<10000x128xf32>
    %max3A_34 = arith.maximumf %add3A_32, %max3A_33 : vector<10000x128xf32>
    %get3A_35 = arith.constant 0 : index
    %get3A_36 = arith.constant 0 : index
    %get3A_37 = vector.load %arg4[%get3A_35, %get3A_36] : memref<128x128xf32, #tpu.memory_space<vmem>>, vector<128x128xf32>
    %dot_general3A = arith.constant dense<0.000000e+00> : vector<10000x128xf32>
    %dot_general3A_38 = tpu.matmul %max3A_34, %get3A_37, %dot_general3A {dimension_numbers = #tpu.dot_dimension_numbers<[1], [0], [0], [1], [0, 0, 1, 1], [], []>, transpose_lhs_hint = false} : vector<10000x128xf32>, vector<128x128xf32>, vector<10000x128xf32> -> vector<10000x128xf32>
    %mul3A_39 = vector.broadcast %rsqrt3A : vector<10000x1xf32> to vector<10000x128xf32>
    %mul3A_40 = arith.mulf %dot_general3A_38, %mul3A_39 : vector<10000x128xf32>
    %swap3A = arith.constant 0 : index
    %swap3A_41 = arith.constant 0 : index
    %swap3A_42 = vector.load %arg5[%swap3A, %swap3A_41] : memref<10000x128xf32, #tpu.memory_space<vmem>>, vector<10000x128xf32>
    tpu.vector_store %arg5[%swap3A, %swap3A_41], %mul3A_40 {strides = array<i32>} : memref<10000x128xf32, #tpu.memory_space<vmem>>, vector<10000x128xf32>,
    return
  }
}

module attributes {stable_mosaic.version = 14 : i64} {
  func.func @_tc_last(%arg0: memref<2x10240x128xf32, #tpu.memory_space<vmem>>, %arg1: memref<10000x128xf32, #tpu.memory_space<vmem>>, %arg2: memref<2x10240x1xf32, #tpu.memory_space<vmem>>, %arg3: memref<1x128xf32, #tpu.memory_space<vmem>>, %arg4: memref<1x10000xi32, #tpu.memory_space<vmem>>, %arg5: memref<64x128xf32, #tpu.memory_space<vmem>>) attributes {dimension_semantics = [], scalar_prefetch = 0 : i64, scratch_operands = 0 : i64, tpu.core_type = #tpu.core_type<tc>} {
    %get3A = arith.constant 0 : index
    %get3A_0 = arith.constant 0 : index
    %get3A_1 = arith.constant 0 : index
    %get3A_2 = vector.load %arg2[%get3A, %get3A_0, %get3A_1] : memref<2x10240x1xf32, #tpu.memory_space<vmem>>, vector<1x10000x1xf32>
    %get3A_3 = vector.shape_cast %get3A_2 : vector<1x10000x1xf32> to vector<10000x1xf32>
    %get3A_4 = arith.constant 1 : index
    %get3A_5 = arith.constant 0 : index
    %get3A_6 = arith.constant 0 : index
    %get3A_7 = vector.load %arg2[%get3A_4, %get3A_5, %get3A_6] : memref<2x10240x1xf32, #tpu.memory_space<vmem>>, vector<1x10000x1xf32>
    %get3A_8 = vector.shape_cast %get3A_7 : vector<1x10000x1xf32> to vector<10000x1xf32>
    %add3A = arith.addf %get3A_3, %get3A_8 : vector<10000x1xf32>
    %add3A_9 = arith.constant 1.000000e+00 : f32
    %add3A_10 = vector.broadcast %add3A_9 : f32 to vector<10000x1xf32>
    %add3A_11 = arith.addf %add3A, %add3A_10 : vector<10000x1xf32>
    %rsqrt3A = math.rsqrt %add3A_11 : vector<10000x1xf32>
    %get3A_12 = arith.constant 0 : index
    %get3A_13 = arith.constant 0 : index
    %get3A_14 = arith.constant 0 : index
    %get3A_15 = vector.load %arg0[%get3A_12, %get3A_13, %get3A_14] : memref<2x10240x128xf32, #tpu.memory_space<vmem>>, vector<1x10000x128xf32>
    %get3A_16 = vector.shape_cast %get3A_15 : vector<1x10000x128xf32> to vector<10000x128xf32>
    %get3A_17 = arith.constant 1 : index
    %get3A_18 = arith.constant 0 : index
    %get3A_19 = arith.constant 0 : index
    %get3A_20 = vector.load %arg0[%get3A_17, %get3A_18, %get3A_19] : memref<2x10240x128xf32, #tpu.memory_space<vmem>>, vector<1x10000x128xf32>
    %get3A_21 = vector.shape_cast %get3A_20 : vector<1x10000x128xf32> to vector<10000x128xf32>
    %add3A_22 = arith.addf %get3A_16, %get3A_21 : vector<10000x128xf32>
    %get3A_23 = arith.constant 0 : index
    %get3A_24 = arith.constant 0 : index
    %get3A_25 = vector.load %arg1[%get3A_23, %get3A_24] : memref<10000x128xf32, #tpu.memory_space<vmem>>, vector<10000x128xf32>
    %add3A_26 = arith.addf %add3A_22, %get3A_25 : vector<10000x128xf32>
    %mul3A = vector.broadcast %rsqrt3A : vector<10000x1xf32> to vector<10000x128xf32>
    %mul3A_27 = arith.mulf %add3A_26, %mul3A : vector<10000x128xf32>
    %get3A_28 = arith.constant 0 : index
    %get3A_29 = arith.constant 0 : index
    %get3A_30 = vector.load %arg3[%get3A_28, %get3A_29] : memref<1x128xf32, #tpu.memory_space<vmem>>, vector<1x128xf32>
    %add3A_31 = vector.broadcast %get3A_30 : vector<1x128xf32> to vector<10000x128xf32>
    %add3A_32 = arith.addf %mul3A_27, %add3A_31 : vector<10000x128xf32>
    %iota3A = tpu.iota {dimensions = array<i32: 0>} : vector<64x10000xi32>
    %get3A_33 = arith.constant 0 : index
    %get3A_34 = arith.constant 0 : index
    %get3A_35 = vector.load %arg4[%get3A_33, %get3A_34] : memref<1x10000xi32, #tpu.memory_space<vmem>>, vector<1x10000xi32>
    %eq3A = vector.broadcast %get3A_35 : vector<1x10000xi32> to vector<64x10000xi32>
    %eq3A_36 = arith.cmpi eq, %iota3A, %eq3A : vector<64x10000xi32>
    %convert_element_type3A = arith.extui %eq3A_36 : vector<64x10000xi1> to vector<64x10000xi32>
    %convert_element_type3A_37 = arith.sitofp %convert_element_type3A : vector<64x10000xi32> to vector<64x10000xf32>
    %dot_general3A = arith.constant dense<0.000000e+00> : vector<64x128xf32>
    %dot_general3A_38 = tpu.matmul %convert_element_type3A_37, %add3A_32, %dot_general3A {dimension_numbers = #tpu.dot_dimension_numbers<[1], [0], [0], [1], [0, 0, 1, 1], [], []>, transpose_lhs_hint = false} : vector<64x10000xf32>, vector<10000x128xf32>, vector<64x128xf32> -> vector<64x128xf32>
    %reduce_sum3A = arith.constant dense<0.000000e+00> : vector<64xf32>
    %reduce_sum3A_39 = vector.multi_reduction <add>, %convert_element_type3A_37, %reduce_sum3A [1] : vector<64x10000xf32> to vector<64xf32>
    %broadcast_in_dim3A = vector.shape_cast %reduce_sum3A_39 : vector<64xf32> to vector<64x1xf32>
    %max3A = arith.constant 1.000000e+00 : f32
    %max3A_40 = vector.broadcast %max3A : f32 to vector<64x1xf32>
    %max3A_41 = arith.maximumf %broadcast_in_dim3A, %max3A_40 : vector<64x1xf32>
    %div3A = vector.broadcast %max3A_41 : vector<64x1xf32> to vector<64x128xf32>
    %div3A_42 = arith.divf %dot_general3A_38, %div3A : vector<64x128xf32>
    %swap3A = arith.constant 0 : index
    %swap3A_43 = arith.constant 0 : index
    %swap3A_44 = vector.load %arg5[%swap3A, %swap3A_43] : memref<64x128xf32, #tpu.memory_space<vmem>>, vector<64x128xf32>
    tpu.vector_store %arg5[%swap3A, %swap3A_43], %div3A_42 {strides = array<i32>} : memref<64x128xf32, #tpu.memory_space<vmem>>, vector<64x128xf32>,
    return
  }
}

</mosaic_0001>

<sc_bundles>
// kernel: kernel.11.cloned.1.call-start
scs
__scs_entry_jumppad:
0x0: {  	(pc) =	sbr.rel $0x88, $3  }
0x1: {  	(tag) =	ssettag $0x0;
	lr =	simm.s32 $0x1  }
0x2: {  	[smem:$0x3F9A] =	sst lr;
	_ =	strace $0xD0000000  }
0x3: {  	_ = 	snop  }
0x4: {  	_ = 	snop  }
0x5: {  	_ = 	snop  }
0x6: {  	_ = 	snop  }
0x7: {  	_ = 	snop  }
__scs_overlays_trampoline_lowered:
0x8: {  	[smem:$0x3FA9] =	sst s0  }
0x9: {  	[smem:$0x3FAA] =	sst s1  }
0xa: {  	[smem:$0x3FAB] =	sst s2  }
0xb: {  	[smem:$0x3FAC] =	sst s3  }
0xc: {  	[smem:$0x3FAD] =	sst s4  }
0xd: {  	[smem:$0x3FAE] =	sst s5  }
0xe: {  	[smem:$0x3FAF] =	sst s6  }
0xf: {  	[smem:$0x3FB0] =	sst s7  }
0x10: {  	[smem:$0x3FB1] =	sst s8  }
0x11: {  	[smem:$0x3FB2] =	sst s9;
	s0 =	simm.s32 @!p0 $0x0  }
0x12: {  	s1 =	sld [smem:$0x3F98];
	s0 =	simm.s32 @p0 $0x1  }
0x13: {  	[smem:$0x3FB3] =	sst s0;
	s0 =	simm.s32 @!p1 $0x0  }
0x14: {  	s2 =	sld [smem:$0x3F97];
	s0 =	simm.s32 @p1 $0x1  }
0x15: {  	[smem:$0x3FB4] =	sst s0;
	s0 =	simm.s32 @!p2 $0x0  }
0x16: {  	s3 =	sld [smem:$0x3FDB];
	s0 =	simm.s32 @p2 $0x1  }
0x17: {  	s4 =	simm.s32 $0x1BF5;
	[smem:$0x3FB6] =	sst s0  }
0x18: {  	s0 =	sld [smem:$0x3F99];
	_ =	swait.ge [sflag:s4], $0x0  }
0x19: {  	s7 =	sld [smem:$0x3F9A]  }
0x1a: {  	s8 =	sadd.s32 $0xFFFFE003, lr  }
0x1b: {  	s9 =	sadd.s32 $0xFFFFFEF7, lr;
	s5 =	simm.s32 $0xFFFFFFFF;
	p2 =	slt.u32 s8, $0xFFFFF086  }
0x1c: {  	p1 =	slt.u32 s9, $0xF7A;
	s5 =	simm.s32 @!p2 $0x0  }
0x1d: {  	s5 =	simm.s32 @p1 $0x1;
	p0 =	seq.s32 s7, s2  }
0x1e: {  	s7 =	smul.u32 @!p0 $0xF7A, s2;
	p2 =	seq.s32 @!p0 s5, $0x0  }
0x1f: {  	s9 =	smul.u32 $0xF7A, s1;
	s8 =	simm.s32 @!p0 $0x1BF5;
	p2 =	por !p2, p0  }
0x20: {  	[sflag:s8] =	ssyncset.s32 @!p0 $0xFFFFF086;
	s6 =	sadd.s32 @!p0 s3, s7;
	s7 =	simm.s32 @!p0 $0x108  }
0x21: {  	s3 =	sadd.s32 s3, s9;
	s6 =	sadd.s32 @!p0 $0x88, s6;
	s7 =	simm.s32 @p2 $0x1082  }
0x22: {  	[simem:s7], [sflag:s8] =	dma.local @!p0 [hbm:s6], $0xF7A  }
0x23: {  	s9 =	sor.u32 $0xD0000000, s2;
	s6 =	simm.s32 $0x108;
	_ =	swait.ge @!p0 [sflag:s8], $0x0  }
0x24: {  	s3 =	sadd.s32 $0x88, s3;
	s6 =	simm.s32 @!p1 $0x1082;
	[sflag:s4] =	ssyncset.s32 $0xFFFFF086  }
0x25: {  	[simem:s6], [sflag:s4] =	dma.local [hbm:s3], $0xF7A  }
0x26: {  	[smem:$0x3F9A] =	sst s1;
	(tag) =	ssettag s2;
	_ =	strace s9  }
0x27: {  	s1 =	sld [smem:$0x3FAA]  }
0x28: {  	s2 =	sld [smem:$0x3FAB]  }
0x29: {  	s4 =	sld [smem:$0x3FAD]  }
0x2a: {  	p0 =	seq.s32 s5, $0x0;
	s5 =	sld [smem:$0x3FAE]  }
0x2b: {  	s6 =	sld [smem:$0x3FAF]  }
0x2c: {  	s7 =	sld [smem:$0x3FB0]  }
0x2d: {  	s3 =	simm.s32 $0x108;
	s8 =	sld [smem:$0x3FB1]  }
0x2e: {  	s3 =	simm.s32 @!p0 $0x1082;
	s9 =	sld [smem:$0x3FB2]  }
0x2f: {  	lr =	sadd.s32 s0, s3;
	s0 =	sld [smem:$0x3FA9]  }
0x30: {  	s3 =	sld [smem:$0x3FAC]  }
0x31: {  	[smem:$0x3FB5] =	sst s10  }
0x32: {  	s10 =	sld [smem:$0x3FB3];
	_ =	sdelay $0x3  }
0x33: {  	p0 =	seq.s32 s10, $0x1;
	s10 =	sld [smem:$0x3FB5];
	_ =	sdelay $0x3  }
0x34: {  	[smem:$0x3FB5] =	sst s10  }
0x35: {  	s10 =	sld [smem:$0x3FB4];
	_ =	sdelay $0x3  }
0x36: {  	p1 =	seq.s32 s10, $0x1;
	s10 =	sld [smem:$0x3FB5];
	_ =	sdelay $0x3  }
0x37: {  	[smem:$0x3FB5] =	sst s10  }
0x38: {  	s10 =	sld [smem:$0x3FB6]  }
0x39: {  	_ = 	snop;
	(pc) =	sbr.ind lr, $3  }
0x3a: {  	_ = 	snop  }
0x3b: {  	_ = 	snop  }
0x3c: {  	p2 =	seq.s32 s10, $0x1;
	s10 =	sld [smem:$0x3FB5]  }
0x3d: {  	_ =	shalt  }
0x3e: {  	_ =	shalt  }
0x3f: {  	_ =	shalt  }
0x40: {  	_ =	shalt  }
0x41: {  	_ =	shalt  }
0x42: {  	_ =	shalt  }
0x43: {  	_ =	shalt  }
0x44: {  	_ =	shalt  }
0x45: {  	_ =	shalt  }
0x46: {  	_ =	shalt  }
0x47: {  	_ =	shalt  }
0x48: {  	_ =	shalt  }
0x49: {  	_ =	shalt  }
0x4a: {  	_ =	shalt  }
0x4b: {  	_ =	shalt  }
0x4c: {  	_ =	shalt  }
0x4d: {  	_ =	shalt  }
0x4e: {  	_ =	shalt  }
0x4f: {  	_ =	shalt  }
0x50: {  	_ =	shalt  }
0x51: {  	_ =	shalt  }
0x52: {  	_ =	shalt  }
0x53: {  	_ =	shalt  }
0x54: {  	_ =	shalt  }
0x55: {  	_ =	shalt  }
0x56: {  	_ =	shalt  }
0x57: {  	_ =	shalt  }
0x58: {  	_ =	shalt  }
0x59: {  	_ =	shalt  }
0x5a: {  	_ =	shalt  }
0x5b: {  	_ =	shalt  }
0x5c: {  	_ =	shalt  }
0x5d: {  	_ =	shalt  }
0x5e: {  	_ =	shalt  }
0x5f: {  	_ =	shalt  }
0x60: {  	_ =	shalt  }
0x61: {  	_ =	shalt  }
0x62: {  	_ =	shalt  }
0x63: {  	_ =	shalt  }
0x64: {  	_ =	shalt  }
0x65: {  	_ =	shalt  }
0x66: {  	_ =	shalt  }
0x67: {  	_ =	shalt  }
0x68: {  	_ =	shalt  }
0x69: {  	_ =	shalt  }
0x6a: {  	_ =	shalt  }
0x6b: {  	_ =	shalt  }
0x6c: {  	_ =	shalt  }
0x6d: {  	_ =	shalt  }
0x6e: {  	_ =	shalt  }
0x6f: {  	_ =	shalt  }
0x70: {  	_ =	shalt  }
0x71: {  	_ =	shalt  }
0x72: {  	_ =	shalt  }
0x73: {  	_ =	shalt  }
0x74: {  	_ =	shalt  }
0x75: {  	_ =	shalt  }
0x76: {  	_ =	shalt  }
0x77: {  	_ =	shalt  }
0x78: {  	_ =	shalt  }
0x79: {  	_ =	shalt  }
0x7a: {  	_ =	shalt  }
0x7b: {  	_ =	shalt  }
0x7c: {  	_ =	shalt  }
0x7d: {  	_ =	shalt  }
0x7e: {  	_ =	shalt  }
0x7f: {  	_ =	shalt  }
0x80: {  	_ =	shalt  }
0x81: {  	_ =	shalt  }
0x82: {  	_ =	shalt  }
0x83: {  	_ =	shalt  }
0x84: {  	_ =	shalt  }
0x85: {  	_ =	shalt  }
0x86: {  	_ =	shalt  }
0x87: {  	_ =	shalt  }
.Lfunc_end0:
.L_simem_size_0:
called_computation.1_lowered:
.L_overlay_start_0:
0x88: {  	s2 =	sld [smem:$0x3FD9]  }
0x89: {  	s3 =	sld [smem:$0x3FFE];
	_ =	sdelay $0x1  }
0x8a: {  	s1 =	srdreg.scid  }
0x8b: {  	s0 =	sand.u32 $0x1, s1  }
0x8c: {  	s16 =	sshll.u32 s0, $0xA;
	s2 =	sadd.s32 s3, s2  }
0x8d: {  	s2 =	sadd.s32 s2, s16  }
0x8e: {  	[smem:$0x3FC1] =	sst s2  }
0x8f: {  	_ = 	snop  }
0x90: {  	(tm) =	ssettm $0x1  }
0x91: {  	s17 =	sld [smem:$0x3FFB];
	_ =	sdelay $0x3  }
0x92: {  	_ =	strace s17  }
0x93: {  	s2 =	sld [smem:$0x3FFC];
	_ =	sdelay $0x3  }
0x94: {  	_ =	strace s2  }
0x95: {  	s2 =	sld [smem:$0x3FFD];
	_ =	sdelay $0x3  }
0x96: {  	_ =	strace s2  }
0x97: {  	_ =	strace $0x8FFFFFFF  }
0x98: {  	s18 =	sld [smem:$0x3FDB];
	_ =	sdelay $0x1  }
0x99: {  	s19 =	simm.s32 $_scs_section_size  }
0x9a: {  	s4 =	simm.s32 $_size__tile_overlayer_lowered;
	s5 =	simm.s32 $_tile_overlayer_lowered  }
0x9b: {  	s22 =	simm.s32 $0x1BFF;
	s21 =	sshll.u32 s5, $0x1;
	s2 =	sadd.s32 s19, s18  }
0x9c: {  	s6 =	simm.s32 $0x0;
	s20 =	sshll.u32 s4, $0x1;
	s4 =	sadd.s32 s21, s2  }
0x9d: {  	[timem:s6], [sflag:s22] =	dma.local [hbm:s4], s20  }
0x9e: {  	_ =	swait.ge [sflag:s22], s20  }
0x9f: {  	s3 =	ssub.s32 $0x0, s20;
	[sflag:s22] =	ssyncset.done $0x0  }
0xa0: {  	[sflag:s22] =	ssyncadd.s32 s3;
	_ =	sdelay $0x1  }
0xa1: {  	s23 =	simm.s32 $0x1B8B  }
0xa2: {  	_ =	swait.ge [sflag:s23], $0x1  }
0xa3: {  	[sflag:s23] =	ssyncset.done $0x0  }
0xa4: {  	s25 =	simm.s32 $0x1B8E;
	s24 =	sld [smem:$0x3FFE];
	[sflag:s23] =	ssyncadd.s32 $0xFFFFFFFF  }
0xa5: {  	s26 =	simm.s32 $execute0_lowered;
	[smem:$0x3FD2] =	sst s25  }
0xa6: {  	s4 =	sshll.u32 s26, $0x1;
	_ =	strace $0x80000049;
	[dreg:$0x1] =	wrdreg $0xFFFFFFFF  }
0xa7: {  	s28 =	simm.s32 $_size_execute0_lowered;
	s2 =	sadd.s32 s2, s4;
	[dreg:$0x0] =	wrdreg $0x0  }
0xa8: {  	s4 =	sshll.u32 s28, $0x1;
	[dreg:$0x2] =	wrdreg s2  }
0xa9: {  	[dreg:$0x3] =	wrdreg s4  }
0xaa: {  	[dreg:$0x4] =	wrdreg $0xC0  }
0xab: {  	_ =	task [dreg:s6], $0x5FFFF  }
0xac: {  	[dreg:$0x1] =	wrdreg $0xFFFFFFFF  }
0xad: {  	[dreg:$0x0] =	wrdreg $0x60  }
0xae: {  	[dreg:$0x2] =	wrdreg s24  }
0xaf: {  	[dreg:$0x3] =	wrdreg $0x98000  }
0xb0: {  	[dreg:$0x4] =	wrdreg $0x9  }
0xb1: {  	_ =	task.clear_ibuf [dreg:s6], $0x5FFFF;
	_ =	strace $0x90000049  }
0xb2: {  	s29 =	simm.s32 $0x9;
	_ =	strace $0x8000004B  }
0xb3: {  	_ =	swait.ge [sflag:s29], $0x1  }
0xb4: {  	[sflag:s29] =	ssyncadd.s32 $0xFFFFFFFF  }
0xb5: {  	_ =	strace $0x9000004B  }
0xb6: {  	_ =	sfence  }
0xb7: {  	s30 =	sld [smem:$0x0];
	_ =	sdelay $0x2  }
0xb8: {  	s31 =	sshll.u32 s1, $0xD;
	s1 =	sshrl.u32 s1, $0x2  }
0xb9: {  	s3 =	sand.u32 $0x4000, s31;
	s1 =	sadd.s32 s1, s30  }
0xba: {  	s0 =	sor.u32 s3, s0;
	s1 =	sshll.u32 s1, $0x11  }
0xbb: {  	s0 =	sor.u32 s1, s0  }
0xbc: {  	s0 =	sadd.s32 $0x8F2B, s0  }
0xbd: {  	[sflag:s0] =	ssyncadd.remote.s32 $0x1  }
0xbe: {  	_ =	sfence.sel $0xFFFF  }
0xbf: {  	[dreg:$0x0] =	wrdreg $0xFFFFFFFF;
	(pc) =	sbr.abs _section_cstart, $3  }
0xc0: {  	[dreg:$0x1] =	wrdreg $0xFFFFFFFF  }
0xc1: {  	_ =	task.clear_ibuf [dreg:s6], $0x2FFFF;
	_ =	strace $0x9FFFFFFF  }
0xc2: {  	(tm) =	ssettm $0x7FFFFFFF  }
0xc3: {  	_ =	shalt  }
tec
execute0_lowered:
.L_overlay_start_1:
0x0: {  	(tag) =	ssettag $0x1  }
0x1: {  	s0 =	rddreg [dreg:$0x0]  }
0x2: {  	s8 =	rddreg [dreg:$0x1];
	s1 =	srdreg.scid;
	s3 =	simm.s32 $0x0  }
0x3: {  	s5 =	stileid.u32;
	s1 =	sand.u32 $0x1, s1;
	[smem:$0x7FF] =	sst s3  }
0x4: {  	s21 =	smul.u32 $0x14000, s5;
	s4 =	sadd.s32 $0x7D400, s0;
	s9 =	sadd.s32 $0x18400, s0  }
0x5: {  	s6 =	sadd.s32 $0x2400, s0;
	s22 =	sadd.s32 $0xA4600, s0;
	s25 =	smul.u32 $0x50000, s5  }
0x6: {  	s29 =	sshll.u32 s5, $0x6;
	_ =	strace $0x8000004A;
	[dreg:$0x3] =	wrdreg s4  }
0x7: {  	s2 =	smul.u32 $0x140000, s1;
	[dreg:$0xd] =	wrdreg s22;
	s23 =	sshll.u32 s1, $0x4  }
0x8: {  	s24 =	ssub.s32 $0x2, s1;
	p0 =	seq.s32 s1, $0x0;
	[dreg:$0x4] =	wrdreg s9  }
0x9: {  	s13 =	sor.u32 $0x1C15, s29;
	[dreg:$0x6] =	wrdreg s6;
	s3 =	sor.u32 s5, s23  }
0xa: {  	s26 =	sshrl.u32 s24, $0x1;
	s1 =	sshrl.u32 s25, $0x2;
	s12 =	smul.u32 $0x5400, s3  }
0xb: {  	[dreg:$0xf] =	wrdreg s13;
	s2 =	sadd.s32 s21, s2;
	s1 =	sadd.s32 s1, s8  }
0xc: {  	s2 =	sshrl.u32 s2, $0x3;
	[dreg:$0xe] =	wrdreg s1;
	s30 =	sshrl.u32 s12, $0x3  }
0xd: {  	s0 =	sadd.s32 s2, s0;
	[dreg:$0x7] =	wrdreg s12;
	s14 =	sadd.s32 s9, s30  }
0xe: {  	s2 =	ssub.s32 s24, s26;
	s0 =	sadd.s32 $0xA6E00, s0;
	[dreg:$0x10] =	wrdreg s14  }
0xf: {  	s23 =	simm.s32 $0xA8;
	s29 =	smax.u32 s2, $0x1;
	[dreg:$0x1d] =	wrdreg s0  }
0x10: {  	s31 =	sor.u32 $0x10, s30;
	s5 =	sadd.s32 s6, s30;
	[dreg:$0x1e] =	wrdreg s29  }
0x11: {  	s17 =	sor.u32 $0x20, s30;
	s15 =	sadd.s32 s9, s31;
	[dreg:$0x15] =	wrdreg s5  }
0x12: {  	s10 =	sor.u32 $0x30, s30;
	s11 =	sadd.s32 s9, s17;
	[dreg:$0x11] =	wrdreg s15  }
0x13: {  	s19 =	sor.u32 $0x40, s30;
	s18 =	sadd.s32 s9, s10;
	[dreg:$0x12] =	wrdreg s11  }
0x14: {  	s23 =	simm.s32 @!p0 $0x2A;
	s14 =	sadd.s32 s9, s19;
	[dreg:$0x13] =	wrdreg s18  }
0x15: {  	s28 =	sadd.s32 $0xFFFFFFFF, s23;
	s1 =	sadd.s32 s6, s31;
	[dreg:$0x14] =	wrdreg s14  }
0x16: {  	s7 =	smul.u32 $0xAB, s28;
	s21 =	sadd.s32 s6, s17;
	[dreg:$0x16] =	wrdreg s1  }
0x17: {  	s20 =	sor.u32 $0x50, s30;
	s22 =	sadd.s32 s6, s10;
	[dreg:$0x17] =	wrdreg s21  }
0x18: {  	s16 =	sshrl.u32 s7, $0x9;
	s24 =	sadd.s32 s6, s19;
	[dreg:$0x18] =	wrdreg s22  }
0x19: {  	s26 =	sadd.s32 s9, s20;
	s4 =	smul.u32 $0x3, s16;
	[dreg:$0x19] =	wrdreg s24  }
0x1a: {  	s30 =	sadd.s32 $0x60, s5;
	[dreg:$0x1a] =	wrdreg s26  }
0x1b: {  	s31 =	sadd.s32 $0x70, s5;
	[dreg:$0x1f] =	wrdreg s30;
	s3 =	ssub.s32 s28, s4  }
0x1c: {  	[smem:$0x7FD] =	sst s31;
	s28 =	sadd.s32 s6, s20;
	s25 =	sor.u32 $0x4, s3  }
0x1d: {  	[dreg:$0x1b] =	wrdreg s28;
	s1 =	sand.u32 $0xFF, s25  }
0x1e: {  	s2 =	simm.s32 $0x0;
	[dreg:$0x1c] =	wrdreg s1;
	s1 =	simm.s32 $0x15  }
.LBB2_1:
0x1f: {  	[smem:$0x7FB] =	sst s2  }
0x20: {  	s0 =	rddreg [dreg:$0xe]  }
0x21: {  	s19 =	rddreg [dreg:$0xd];
	s18 =	sshrl.u32 s0, $0x3  }
0x22: {  	[smem:$0x7FC] =	sst s18  }
0x23: {  	[spmem:s18], [sflag:s13] =	dma.local [hbm:s19], $0x2800  }
0x24: {  	_ =	swait.ge [sflag:s1], $0x2800  }
0x25: {  	s20 =	rddreg [dreg:$0x10]  }
0x26: {  	s21 =	rddreg [dreg:$0x11]  }
0x27: {  	s2 =	simm.s32 $0x0;
	s3 =	simm.s32 $0x80;
	s22 =	rddreg [dreg:$0x12]  }
0x28: {  	s16 =	simm.s32 $0x100;
	[sflag:s1] =	ssyncset.done $0x0;
	s24 =	rddreg [dreg:$0x13]  }
0x29: {  	s25 =	simm.s32 $0x180;
	s26 =	rddreg [dreg:$0x14];
	[sflag:s1] =	ssyncadd.s32 $0xFFFFD800  }
0x2a: {  	[tilespmem:s2], [sflag:$0x7] =	stream.linear.gather [hbm4b:s20+s2], $0x80, $0x38;
	[tilespmem:$0x1D800] =	vst v63  }
0x2b: {  	s29 =	simm.s32 $0x200;
	s4 =	simm.s32 $0x280;
	s5 =	rddreg [dreg:$0x15]  }
0x2c: {  	[tilespmem:s3], [sflag:$0x8] =	stream.linear.gather [hbm4b:s21+s2], $0x80, $0x38;
	[tilespmem:$0x1D800] =	vst v63  }
0x2d: {  	s7 =	simm.s32 $0x400;
	s11 =	simm.s32 $0x480;
	s10 =	rddreg [dreg:$0x16]  }
0x2e: {  	[tilespmem:s16], [sflag:$0x9] =	stream.linear.gather [hbm4b:s22+s2], $0x80, $0x38;
	[tilespmem:$0x1D800] =	vst v63  }
0x2f: {  	s14 =	simm.s32 $0x500;
	s17 =	simm.s32 $0x580;
	s13 =	rddreg [dreg:$0x17]  }
0x30: {  	[tilespmem:s25], [sflag:$0xA] =	stream.linear.gather [hbm4b:s24+s2], $0x80, $0x38;
	[tilespmem:$0x1D800] =	vst v63  }
0x31: {  	p2 =	sne.s32 s23, $0x1;
	p0 =	sle.u32 s23, $0x2;
	s15 =	rddreg [dreg:$0x18]  }
0x32: {  	[tilespmem:s29], [sflag:$0xB] =	stream.linear.gather [hbm4b:s26+s2], $0x80, $0x38;
	[tilespmem:$0x1D800] =	vst v63  }
0x33: {  	s31 =	simm.s32 $0x8;
	p3 =	por $0x1, $0x1;
	s1 =	rddreg [dreg:$0x1a]  }
0x34: {  	[tilespmem:s4], [sflag:$0xC] =	stream.linear.gather [hbm4b:s1+s2], $0x80, $0x38;
	[tilespmem:$0x1D800] =	vst v63  }
0x35: {  	p1 =	sle.u32 s23, $0x6;
	p4 =	sle.u32 @!p3 s23, $0x7;
	s18 =	rddreg [dreg:$0x19]  }
0x36: {  	[tilespmem:s7], [sflag:$0xD] =	stream.linear.gather [hbm4b:s5+s2], $0x80, $0x38;
	[tilespmem:$0x1D800] =	vst v63  }
0x37: {  	s28 =	simm.s32 @!p0 $0x60;
	p4 =	por p4, p3;
	s20 =	rddreg [dreg:$0x1b]  }
0x38: {  	[tilespmem:s11], [sflag:$0xE] =	stream.linear.gather [hbm4b:s10+s2], $0x80, $0x38;
	[tilespmem:$0x1D800] =	vst v63  }
0x39: {  	s19 =	simm.s32 $0x600;
	s21 =	simm.s32 $0x680;
	s22 =	rddreg [dreg:$0x1f]  }
0x3a: {  	[tilespmem:s14], [sflag:$0xF] =	stream.linear.gather [hbm4b:s13+s2], $0x80, $0x38;
	[tilespmem:$0x1D800] =	vst v63  }
0x3b: {  	s24 =	simm.s32 $0x700;
	s25 =	sld [smem:$0x7FD];
	s26 =	simm.s32 $0x780  }
0x3c: {  	[tilespmem:s17], [sflag:$0x10] =	stream.linear.gather [hbm4b:s15+s2], $0x80, $0x38;
	[tilespmem:$0x1D800] =	vst v63  }
0x3d: {  	s29 =	simm.s32 $0x7;
	s1 =	simm.s32 $0x800;
	s4 =	simm.s32 $0x60  }
0x3e: {  	[tilespmem:s19], [sflag:$0x11] =	stream.linear.gather [hbm4b:s18+s2], $0x80, $0x38;
	[tilespmem:$0x1D800] =	vst v63  }
0x3f: {  	s7 =	simm.s32 $0x8;
	s10 =	simm.s32 $0x3800;
	s11 =	simm.s32 $0x2  }
0x40: {  	[tilespmem:s21], [sflag:$0x12] =	stream.linear.gather [hbm4b:s20+s2], $0x80, $0x38;
	[tilespmem:$0x1D800] =	vst v63  }
0x41: {  	s0 =	smulhi.u32 $0xAAAAAAAB, s11;
	s14 =	simm.s32 $0x380;
	s13 =	simm.s32 $0x4  }
0x42: {  	[tilespmem:s24], [sflag:$0x13] =	stream.linear.gather [hbm4b:s22+s2], $0x80, $0x38;
	[tilespmem:$0x1D800] =	vst v63  }
0x43: {  	s11 =	sand.u32 @!p4 $0x7FFFFC00, s14;
	s17 =	simm.s32 $0xFFFFFFFF;
	s15 =	simm.s32 $0x1  }
0x44: {  	[tilespmem:s26], [sflag:$0x14] =	stream.linear.gather [hbm4b:s25+s2], $0x80, $0x38;
	[tilespmem:$0x1D800] =	vst v63  }
0x45: {  	s11 =	sadd.s32 @!p4 s12, s11;
	s18 =	simm.s32 $0x0;
	[bflag:$0x0] =	sbarrier.arrive $0xFFFF  }
0x46: {  	s19 =	simm.s32 $0x3800;
	s20 =	simm.s32 $0x80;
	_ =	swait.ge [sflag:s29], $0x80  }
0x47: {  	s21 =	simm.s32 $0x9800;
	s22 =	simm.s32 $0x180;
	[sflag:s29] =	ssyncset.done $0x0  }
0x48: {  	s26 =	simm.s32 $0x6800;
	s5 =	rddreg [dreg:$0x3];
	[sflag:s29] =	ssyncadd.s32 $0xFFFFFF80  }
0x49: {  	[tilespmem:s1], [sflag:$0x1] =	stream.indirect.gather [hbm4b:s5+s4], $0x80, s2, s4, $0xb8;
	[tilespmem:$0x1D800] =	vst v63  }
0x4a: {  	s25 =	simm.s32 $0x3;
	s2 =	smulhi.u32 $0xAAAAAAAB, s2;
	_ =	swait.ge [sflag:s7], $0x80  }
0x4b: {  	s29 =	simm.s32 $0x0;
	s1 =	smulhi.u32 $0xAAAAAAAB, s17;
	[sflag:s7] =	ssyncset.done $0x0  }
0x4c: {  	s17 =	simm.s32 @!p4 $0x0;
	s24 =	sshrl.u32 s2, $0x1;
	[sflag:s7] =	ssyncadd.s32 $0xFFFFFF80  }
0x4d: {  	[tilespmem:s10], [sflag:$0x2] =	stream.indirect.gather [hbm4b:s5+s4], $0x80, s3, s4, $0xb8;
	[tilespmem:$0x1D800] =	vst v63  }
0x4e: {  	s29 =	sand.u32 $0x7, s29;
	s1 =	sshrl.u32 s1, $0x1;
	s5 =	smul.u32 $0xFFFFFFF4, s24  }
0x4f: {  	s2 =	sshrl.u32 s2, $0x2;
	s7 =	sshrl.u32 s0, $0x1;
	s1 =	smul.u32 $0xFFFFFFF4, s1  }
0x50: {  	s0 =	sshrl.u32 s0, $0x2;
	s3 =	simm.s32 @!p0 $0x0;
	s10 =	sshra.s32 s5, $0x2  }
0x51: {  	s4 =	simm.s32 $0xFFFFFFFF;
	[dreg:$0x5] =	wrdreg s3;
	s5 =	sadd.s32 $0x0, s10  }
0x52: {  	s3 =	smul.u32 $0xFFFDC000, s24;
	s1 =	sshra.s32 s1, $0x2;
	s5 =	sadd.s32 $0x1, s5  }
0x53: {  	s24 =	smul.u32 $0xFFFFFFF4, s7;
	s1 =	sadd.s32 $0x3, s1;
	_ =	swait.ge [sflag:s5], $0x3000  }
0x54: {  	s4 =	sand.u32 @!p4 $0x7, s4;
	s1 =	sadd.s32 @!p3 $0x0, s1;
	[sflag:s5] =	ssyncset.done $0x0  }
0x55: {  	s24 =	sshra.s32 s24, $0x2;
	[sflag:s5] =	ssyncadd.s32 $0xFFFFD000;
	s5 =	sand.u32 @!p4 $0x380, s14  }
0x56: {  	s3 =	sshra.s32 s3, $0x2;
	s5 =	sor.u32 @!p4 s5, s11;
	s11 =	sshll.u32 @!p4 s4, $0x7  }
0x57: {  	_ =	swait.ge @!p3 [sflag:s1], $0x3000;
	s4 =	sadd.s32 @!p4 $0xD, s4;
	s5 =	sshrl.u32 @!p4 s5, $0x3  }
0x58: {  	[sflag:s1] =	ssyncset.done @!p3 $0x0;
	s5 =	sadd.s32 @!p4 s6, s5;
	s6 =	smul.u32 $0xFFFFF400, s2  }
0x59: {  	s11 =	sor.u32 @!p4 $0x400, s11;
	[sflag:s1] =	ssyncadd.s32 @!p3 $0xFFFFD000;
	s2 =	smul.u32 $0xFFFFFFE8, s2  }
0x5a: {  	[tilespmem:s11], [sflag:s4] =	stream.linear.gather @!p4 [hbm4b:s5+s17], $0x80, $0x38;
	[tilespmem:$0x1D800] =	vst v63  }
0x5b: {  	s4 =	simm.s32 @!p1 $0x300;
	s11 =	simm.s32 $0x0;
	s17 =	smul.u32 $0xFFFDC000, s7  }
0x5c: {  	s5 =	sshll.u32 s29, $0x7;
	s7 =	sand.u32 @!p1 $0x380, s4;
	s30 =	sshra.s32 s6, $0x2  }
.Ltmp0:
0x5d: {  	s4 =	sand.u32 @!p1 $0x7FFFFC00, s4;
	s2 =	sshra.s32 s2, $0x2;
	(pc) =	sbr.rel @!p2 .LBB2_3-.Ltmp0, $4  }
0x5e: {  	s5 =	sor.u32 $0x400, s5;
	s1 =	sadd.s32 @!p1 s12, s4;
	s12 =	simm.s32 $0x0  }
0x5f: {  	s4 =	sor.u32 @!p1 s7, s1;
	s1 =	sadd.s32 $0xD, s29;
	s7 =	sadd.s32 $0x7, s2  }
0x60: {  	s2 =	sadd.s32 $0x800, s3;
	s3 =	sadd.s32 @!p1 $0x0, s7;
	s4 =	sshrl.u32 @!p1 s4, $0x3  }
0x61: {  	_ =	swait.ge [sflag:s1], $0x80;
	s7 =	smul.u32 $0xFFFFFFE8, s0;
	s4 =	sadd.s32 @!p1 s9, s4  }
.LBB2_2:
0x62: {  	s10 =	sadd.s32 $0x4, s10  }
0x63: {  	[sflag:s1] =	ssyncset.done $0x0;
	s9 =	smov.u32 s15;
	s29 =	smov.u32 s13  }
0x64: {  	s0 =	smul.u32 $0xFFFFF400, s0;
	s17 =	sshra.s32 s17, $0x2;
	s15 =	sadd.s32 $0x1, s15  }
0x65: {  	s14 =	sadd.s32 $0x80, s14;
	s13 =	sadd.s32 $0x4, s13;
	s6 =	sshra.s32 s7, $0x2  }
0x66: {  	s7 =	smov.u32 s18;
	[sflag:s1] =	ssyncadd.s32 $0xFFFFFF80;
	s1 =	simm.s32 @!p1 $0x0  }
0x67: {  	s10 =	sadd.s32 s11, s10;
	s11 =	simm.s32 $0x60;
	p2 =	sne.s32 s15, s23  }
0x68: {  	s18 =	sadd.s32 $0x1, s18;
	p3 =	seq.s32 s29, $0x0;
	s6 =	sadd.s32 $0x9, s6  }
0x69: {  	[spmem:s8] =	stream.indirect.scatter.add.f32 [tilespmem:s2], [sflag:s10], $0x80, s5, s11, $0xb8;
	[tilespmem:$0x1D800] =	vst v63  }
0x6a: {  	s2 =	sadd.s32 $0x3, s24;
	s5 =	sadd.s32 s30, s12;
	s8 =	rddreg [dreg:$0x5]  }
0x6b: {  	s0 =	sshra.s32 s0, $0x2;
	s11 =	smov.u32 s19;
	s12 =	smov.u32 s20  }
0x6c: {  	s24 =	smov.u32 s25;
	s19 =	sadd.s32 $0x3000, s19;
	s20 =	sadd.s32 $0x80, s20  }
0x6d: {  	s25 =	sadd.s32 $0x1, s25;
	s7 =	smulhi.u32 $0xAAAAAAAB, s7;
	s6 =	sadd.s32 @!p0 s8, s6  }
0x6e: {  	s0 =	sadd.s32 s0, s16;
	s16 =	smov.u32 s21;
	s21 =	sadd.s32 $0x3000, s21  }
0x6f: {  	[tilespmem:s5], [sflag:s3] =	stream.linear.gather @!p1 [hbm4b:s4+s1], $0x80, $0x38;
	[tilespmem:$0x1D800] =	vst v63  }
0x70: {  	s1 =	sadd.s32 @!p0 s8, s2;
	_ =	swait.ge @!p0 [sflag:s6], $0x80;
	[dreg:$0x9] =	wrdreg s11  }
0x71: {  	s2 =	sadd.s32 s17, s26;
	s17 =	smov.u32 s22;
	[dreg:$0x8] =	wrdreg s12  }
0x72: {  	s26 =	sadd.s32 $0x2, s9;
	s22 =	sadd.s32 $0x80, s22;
	[dreg:$0xb] =	wrdreg s16  }
0x73: {  	s4 =	sshrl.u32 s7, $0x1;
	[dreg:$0xa] =	wrdreg s17;
	[sflag:s6] =	ssyncset.done @!p0 $0x0  }
0x74: {  	s11 =	sshra.s32 s29, $0x2;
	s3 =	rddreg [dreg:$0x3];
	[sflag:s6] =	ssyncadd.s32 @!p0 $0xFFFFFF80  }
0x75: {  	[tilespmem:s2], [sflag:s1] =	stream.indirect.gather @!p0 [hbm4b:s3+s28], $0x80, s0, s28, $0xb8;
	[tilespmem:$0x1D800] =	vst v63  }
0x76: {  	s6 =	sadd.s32 $0x6, s9;
	s1 =	smov.u32 s31;
	s3 =	smulhi.u32 $0xAAAAAAAB, s9  }
0x77: {  	p0 =	sge.u32 s26, s23;
	s31 =	sadd.s32 $0x1, s31;
	s0 =	smulhi.u32 $0xAAAAAAAB, s24  }
0x78: {  	p1 =	sge.u32 s6, s23;
	s28 =	smov.u32 s23;
	s5 =	sshra.s32 @!p0 s29, $0x2  }
0x79: {  	s8 =	sadd.s32 $0xFFFFFFF9, s1;
	s12 =	sadd.s32 @!p1 $0xFFFFFF80, s14;
	s6 =	sshrl.u32 s3, $0x1  }
0x7a: {  	p4 =	sge.u32 @!p3 s1, s23;
	s10 =	sshrl.u32 s0, $0x1;
	s9 =	smul.u32 $0xFFFDC000, s6  }
0x7b: {  	s23 =	sshra.s32 @!p3 s29, $0x2;
	s2 =	sshrl.u32 s3, $0x2;
	s16 =	smul.u32 $0xFFFFFFF4, s10  }
0x7c: {  	[dreg:$0x5] =	wrdreg s5;
	s5 =	sadd.s32 $0xFFFFFFF8, s1;
	s26 =	smul.u32 $0xFFFFF400, s2  }
0x7d: {  	s0 =	sshrl.u32 s0, $0x2;
	s3 =	sand.u32 @!p1 $0x380, s12;
	s17 =	smul.u32 $0xFFFDC000, s10  }
0x7e: {  	p4 =	por p4, p3;
	s8 =	sand.u32 $0x7, s8;
	s7 =	smul.u32 $0xFFFFFFE8, s0  }
0x7f: {  	[dreg:$0xc] =	wrdreg s3;
	s24 =	sshra.s32 s16, $0x2;
	s16 =	smul.u32 $0xFFFFFFF4, s4  }
0x80: {  	s5 =	sand.u32 @!p4 $0x7, s5;
	s30 =	sshra.s32 s26, $0x2;
	s26 =	smul.u32 $0xFFFFFFF4, s6  }
0x81: {  	s2 =	smul.u32 $0xFFFFFFE8, s2;
	s6 =	sand.u32 @!p4 $0x7FFFFC00, s14;
	s4 =	sand.u32 @!p4 $0x380, s14  }
0x82: {  	s1 =	sshra.s32 s16, $0x2;
	s16 =	rddreg [dreg:$0x7];
	s10 =	sshra.s32 s26, $0x2  }
0x83: {  	s9 =	sshra.s32 s9, $0x2;
	s6 =	sadd.s32 @!p4 s16, s6;
	s3 =	sadd.s32 s11, s10  }
0x84: {  	s1 =	sadd.s32 $0x3, s1;
	s4 =	sor.u32 @!p4 s4, s6;
	s26 =	sadd.s32 $0x1, s3  }
0x85: {  	s6 =	sshll.u32 @!p4 s5, $0x7;
	s5 =	sadd.s32 @!p4 $0xD, s5;
	_ =	swait.ge [sflag:s26], $0x3000  }
0x86: {  	s4 =	sshrl.u32 @!p4 s4, $0x3;
	s3 =	rddreg [dreg:$0x6];
	[sflag:s26] =	ssyncset.done $0x0  }
0x87: {  	s23 =	sadd.s32 @!p3 s23, s1;
	s4 =	sadd.s32 @!p4 s3, s4;
	[sflag:s26] =	ssyncadd.s32 $0xFFFFD000  }
0x88: {  	s3 =	sshra.s32 s2, $0x2;
	s2 =	sand.u32 @!p1 $0x7FFFFC00, s12;
	_ =	swait.ge @!p3 [sflag:s23], $0x3000  }
0x89: {  	s12 =	sshra.s32 @!p1 s29, $0x2;
	s29 =	sadd.s32 @!p1 s16, s2;
	s16 =	rddreg [dreg:$0x9]  }
0x8a: {  	s1 =	sadd.s32 $0xD, s8;
	s3 =	sadd.s32 $0x7, s3;
	s26 =	rddreg [dreg:$0xb]  }
0x8b: {  	s8 =	sshll.u32 s8, $0x7;
	s3 =	sadd.s32 @!p1 s12, s3;
	s12 =	rddreg [dreg:$0x8]  }
0x8c: {  	[sflag:s23] =	ssyncset.done @!p3 $0x0;
	s2 =	sadd.s32 s9, s16;
	s9 =	rddreg [dreg:$0xc]  }
0x8d: {  	s6 =	sor.u32 @!p4 $0x400, s6;
	s16 =	rddreg [dreg:$0xa];
	[sflag:s23] =	ssyncadd.s32 @!p3 $0xFFFFD000  }
.Ltmp1:
0x8e: {  	s9 =	sor.u32 @!p1 s9, s29;
	s29 =	simm.s32 @!p4 $0x0;
	(pc) =	sbr.rel @p2 .LBB2_2-.Ltmp1, $4  }
0x8f: {  	[tilespmem:s6], [sflag:s5] =	stream.linear.gather @!p4 [hbm4b:s4+s29], $0x80, $0x38;
	[tilespmem:$0x1D800] =	vst v63  }
0x90: {  	s5 =	sor.u32 $0x400, s8;
	s8 =	rddreg [dreg:$0x1];
	_ =	swait.ge [sflag:s1], $0x80  }
0x91: {  	s23 =	smov.u32 s28;
	s9 =	sshrl.u32 @!p1 s9, $0x3;
	s4 =	rddreg [dreg:$0x4]  }
0x92: {  	s28 =	simm.s32 @!p0 $0x60;
	s4 =	sadd.s32 @!p1 s4, s9;
	s9 =	rddreg [dreg:$0x4]  }
.LBB2_3:
0x93: {  	s6 =	sadd.s32 $0x4, s10;
	[sflag:s1] =	ssyncset.done $0x0  }
0x94: {  	s21 =	simm.s32 $0x60;
	[sflag:s1] =	ssyncadd.s32 $0xFFFFFF80;
	s20 =	sadd.s32 s11, s6  }
0x95: {  	[spmem:s8] =	stream.indirect.scatter.add.f32 [tilespmem:s2], [sflag:s20], $0x80, s5, s21, $0xb8;
	[tilespmem:$0x1D800] =	vst v63  }
0x96: {  	s1 =	sadd.s32 s30, s12;
	s22 =	sshra.s32 s7, $0x2;
	s2 =	simm.s32 @!p1 $0x0  }
0x97: {  	[tilespmem:s1], [sflag:s3] =	stream.linear.gather @!p1 [hbm4b:s4+s2], $0x80, $0x38;
	[tilespmem:$0x1D800] =	vst v63  }
0x98: {  	s0 =	smul.u32 $0xFFFFF400, s0;
	s1 =	sadd.s32 $0x9, s22;
	s3 =	rddreg [dreg:$0x5]  }
0x99: {  	s25 =	sshra.s32 s17, $0x2;
	s2 =	sadd.s32 $0x3, s24;
	s1 =	sadd.s32 @!p0 s3, s1  }
0x9a: {  	s0 =	sshra.s32 s0, $0x2;
	s2 =	sadd.s32 @!p0 s3, s2;
	_ =	swait.ge @!p0 [sflag:s1], $0x80  }
0x9b: {  	s3 =	sadd.s32 s25, s26;
	[sflag:s1] =	ssyncset.done @!p0 $0x0;
	s26 =	rddreg [dreg:$0x1c]  }
0x9c: {  	s0 =	sadd.s32 s0, s16;
	[sflag:s1] =	ssyncadd.s32 @!p0 $0xFFFFFF80;
	s1 =	rddreg [dreg:$0x3]  }
0x9d: {  	[tilespmem:s3], [sflag:s2] =	stream.indirect.gather @!p0 [hbm4b:s1+s28], $0x80, s0, s28, $0xb8;
	[tilespmem:$0x1D800] =	vst v63  }
0x9e: {  	_ =	swait.ge [sflag:s26], $0x3000  }
0x9f: {  	[sflag:s26] =	ssyncset.done $0x0  }
0xa0: {  	[sflag:s26] =	ssyncadd.s32 $0xFFFFD000  }
0xa1: {  	[bflag:$0x0] =	sbarrier.arrive $0xFFFF  }
0xa2: {  	s29 =	sld [smem:$0x7FC]  }
0xa3: {  	s13 =	rddreg [dreg:$0xf]  }
0xa4: {  	s1 =	simm.s32 $0x15;
	s28 =	rddreg [dreg:$0x1d]  }
0xa5: {  	[hbm:s28], [sflag:s13] =	dma.local [spmem:s29], $0x2800  }
0xa6: {  	_ =	swait.ge [sflag:s1], $0x2800  }
0xa7: {  	s30 =	sld [smem:$0x7FB];
	_ =	sdelay $0x2  }
0xa8: {  	s31 =	rddreg [dreg:$0x1e];
	s2 =	sadd.s32 $0x1, s30  }
0xa9: {  	p0 =	sne.s32 s2, s31  }
.Ltmp2:
0xaa: {  	_ = 	snop;
	(pc) =	sbr.rel @p0 .LBB2_1-.Ltmp2, $3  }
0xab: {  	_ =	sdelay $0x1  }
0xac: {  	[sflag:s1] =	ssyncset.done $0x0;
	s6 =	rddreg [dreg:$0x6]  }
0xad: {  	s12 =	rddreg [dreg:$0x7];
	[sflag:s1] =	ssyncadd.s32 $0xFFFFD800  }
0xae: {  	_ =	sfence.sel $0x180000  }
0xaf: {  	[bflag:$0x0] =	sbarrier.arrive $0xFFFF  }
0xb0: {  	_ =	strace $0x9000004A  }
0xb1: {  	s0 =	stileid.u32;
	[bflag:$0x2] =	sbarrier.arrive $0xFFFF  }
0xb2: {  	p0 =	sne.s32 s0, $0x0;
	s0 =	rddreg [dreg:$0x2]  }
0xb3: {  	s0 =	sadd.s32 @!p0 $0x100000, s0  }
0xb4: {  	[sflag:s0] =	ssyncadd.tile.s32 @!p0 $0x1;
	_ =	shalt  }
.Lfunc_end2:
_tile_overlayer_lowered:
.L_overlay_start_2:
0xb5: {  	(tag) =	ssettag $0x2  }
0xb6: {  	s0 =	rddreg [dreg:$0x0];
	s2 =	stileid.u32  }
0xb7: {  	s1 =	rddreg [dreg:$0x1];
	p0 =	sne.s32 s2, $0x0  }
0xb8: {  	s3 =	rddreg [dreg:$0x2];
	[bflag:$0x3] =	sbarrier.arrive $0xFFFF;
	s2 =	simm.s32 @!p0 $0x1C15  }
0xb9: {  	[timem:s3], [sflag:s2] =	dma.local @!p0 [hbm:s0], s1  }
0xba: {  	s0 =	simm.s32 @!p0 $0x15  }
0xbb: {  	_ =	swait.ge @!p0 [sflag:s0], s1  }
0xbc: {  	s1 =	ssub.s32 @!p0 $0x0, s1;
	[sflag:s0] =	ssyncset.done @!p0 $0x0  }
0xbd: {  	[sflag:s0] =	ssyncadd.s32 @!p0 s1  }
0xbe: {  	[bflag:$0x3] =	sbarrier.arrive $0xFFFF  }
0xbf: {  	_ =	shalt  }

// kernel: kernel.14.cloned.1.call-start
scs
__scs_entry_jumppad:
0x0: {  	(pc) =	sbr.rel $0x88, $3  }
0x1: {  	(tag) =	ssettag $0x0;
	lr =	simm.s32 $0x1  }
0x2: {  	[smem:$0x3F9A] =	sst lr;
	_ =	strace $0xD0000000  }
0x3: {  	_ = 	snop  }
0x4: {  	_ = 	snop  }
0x5: {  	_ = 	snop  }
0x6: {  	_ = 	snop  }
0x7: {  	_ = 	snop  }
__scs_overlays_trampoline_lowered:
0x8: {  	[smem:$0x3FA9] =	sst s0  }
0x9: {  	[smem:$0x3FAA] =	sst s1  }
0xa: {  	[smem:$0x3FAB] =	sst s2  }
0xb: {  	[smem:$0x3FAC] =	sst s3  }
0xc: {  	[smem:$0x3FAD] =	sst s4  }
0xd: {  	[smem:$0x3FAE] =	sst s5  }
0xe: {  	[smem:$0x3FAF] =	sst s6  }
0xf: {  	[smem:$0x3FB0] =	sst s7  }
0x10: {  	[smem:$0x3FB1] =	sst s8  }
0x11: {  	[smem:$0x3FB2] =	sst s9;
	s0 =	simm.s32 @!p0 $0x0  }
0x12: {  	s1 =	sld [smem:$0x3F98];
	s0 =	simm.s32 @p0 $0x1  }
0x13: {  	[smem:$0x3FB3] =	sst s0;
	s0 =	simm.s32 @!p1 $0x0  }
0x14: {  	s2 =	sld [smem:$0x3F97];
	s0 =	simm.s32 @p1 $0x1  }
0x15: {  	[smem:$0x3FB4] =	sst s0;
	s0 =	simm.s32 @!p2 $0x0  }
0x16: {  	s3 =	sld [smem:$0x3FDB];
	s0 =	simm.s32 @p2 $0x1  }
0x17: {  	s4 =	simm.s32 $0x1BF5;
	[smem:$0x3FB6] =	sst s0  }
0x18: {  	s0 =	sld [smem:$0x3F99];
	_ =	swait.ge [sflag:s4], $0x0  }
0x19: {  	s7 =	sld [smem:$0x3F9A]  }
0x1a: {  	s8 =	sadd.s32 $0xFFFFE003, lr  }
0x1b: {  	s9 =	sadd.s32 $0xFFFFFEF7, lr;
	s5 =	simm.s32 $0xFFFFFFFF;
	p2 =	slt.u32 s8, $0xFFFFF086  }
0x1c: {  	p1 =	slt.u32 s9, $0xF7A;
	s5 =	simm.s32 @!p2 $0x0  }
0x1d: {  	s5 =	simm.s32 @p1 $0x1;
	p0 =	seq.s32 s7, s2  }
0x1e: {  	s7 =	smul.u32 @!p0 $0xF7A, s2;
	p2 =	seq.s32 @!p0 s5, $0x0  }
0x1f: {  	s9 =	smul.u32 $0xF7A, s1;
	s8 =	simm.s32 @!p0 $0x1BF5;
	p2 =	por !p2, p0  }
0x20: {  	[sflag:s8] =	ssyncset.s32 @!p0 $0xFFFFF086;
	s6 =	sadd.s32 @!p0 s3, s7;
	s7 =	simm.s32 @!p0 $0x108  }
0x21: {  	s3 =	sadd.s32 s3, s9;
	s6 =	sadd.s32 @!p0 $0x88, s6;
	s7 =	simm.s32 @p2 $0x1082  }
0x22: {  	[simem:s7], [sflag:s8] =	dma.local @!p0 [hbm:s6], $0xF7A  }
0x23: {  	s9 =	sor.u32 $0xD0000000, s2;
	s6 =	simm.s32 $0x108;
	_ =	swait.ge @!p0 [sflag:s8], $0x0  }
0x24: {  	s3 =	sadd.s32 $0x88, s3;
	s6 =	simm.s32 @!p1 $0x1082;
	[sflag:s4] =	ssyncset.s32 $0xFFFFF086  }
0x25: {  	[simem:s6], [sflag:s4] =	dma.local [hbm:s3], $0xF7A  }
0x26: {  	[smem:$0x3F9A] =	sst s1;
	(tag) =	ssettag s2;
	_ =	strace s9  }
0x27: {  	s1 =	sld [smem:$0x3FAA]  }
0x28: {  	s2 =	sld [smem:$0x3FAB]  }
0x29: {  	s4 =	sld [smem:$0x3FAD]  }
0x2a: {  	p0 =	seq.s32 s5, $0x0;
	s5 =	sld [smem:$0x3FAE]  }
0x2b: {  	s6 =	sld [smem:$0x3FAF]  }
0x2c: {  	s7 =	sld [smem:$0x3FB0]  }
0x2d: {  	s3 =	simm.s32 $0x108;
	s8 =	sld [smem:$0x3FB1]  }
0x2e: {  	s3 =	simm.s32 @!p0 $0x1082;
	s9 =	sld [smem:$0x3FB2]  }
0x2f: {  	lr =	sadd.s32 s0, s3;
	s0 =	sld [smem:$0x3FA9]  }
0x30: {  	s3 =	sld [smem:$0x3FAC]  }
0x31: {  	[smem:$0x3FB5] =	sst s10  }
0x32: {  	s10 =	sld [smem:$0x3FB3];
	_ =	sdelay $0x3  }
0x33: {  	p0 =	seq.s32 s10, $0x1;
	s10 =	sld [smem:$0x3FB5];
	_ =	sdelay $0x3  }
0x34: {  	[smem:$0x3FB5] =	sst s10  }
0x35: {  	s10 =	sld [smem:$0x3FB4];
	_ =	sdelay $0x3  }
0x36: {  	p1 =	seq.s32 s10, $0x1;
	s10 =	sld [smem:$0x3FB5];
	_ =	sdelay $0x3  }
0x37: {  	[smem:$0x3FB5] =	sst s10  }
0x38: {  	s10 =	sld [smem:$0x3FB6]  }
0x39: {  	_ = 	snop;
	(pc) =	sbr.ind lr, $3  }
0x3a: {  	_ = 	snop  }
0x3b: {  	_ = 	snop  }
0x3c: {  	p2 =	seq.s32 s10, $0x1;
	s10 =	sld [smem:$0x3FB5]  }
0x3d: {  	_ =	shalt  }
0x3e: {  	_ =	shalt  }
0x3f: {  	_ =	shalt  }
0x40: {  	_ =	shalt  }
0x41: {  	_ =	shalt  }
0x42: {  	_ =	shalt  }
0x43: {  	_ =	shalt  }
0x44: {  	_ =	shalt  }
0x45: {  	_ =	shalt  }
0x46: {  	_ =	shalt  }
0x47: {  	_ =	shalt  }
0x48: {  	_ =	shalt  }
0x49: {  	_ =	shalt  }
0x4a: {  	_ =	shalt  }
0x4b: {  	_ =	shalt  }
0x4c: {  	_ =	shalt  }
0x4d: {  	_ =	shalt  }
0x4e: {  	_ =	shalt  }
0x4f: {  	_ =	shalt  }
0x50: {  	_ =	shalt  }
0x51: {  	_ =	shalt  }
0x52: {  	_ =	shalt  }
0x53: {  	_ =	shalt  }
0x54: {  	_ =	shalt  }
0x55: {  	_ =	shalt  }
0x56: {  	_ =	shalt  }
0x57: {  	_ =	shalt  }
0x58: {  	_ =	shalt  }
0x59: {  	_ =	shalt  }
0x5a: {  	_ =	shalt  }
0x5b: {  	_ =	shalt  }
0x5c: {  	_ =	shalt  }
0x5d: {  	_ =	shalt  }
0x5e: {  	_ =	shalt  }
0x5f: {  	_ =	shalt  }
0x60: {  	_ =	shalt  }
0x61: {  	_ =	shalt  }
0x62: {  	_ =	shalt  }
0x63: {  	_ =	shalt  }
0x64: {  	_ =	shalt  }
0x65: {  	_ =	shalt  }
0x66: {  	_ =	shalt  }
0x67: {  	_ =	shalt  }
0x68: {  	_ =	shalt  }
0x69: {  	_ =	shalt  }
0x6a: {  	_ =	shalt  }
0x6b: {  	_ =	shalt  }
0x6c: {  	_ =	shalt  }
0x6d: {  	_ =	shalt  }
0x6e: {  	_ =	shalt  }
0x6f: {  	_ =	shalt  }
0x70: {  	_ =	shalt  }
0x71: {  	_ =	shalt  }
0x72: {  	_ =	shalt  }
0x73: {  	_ =	shalt  }
0x74: {  	_ =	shalt  }
0x75: {  	_ =	shalt  }
0x76: {  	_ =	shalt  }
0x77: {  	_ =	shalt  }
0x78: {  	_ =	shalt  }
0x79: {  	_ =	shalt  }
0x7a: {  	_ =	shalt  }
0x7b: {  	_ =	shalt  }
0x7c: {  	_ =	shalt  }
0x7d: {  	_ =	shalt  }
0x7e: {  	_ =	shalt  }
0x7f: {  	_ =	shalt  }
0x80: {  	_ =	shalt  }
0x81: {  	_ =	shalt  }
0x82: {  	_ =	shalt  }
0x83: {  	_ =	shalt  }
0x84: {  	_ =	shalt  }
0x85: {  	_ =	shalt  }
0x86: {  	_ =	shalt  }
0x87: {  	_ =	shalt  }
.Lfunc_end0:
.L_simem_size_0:
called_computation.2_lowered:
.L_overlay_start_0:
0x88: {  	s2 =	sld [smem:$0x3FD9]  }
0x89: {  	s3 =	sld [smem:$0x3FFE];
	_ =	sdelay $0x1  }
0x8a: {  	s1 =	srdreg.scid  }
0x8b: {  	s0 =	sand.u32 $0x1, s1  }
0x8c: {  	s16 =	sshll.u32 s0, $0xA;
	s2 =	sadd.s32 s3, s2  }
0x8d: {  	s2 =	sadd.s32 s2, s16  }
0x8e: {  	[smem:$0x3FC1] =	sst s2  }
0x8f: {  	_ = 	snop  }
0x90: {  	(tm) =	ssettm $0x1  }
0x91: {  	s17 =	sld [smem:$0x3FFB];
	_ =	sdelay $0x3  }
0x92: {  	_ =	strace s17  }
0x93: {  	s2 =	sld [smem:$0x3FFC];
	_ =	sdelay $0x3  }
0x94: {  	_ =	strace s2  }
0x95: {  	s2 =	sld [smem:$0x3FFD];
	_ =	sdelay $0x3  }
0x96: {  	_ =	strace s2  }
0x97: {  	_ =	strace $0x8FFFFFFF  }
0x98: {  	s18 =	sld [smem:$0x3FDB];
	_ =	sdelay $0x1  }
0x99: {  	s19 =	simm.s32 $_scs_section_size  }
0x9a: {  	s4 =	simm.s32 $_size__tile_overlayer_lowered;
	s5 =	simm.s32 $_tile_overlayer_lowered  }
0x9b: {  	s22 =	simm.s32 $0x1BFF;
	s21 =	sshll.u32 s5, $0x1;
	s2 =	sadd.s32 s19, s18  }
0x9c: {  	s6 =	simm.s32 $0x0;
	s20 =	sshll.u32 s4, $0x1;
	s4 =	sadd.s32 s21, s2  }
0x9d: {  	[timem:s6], [sflag:s22] =	dma.local [hbm:s4], s20  }
0x9e: {  	_ =	swait.ge [sflag:s22], s20  }
0x9f: {  	s3 =	ssub.s32 $0x0, s20;
	[sflag:s22] =	ssyncset.done $0x0  }
0xa0: {  	[sflag:s22] =	ssyncadd.s32 s3;
	_ =	sdelay $0x1  }
0xa1: {  	s23 =	simm.s32 $0x1B8B  }
0xa2: {  	_ =	swait.ge [sflag:s23], $0x1  }
0xa3: {  	[sflag:s23] =	ssyncset.done $0x0  }
0xa4: {  	s25 =	simm.s32 $0x1B8E;
	s24 =	sld [smem:$0x3FFE];
	[sflag:s23] =	ssyncadd.s32 $0xFFFFFFFF  }
0xa5: {  	s26 =	simm.s32 $execute0_lowered;
	[smem:$0x3FD2] =	sst s25  }
0xa6: {  	s4 =	sshll.u32 s26, $0x1;
	_ =	strace $0x8000004C;
	[dreg:$0x1] =	wrdreg $0xFFFFFFFF  }
0xa7: {  	s28 =	simm.s32 $_size_execute0_lowered;
	s2 =	sadd.s32 s2, s4;
	[dreg:$0x0] =	wrdreg $0x0  }
0xa8: {  	s4 =	sshll.u32 s28, $0x1;
	[dreg:$0x2] =	wrdreg s2  }
0xa9: {  	[dreg:$0x3] =	wrdreg s4  }
0xaa: {  	[dreg:$0x4] =	wrdreg $0xC0  }
0xab: {  	_ =	task [dreg:s6], $0x5FFFF  }
0xac: {  	[dreg:$0x1] =	wrdreg $0xFFFFFFFF  }
0xad: {  	[dreg:$0x0] =	wrdreg $0x60  }
0xae: {  	[dreg:$0x2] =	wrdreg s24  }
0xaf: {  	[dreg:$0x3] =	wrdreg $0x98000  }
0xb0: {  	[dreg:$0x4] =	wrdreg $0x9  }
0xb1: {  	_ =	task.clear_ibuf [dreg:s6], $0x5FFFF;
	_ =	strace $0x9000004C  }
0xb2: {  	s29 =	simm.s32 $0x9;
	_ =	strace $0x8000004E  }
0xb3: {  	_ =	swait.ge [sflag:s29], $0x1  }
0xb4: {  	[sflag:s29] =	ssyncadd.s32 $0xFFFFFFFF  }
0xb5: {  	_ =	strace $0x9000004E  }
0xb6: {  	_ =	sfence  }
0xb7: {  	s30 =	sld [smem:$0x0];
	_ =	sdelay $0x2  }
0xb8: {  	s31 =	sshll.u32 s1, $0xD;
	s1 =	sshrl.u32 s1, $0x2  }
0xb9: {  	s3 =	sand.u32 $0x4000, s31;
	s1 =	sadd.s32 s1, s30  }
0xba: {  	s0 =	sor.u32 s3, s0;
	s1 =	sshll.u32 s1, $0x11  }
0xbb: {  	s0 =	sor.u32 s1, s0  }
0xbc: {  	s0 =	sadd.s32 $0x8F2B, s0  }
0xbd: {  	[sflag:s0] =	ssyncadd.remote.s32 $0x1  }
0xbe: {  	_ =	sfence.sel $0xFFFF  }
0xbf: {  	[dreg:$0x0] =	wrdreg $0xFFFFFFFF;
	(pc) =	sbr.abs _section_cstart, $3  }
0xc0: {  	[dreg:$0x1] =	wrdreg $0xFFFFFFFF  }
0xc1: {  	_ =	task.clear_ibuf [dreg:s6], $0x2FFFF;
	_ =	strace $0x9FFFFFFF  }
0xc2: {  	(tm) =	ssettm $0x7FFFFFFF  }
0xc3: {  	_ =	shalt  }
tec
execute0_lowered:
.L_overlay_start_1:
0x0: {  	(tag) =	ssettag $0x1  }
0x1: {  	s0 =	rddreg [dreg:$0x0]  }
0x2: {  	s8 =	rddreg [dreg:$0x1];
	s1 =	srdreg.scid;
	s3 =	simm.s32 $0x0  }
0x3: {  	s5 =	stileid.u32;
	s1 =	sand.u32 $0x1, s1;
	[smem:$0x7FF] =	sst s3  }
0x4: {  	s21 =	smul.u32 $0x14000, s5;
	s4 =	sadd.s32 $0x7D400, s0;
	s9 =	sadd.s32 $0x18400, s0  }
0x5: {  	s6 =	sadd.s32 $0x2400, s0;
	s22 =	sadd.s32 $0xA4600, s0;
	s25 =	smul.u32 $0x50000, s5  }
0x6: {  	s29 =	sshll.u32 s5, $0x6;
	_ =	strace $0x8000004D;
	[dreg:$0x3] =	wrdreg s4  }
0x7: {  	s2 =	smul.u32 $0x140000, s1;
	[dreg:$0xd] =	wrdreg s22;
	s23 =	sshll.u32 s1, $0x4  }
0x8: {  	s24 =	ssub.s32 $0x2, s1;
	p0 =	seq.s32 s1, $0x0;
	[dreg:$0x4] =	wrdreg s9  }
0x9: {  	s13 =	sor.u32 $0x1C15, s29;
	[dreg:$0x6] =	wrdreg s6;
	s3 =	sor.u32 s5, s23  }
0xa: {  	s26 =	sshrl.u32 s24, $0x1;
	s1 =	sshrl.u32 s25, $0x2;
	s12 =	smul.u32 $0x5400, s3  }
0xb: {  	[dreg:$0xf] =	wrdreg s13;
	s2 =	sadd.s32 s21, s2;
	s1 =	sadd.s32 s1, s8  }
0xc: {  	s2 =	sshrl.u32 s2, $0x3;
	[dreg:$0xe] =	wrdreg s1;
	s30 =	sshrl.u32 s12, $0x3  }
0xd: {  	s0 =	sadd.s32 s2, s0;
	[dreg:$0x7] =	wrdreg s12;
	s14 =	sadd.s32 s9, s30  }
0xe: {  	s2 =	ssub.s32 s24, s26;
	s0 =	sadd.s32 $0xA6E00, s0;
	[dreg:$0x10] =	wrdreg s14  }
0xf: {  	s23 =	simm.s32 $0xA8;
	s29 =	smax.u32 s2, $0x1;
	[dreg:$0x1d] =	wrdreg s0  }
0x10: {  	s31 =	sor.u32 $0x10, s30;
	s5 =	sadd.s32 s6, s30;
	[dreg:$0x1e] =	wrdreg s29  }
0x11: {  	s17 =	sor.u32 $0x20, s30;
	s15 =	sadd.s32 s9, s31;
	[dreg:$0x15] =	wrdreg s5  }
0x12: {  	s10 =	sor.u32 $0x30, s30;
	s11 =	sadd.s32 s9, s17;
	[dreg:$0x11] =	wrdreg s15  }
0x13: {  	s19 =	sor.u32 $0x40, s30;
	s18 =	sadd.s32 s9, s10;
	[dreg:$0x12] =	wrdreg s11  }
0x14: {  	s23 =	simm.s32 @!p0 $0x2A;
	s14 =	sadd.s32 s9, s19;
	[dreg:$0x13] =	wrdreg s18  }
0x15: {  	s28 =	sadd.s32 $0xFFFFFFFF, s23;
	s1 =	sadd.s32 s6, s31;
	[dreg:$0x14] =	wrdreg s14  }
0x16: {  	s7 =	smul.u32 $0xAB, s28;
	s21 =	sadd.s32 s6, s17;
	[dreg:$0x16] =	wrdreg s1  }
0x17: {  	s20 =	sor.u32 $0x50, s30;
	s22 =	sadd.s32 s6, s10;
	[dreg:$0x17] =	wrdreg s21  }
0x18: {  	s16 =	sshrl.u32 s7, $0x9;
	s24 =	sadd.s32 s6, s19;
	[dreg:$0x18] =	wrdreg s22  }
0x19: {  	s26 =	sadd.s32 s9, s20;
	s4 =	smul.u32 $0x3, s16;
	[dreg:$0x19] =	wrdreg s24  }
0x1a: {  	s30 =	sadd.s32 $0x60, s5;
	[dreg:$0x1a] =	wrdreg s26  }
0x1b: {  	s31 =	sadd.s32 $0x70, s5;
	[dreg:$0x1f] =	wrdreg s30;
	s3 =	ssub.s32 s28, s4  }
0x1c: {  	[smem:$0x7FD] =	sst s31;
	s28 =	sadd.s32 s6, s20;
	s25 =	sor.u32 $0x4, s3  }
0x1d: {  	[dreg:$0x1b] =	wrdreg s28;
	s1 =	sand.u32 $0xFF, s25  }
0x1e: {  	s2 =	simm.s32 $0x0;
	[dreg:$0x1c] =	wrdreg s1;
	s1 =	simm.s32 $0x15  }
.LBB2_1:
0x1f: {  	[smem:$0x7FB] =	sst s2  }
0x20: {  	s0 =	rddreg [dreg:$0xe]  }
0x21: {  	s19 =	rddreg [dreg:$0xd];
	s18 =	sshrl.u32 s0, $0x3  }
0x22: {  	[smem:$0x7FC] =	sst s18  }
0x23: {  	[spmem:s18], [sflag:s13] =	dma.local [hbm:s19], $0x2800  }
0x24: {  	_ =	swait.ge [sflag:s1], $0x2800  }
0x25: {  	s20 =	rddreg [dreg:$0x10]  }
0x26: {  	s21 =	rddreg [dreg:$0x11]  }
0x27: {  	s2 =	simm.s32 $0x0;
	s3 =	simm.s32 $0x80;
	s22 =	rddreg [dreg:$0x12]  }
0x28: {  	s16 =	simm.s32 $0x100;
	[sflag:s1] =	ssyncset.done $0x0;
	s24 =	rddreg [dreg:$0x13]  }
0x29: {  	s25 =	simm.s32 $0x180;
	s26 =	rddreg [dreg:$0x14];
	[sflag:s1] =	ssyncadd.s32 $0xFFFFD800  }
0x2a: {  	[tilespmem:s2], [sflag:$0x7] =	stream.linear.gather [hbm4b:s20+s2], $0x80, $0x38;
	[tilespmem:$0x1D800] =	vst v63  }
0x2b: {  	s29 =	simm.s32 $0x200;
	s4 =	simm.s32 $0x280;
	s5 =	rddreg [dreg:$0x15]  }
0x2c: {  	[tilespmem:s3], [sflag:$0x8] =	stream.linear.gather [hbm4b:s21+s2], $0x80, $0x38;
	[tilespmem:$0x1D800] =	vst v63  }
0x2d: {  	s7 =	simm.s32 $0x400;
	s11 =	simm.s32 $0x480;
	s10 =	rddreg [dreg:$0x16]  }
0x2e: {  	[tilespmem:s16], [sflag:$0x9] =	stream.linear.gather [hbm4b:s22+s2], $0x80, $0x38;
	[tilespmem:$0x1D800] =	vst v63  }
0x2f: {  	s14 =	simm.s32 $0x500;
	s17 =	simm.s32 $0x580;
	s13 =	rddreg [dreg:$0x17]  }
0x30: {  	[tilespmem:s25], [sflag:$0xA] =	stream.linear.gather [hbm4b:s24+s2], $0x80, $0x38;
	[tilespmem:$0x1D800] =	vst v63  }
0x31: {  	p2 =	sne.s32 s23, $0x1;
	p0 =	sle.u32 s23, $0x2;
	s15 =	rddreg [dreg:$0x18]  }
0x32: {  	[tilespmem:s29], [sflag:$0xB] =	stream.linear.gather [hbm4b:s26+s2], $0x80, $0x38;
	[tilespmem:$0x1D800] =	vst v63  }
0x33: {  	s31 =	simm.s32 $0x8;
	p3 =	por $0x1, $0x1;
	s1 =	rddreg [dreg:$0x1a]  }
0x34: {  	[tilespmem:s4], [sflag:$0xC] =	stream.linear.gather [hbm4b:s1+s2], $0x80, $0x38;
	[tilespmem:$0x1D800] =	vst v63  }
0x35: {  	p1 =	sle.u32 s23, $0x6;
	p4 =	sle.u32 @!p3 s23, $0x7;
	s18 =	rddreg [dreg:$0x19]  }
0x36: {  	[tilespmem:s7], [sflag:$0xD] =	stream.linear.gather [hbm4b:s5+s2], $0x80, $0x38;
	[tilespmem:$0x1D800] =	vst v63  }
0x37: {  	s28 =	simm.s32 @!p0 $0x60;
	p4 =	por p4, p3;
	s20 =	rddreg [dreg:$0x1b]  }
0x38: {  	[tilespmem:s11], [sflag:$0xE] =	stream.linear.gather [hbm4b:s10+s2], $0x80, $0x38;
	[tilespmem:$0x1D800] =	vst v63  }
0x39: {  	s19 =	simm.s32 $0x600;
	s21 =	simm.s32 $0x680;
	s22 =	rddreg [dreg:$0x1f]  }
0x3a: {  	[tilespmem:s14], [sflag:$0xF] =	stream.linear.gather [hbm4b:s13+s2], $0x80, $0x38;
	[tilespmem:$0x1D800] =	vst v63  }
0x3b: {  	s24 =	simm.s32 $0x700;
	s25 =	sld [smem:$0x7FD];
	s26 =	simm.s32 $0x780  }
0x3c: {  	[tilespmem:s17], [sflag:$0x10] =	stream.linear.gather [hbm4b:s15+s2], $0x80, $0x38;
	[tilespmem:$0x1D800] =	vst v63  }
0x3d: {  	s29 =	simm.s32 $0x7;
	s1 =	simm.s32 $0x800;
	s4 =	simm.s32 $0x60  }
0x3e: {  	[tilespmem:s19], [sflag:$0x11] =	stream.linear.gather [hbm4b:s18+s2], $0x80, $0x38;
	[tilespmem:$0x1D800] =	vst v63  }
0x3f: {  	s7 =	simm.s32 $0x8;
	s10 =	simm.s32 $0x3800;
	s11 =	simm.s32 $0x2  }
0x40: {  	[tilespmem:s21], [sflag:$0x12] =	stream.linear.gather [hbm4b:s20+s2], $0x80, $0x38;
	[tilespmem:$0x1D800] =	vst v63  }
0x41: {  	s0 =	smulhi.u32 $0xAAAAAAAB, s11;
	s14 =	simm.s32 $0x380;
	s13 =	simm.s32 $0x4  }
0x42: {  	[tilespmem:s24], [sflag:$0x13] =	stream.linear.gather [hbm4b:s22+s2], $0x80, $0x38;
	[tilespmem:$0x1D800] =	vst v63  }
0x43: {  	s11 =	sand.u32 @!p4 $0x7FFFFC00, s14;
	s17 =	simm.s32 $0xFFFFFFFF;
	s15 =	simm.s32 $0x1  }
0x44: {  	[tilespmem:s26], [sflag:$0x14] =	stream.linear.gather [hbm4b:s25+s2], $0x80, $0x38;
	[tilespmem:$0x1D800] =	vst v63  }
0x45: {  	s11 =	sadd.s32 @!p4 s12, s11;
	s18 =	simm.s32 $0x0;
	[bflag:$0x0] =	sbarrier.arrive $0xFFFF  }
0x46: {  	s19 =	simm.s32 $0x3800;
	s20 =	simm.s32 $0x80;
	_ =	swait.ge [sflag:s29], $0x80  }
0x47: {  	s21 =	simm.s32 $0x9800;
	s22 =	simm.s32 $0x180;
	[sflag:s29] =	ssyncset.done $0x0  }
0x48: {  	s26 =	simm.s32 $0x6800;
	s5 =	rddreg [dreg:$0x3];
	[sflag:s29] =	ssyncadd.s32 $0xFFFFFF80  }
0x49: {  	[tilespmem:s1], [sflag:$0x1] =	stream.indirect.gather [hbm4b:s5+s4], $0x80, s2, s4, $0xb8;
	[tilespmem:$0x1D800] =	vst v63  }
0x4a: {  	s25 =	simm.s32 $0x3;
	s2 =	smulhi.u32 $0xAAAAAAAB, s2;
	_ =	swait.ge [sflag:s7], $0x80  }
0x4b: {  	s29 =	simm.s32 $0x0;
	s1 =	smulhi.u32 $0xAAAAAAAB, s17;
	[sflag:s7] =	ssyncset.done $0x0  }
0x4c: {  	s17 =	simm.s32 @!p4 $0x0;
	s24 =	sshrl.u32 s2, $0x1;
	[sflag:s7] =	ssyncadd.s32 $0xFFFFFF80  }
0x4d: {  	[tilespmem:s10], [sflag:$0x2] =	stream.indirect.gather [hbm4b:s5+s4], $0x80, s3, s4, $0xb8;
	[tilespmem:$0x1D800] =	vst v63  }
0x4e: {  	s29 =	sand.u32 $0x7, s29;
	s1 =	sshrl.u32 s1, $0x1;
	s5 =	smul.u32 $0xFFFFFFF4, s24  }
0x4f: {  	s2 =	sshrl.u32 s2, $0x2;
	s7 =	sshrl.u32 s0, $0x1;
	s1 =	smul.u32 $0xFFFFFFF4, s1  }
0x50: {  	s0 =	sshrl.u32 s0, $0x2;
	s3 =	simm.s32 @!p0 $0x0;
	s10 =	sshra.s32 s5, $0x2  }
0x51: {  	s4 =	simm.s32 $0xFFFFFFFF;
	[dreg:$0x5] =	wrdreg s3;
	s5 =	sadd.s32 $0x0, s10  }
0x52: {  	s3 =	smul.u32 $0xFFFDC000, s24;
	s1 =	sshra.s32 s1, $0x2;
	s5 =	sadd.s32 $0x1, s5  }
0x53: {  	s24 =	smul.u32 $0xFFFFFFF4, s7;
	s1 =	sadd.s32 $0x3, s1;
	_ =	swait.ge [sflag:s5], $0x3000  }
0x54: {  	s4 =	sand.u32 @!p4 $0x7, s4;
	s1 =	sadd.s32 @!p3 $0x0, s1;
	[sflag:s5] =	ssyncset.done $0x0  }
0x55: {  	s24 =	sshra.s32 s24, $0x2;
	[sflag:s5] =	ssyncadd.s32 $0xFFFFD000;
	s5 =	sand.u32 @!p4 $0x380, s14  }
0x56: {  	s3 =	sshra.s32 s3, $0x2;
	s5 =	sor.u32 @!p4 s5, s11;
	s11 =	sshll.u32 @!p4 s4, $0x7  }
0x57: {  	_ =	swait.ge @!p3 [sflag:s1], $0x3000;
	s4 =	sadd.s32 @!p4 $0xD, s4;
	s5 =	sshrl.u32 @!p4 s5, $0x3  }
0x58: {  	[sflag:s1] =	ssyncset.done @!p3 $0x0;
	s5 =	sadd.s32 @!p4 s6, s5;
	s6 =	smul.u32 $0xFFFFF400, s2  }
0x59: {  	s11 =	sor.u32 @!p4 $0x400, s11;
	[sflag:s1] =	ssyncadd.s32 @!p3 $0xFFFFD000;
	s2 =	smul.u32 $0xFFFFFFE8, s2  }
0x5a: {  	[tilespmem:s11], [sflag:s4] =	stream.linear.gather @!p4 [hbm4b:s5+s17], $0x80, $0x38;
	[tilespmem:$0x1D800] =	vst v63  }
0x5b: {  	s4 =	simm.s32 @!p1 $0x300;
	s11 =	simm.s32 $0x0;
	s17 =	smul.u32 $0xFFFDC000, s7  }
0x5c: {  	s5 =	sshll.u32 s29, $0x7;
	s7 =	sand.u32 @!p1 $0x380, s4;
	s30 =	sshra.s32 s6, $0x2  }
.Ltmp0:
0x5d: {  	s4 =	sand.u32 @!p1 $0x7FFFFC00, s4;
	s2 =	sshra.s32 s2, $0x2;
	(pc) =	sbr.rel @!p2 .LBB2_3-.Ltmp0, $4  }
0x5e: {  	s5 =	sor.u32 $0x400, s5;
	s1 =	sadd.s32 @!p1 s12, s4;
	s12 =	simm.s32 $0x0  }
0x5f: {  	s4 =	sor.u32 @!p1 s7, s1;
	s1 =	sadd.s32 $0xD, s29;
	s7 =	sadd.s32 $0x7, s2  }
0x60: {  	s2 =	sadd.s32 $0x800, s3;
	s3 =	sadd.s32 @!p1 $0x0, s7;
	s4 =	sshrl.u32 @!p1 s4, $0x3  }
0x61: {  	_ =	swait.ge [sflag:s1], $0x80;
	s7 =	smul.u32 $0xFFFFFFE8, s0;
	s4 =	sadd.s32 @!p1 s9, s4  }
.LBB2_2:
0x62: {  	s10 =	sadd.s32 $0x4, s10  }
0x63: {  	[sflag:s1] =	ssyncset.done $0x0;
	s9 =	smov.u32 s15;
	s29 =	smov.u32 s13  }
0x64: {  	s0 =	smul.u32 $0xFFFFF400, s0;
	s17 =	sshra.s32 s17, $0x2;
	s15 =	sadd.s32 $0x1, s15  }
0x65: {  	s14 =	sadd.s32 $0x80, s14;
	s13 =	sadd.s32 $0x4, s13;
	s6 =	sshra.s32 s7, $0x2  }
0x66: {  	s7 =	smov.u32 s18;
	[sflag:s1] =	ssyncadd.s32 $0xFFFFFF80;
	s1 =	simm.s32 @!p1 $0x0  }
0x67: {  	s10 =	sadd.s32 s11, s10;
	s11 =	simm.s32 $0x60;
	p2 =	sne.s32 s15, s23  }
0x68: {  	s18 =	sadd.s32 $0x1, s18;
	p3 =	seq.s32 s29, $0x0;
	s6 =	sadd.s32 $0x9, s6  }
0x69: {  	[spmem:s8] =	stream.indirect.scatter.add.f32 [tilespmem:s2], [sflag:s10], $0x80, s5, s11, $0xb8;
	[tilespmem:$0x1D800] =	vst v63  }
0x6a: {  	s2 =	sadd.s32 $0x3, s24;
	s5 =	sadd.s32 s30, s12;
	s8 =	rddreg [dreg:$0x5]  }
0x6b: {  	s0 =	sshra.s32 s0, $0x2;
	s11 =	smov.u32 s19;
	s12 =	smov.u32 s20  }
0x6c: {  	s24 =	smov.u32 s25;
	s19 =	sadd.s32 $0x3000, s19;
	s20 =	sadd.s32 $0x80, s20  }
0x6d: {  	s25 =	sadd.s32 $0x1, s25;
	s7 =	smulhi.u32 $0xAAAAAAAB, s7;
	s6 =	sadd.s32 @!p0 s8, s6  }
0x6e: {  	s0 =	sadd.s32 s0, s16;
	s16 =	smov.u32 s21;
	s21 =	sadd.s32 $0x3000, s21  }
0x6f: {  	[tilespmem:s5], [sflag:s3] =	stream.linear.gather @!p1 [hbm4b:s4+s1], $0x80, $0x38;
	[tilespmem:$0x1D800] =	vst v63  }
0x70: {  	s1 =	sadd.s32 @!p0 s8, s2;
	_ =	swait.ge @!p0 [sflag:s6], $0x80;
	[dreg:$0x9] =	wrdreg s11  }
0x71: {  	s2 =	sadd.s32 s17, s26;
	s17 =	smov.u32 s22;
	[dreg:$0x8] =	wrdreg s12  }
0x72: {  	s26 =	sadd.s32 $0x2, s9;
	s22 =	sadd.s32 $0x80, s22;
	[dreg:$0xb] =	wrdreg s16  }
0x73: {  	s4 =	sshrl.u32 s7, $0x1;
	[dreg:$0xa] =	wrdreg s17;
	[sflag:s6] =	ssyncset.done @!p0 $0x0  }
0x74: {  	s11 =	sshra.s32 s29, $0x2;
	s3 =	rddreg [dreg:$0x3];
	[sflag:s6] =	ssyncadd.s32 @!p0 $0xFFFFFF80  }
0x75: {  	[tilespmem:s2], [sflag:s1] =	stream.indirect.gather @!p0 [hbm4b:s3+s28], $0x80, s0, s28, $0xb8;
	[tilespmem:$0x1D800] =	vst v63  }
0x76: {  	s6 =	sadd.s32 $0x6, s9;
	s1 =	smov.u32 s31;
	s3 =	smulhi.u32 $0xAAAAAAAB, s9  }
0x77: {  	p0 =	sge.u32 s26, s23;
	s31 =	sadd.s32 $0x1, s31;
	s0 =	smulhi.u32 $0xAAAAAAAB, s24  }
0x78: {  	p1 =	sge.u32 s6, s23;
	s28 =	smov.u32 s23;
	s5 =	sshra.s32 @!p0 s29, $0x2  }
0x79: {  	s8 =	sadd.s32 $0xFFFFFFF9, s1;
	s12 =	sadd.s32 @!p1 $0xFFFFFF80, s14;
	s6 =	sshrl.u32 s3, $0x1  }
0x7a: {  	p4 =	sge.u32 @!p3 s1, s23;
	s10 =	sshrl.u32 s0, $0x1;
	s9 =	smul.u32 $0xFFFDC000, s6  }
0x7b: {  	s23 =	sshra.s32 @!p3 s29, $0x2;
	s2 =	sshrl.u32 s3, $0x2;
	s16 =	smul.u32 $0xFFFFFFF4, s10  }
0x7c: {  	[dreg:$0x5] =	wrdreg s5;
	s5 =	sadd.s32 $0xFFFFFFF8, s1;
	s26 =	smul.u32 $0xFFFFF400, s2  }
0x7d: {  	s0 =	sshrl.u32 s0, $0x2;
	s3 =	sand.u32 @!p1 $0x380, s12;
	s17 =	smul.u32 $0xFFFDC000, s10  }
0x7e: {  	p4 =	por p4, p3;
	s8 =	sand.u32 $0x7, s8;
	s7 =	smul.u32 $0xFFFFFFE8, s0  }
0x7f: {  	[dreg:$0xc] =	wrdreg s3;
	s24 =	sshra.s32 s16, $0x2;
	s16 =	smul.u32 $0xFFFFFFF4, s4  }
0x80: {  	s5 =	sand.u32 @!p4 $0x7, s5;
	s30 =	sshra.s32 s26, $0x2;
	s26 =	smul.u32 $0xFFFFFFF4, s6  }
0x81: {  	s2 =	smul.u32 $0xFFFFFFE8, s2;
	s6 =	sand.u32 @!p4 $0x7FFFFC00, s14;
	s4 =	sand.u32 @!p4 $0x380, s14  }
0x82: {  	s1 =	sshra.s32 s16, $0x2;
	s16 =	rddreg [dreg:$0x7];
	s10 =	sshra.s32 s26, $0x2  }
0x83: {  	s9 =	sshra.s32 s9, $0x2;
	s6 =	sadd.s32 @!p4 s16, s6;
	s3 =	sadd.s32 s11, s10  }
0x84: {  	s1 =	sadd.s32 $0x3, s1;
	s4 =	sor.u32 @!p4 s4, s6;
	s26 =	sadd.s32 $0x1, s3  }
0x85: {  	s6 =	sshll.u32 @!p4 s5, $0x7;
	s5 =	sadd.s32 @!p4 $0xD, s5;
	_ =	swait.ge [sflag:s26], $0x3000  }
0x86: {  	s4 =	sshrl.u32 @!p4 s4, $0x3;
	s3 =	rddreg [dreg:$0x6];
	[sflag:s26] =	ssyncset.done $0x0  }
0x87: {  	s23 =	sadd.s32 @!p3 s23, s1;
	s4 =	sadd.s32 @!p4 s3, s4;
	[sflag:s26] =	ssyncadd.s32 $0xFFFFD000  }
0x88: {  	s3 =	sshra.s32 s2, $0x2;
	s2 =	sand.u32 @!p1 $0x7FFFFC00, s12;
	_ =	swait.ge @!p3 [sflag:s23], $0x3000  }
0x89: {  	s12 =	sshra.s32 @!p1 s29, $0x2;
	s29 =	sadd.s32 @!p1 s16, s2;
	s16 =	rddreg [dreg:$0x9]  }
0x8a: {  	s1 =	sadd.s32 $0xD, s8;
	s3 =	sadd.s32 $0x7, s3;
	s26 =	rddreg [dreg:$0xb]  }
0x8b: {  	s8 =	sshll.u32 s8, $0x7;
	s3 =	sadd.s32 @!p1 s12, s3;
	s12 =	rddreg [dreg:$0x8]  }
0x8c: {  	[sflag:s23] =	ssyncset.done @!p3 $0x0;
	s2 =	sadd.s32 s9, s16;
	s9 =	rddreg [dreg:$0xc]  }
0x8d: {  	s6 =	sor.u32 @!p4 $0x400, s6;
	s16 =	rddreg [dreg:$0xa];
	[sflag:s23] =	ssyncadd.s32 @!p3 $0xFFFFD000  }
.Ltmp1:
0x8e: {  	s9 =	sor.u32 @!p1 s9, s29;
	s29 =	simm.s32 @!p4 $0x0;
	(pc) =	sbr.rel @p2 .LBB2_2-.Ltmp1, $4  }
0x8f: {  	[tilespmem:s6], [sflag:s5] =	stream.linear.gather @!p4 [hbm4b:s4+s29], $0x80, $0x38;
	[tilespmem:$0x1D800] =	vst v63  }
0x90: {  	s5 =	sor.u32 $0x400, s8;
	s8 =	rddreg [dreg:$0x1];
	_ =	swait.ge [sflag:s1], $0x80  }
0x91: {  	s23 =	smov.u32 s28;
	s9 =	sshrl.u32 @!p1 s9, $0x3;
	s4 =	rddreg [dreg:$0x4]  }
0x92: {  	s28 =	simm.s32 @!p0 $0x60;
	s4 =	sadd.s32 @!p1 s4, s9;
	s9 =	rddreg [dreg:$0x4]  }
.LBB2_3:
0x93: {  	s6 =	sadd.s32 $0x4, s10;
	[sflag:s1] =	ssyncset.done $0x0  }
0x94: {  	s21 =	simm.s32 $0x60;
	[sflag:s1] =	ssyncadd.s32 $0xFFFFFF80;
	s20 =	sadd.s32 s11, s6  }
0x95: {  	[spmem:s8] =	stream.indirect.scatter.add.f32 [tilespmem:s2], [sflag:s20], $0x80, s5, s21, $0xb8;
	[tilespmem:$0x1D800] =	vst v63  }
0x96: {  	s1 =	sadd.s32 s30, s12;
	s22 =	sshra.s32 s7, $0x2;
	s2 =	simm.s32 @!p1 $0x0  }
0x97: {  	[tilespmem:s1], [sflag:s3] =	stream.linear.gather @!p1 [hbm4b:s4+s2], $0x80, $0x38;
	[tilespmem:$0x1D800] =	vst v63  }
0x98: {  	s0 =	smul.u32 $0xFFFFF400, s0;
	s1 =	sadd.s32 $0x9, s22;
	s3 =	rddreg [dreg:$0x5]  }
0x99: {  	s25 =	sshra.s32 s17, $0x2;
	s2 =	sadd.s32 $0x3, s24;
	s1 =	sadd.s32 @!p0 s3, s1  }
0x9a: {  	s0 =	sshra.s32 s0, $0x2;
	s2 =	sadd.s32 @!p0 s3, s2;
	_ =	swait.ge @!p0 [sflag:s1], $0x80  }
0x9b: {  	s3 =	sadd.s32 s25, s26;
	[sflag:s1] =	ssyncset.done @!p0 $0x0;
	s26 =	rddreg [dreg:$0x1c]  }
0x9c: {  	s0 =	sadd.s32 s0, s16;
	[sflag:s1] =	ssyncadd.s32 @!p0 $0xFFFFFF80;
	s1 =	rddreg [dreg:$0x3]  }
0x9d: {  	[tilespmem:s3], [sflag:s2] =	stream.indirect.gather @!p0 [hbm4b:s1+s28], $0x80, s0, s28, $0xb8;
	[tilespmem:$0x1D800] =	vst v63  }
0x9e: {  	_ =	swait.ge [sflag:s26], $0x3000  }
0x9f: {  	[sflag:s26] =	ssyncset.done $0x0  }
0xa0: {  	[sflag:s26] =	ssyncadd.s32 $0xFFFFD000  }
0xa1: {  	[bflag:$0x0] =	sbarrier.arrive $0xFFFF  }
0xa2: {  	s29 =	sld [smem:$0x7FC]  }
0xa3: {  	s13 =	rddreg [dreg:$0xf]  }
0xa4: {  	s1 =	simm.s32 $0x15;
	s28 =	rddreg [dreg:$0x1d]  }
0xa5: {  	[hbm:s28], [sflag:s13] =	dma.local [spmem:s29], $0x2800  }
0xa6: {  	_ =	swait.ge [sflag:s1], $0x2800  }
0xa7: {  	s30 =	sld [smem:$0x7FB];
	_ =	sdelay $0x2  }
0xa8: {  	s31 =	rddreg [dreg:$0x1e];
	s2 =	sadd.s32 $0x1, s30  }
0xa9: {  	p0 =	sne.s32 s2, s31  }
.Ltmp2:
0xaa: {  	_ = 	snop;
	(pc) =	sbr.rel @p0 .LBB2_1-.Ltmp2, $3  }
0xab: {  	_ =	sdelay $0x1  }
0xac: {  	[sflag:s1] =	ssyncset.done $0x0;
	s6 =	rddreg [dreg:$0x6]  }
0xad: {  	s12 =	rddreg [dreg:$0x7];
	[sflag:s1] =	ssyncadd.s32 $0xFFFFD800  }
0xae: {  	_ =	sfence.sel $0x180000  }
0xaf: {  	[bflag:$0x0] =	sbarrier.arrive $0xFFFF  }
0xb0: {  	_ =	strace $0x9000004D  }
0xb1: {  	s0 =	stileid.u32;
	[bflag:$0x2] =	sbarrier.arrive $0xFFFF  }
0xb2: {  	p0 =	sne.s32 s0, $0x0;
	s0 =	rddreg [dreg:$0x2]  }
0xb3: {  	s0 =	sadd.s32 @!p0 $0x100000, s0  }
0xb4: {  	[sflag:s0] =	ssyncadd.tile.s32 @!p0 $0x1;
	_ =	shalt  }
.Lfunc_end2:
_tile_overlayer_lowered:
.L_overlay_start_2:
0xb5: {  	(tag) =	ssettag $0x2  }
0xb6: {  	s0 =	rddreg [dreg:$0x0];
	s2 =	stileid.u32  }
0xb7: {  	s1 =	rddreg [dreg:$0x1];
	p0 =	sne.s32 s2, $0x0  }
0xb8: {  	s3 =	rddreg [dreg:$0x2];
	[bflag:$0x3] =	sbarrier.arrive $0xFFFF;
	s2 =	simm.s32 @!p0 $0x1C15  }
0xb9: {  	[timem:s3], [sflag:s2] =	dma.local @!p0 [hbm:s0], s1  }
0xba: {  	s0 =	simm.s32 @!p0 $0x15  }
0xbb: {  	_ =	swait.ge @!p0 [sflag:s0], s1  }
0xbc: {  	s1 =	ssub.s32 @!p0 $0x0, s1;
	[sflag:s0] =	ssyncset.done @!p0 $0x0  }
0xbd: {  	[sflag:s0] =	ssyncadd.s32 @!p0 s1  }
0xbe: {  	[bflag:$0x3] =	sbarrier.arrive $0xFFFF  }
0xbf: {  	_ =	shalt  }

// kernel: kernel.8.cloned.1.call-start
scs
__scs_entry_jumppad:
0x0: {  	(pc) =	sbr.rel $0x88, $3  }
0x1: {  	(tag) =	ssettag $0x0;
	lr =	simm.s32 $0x1  }
0x2: {  	[smem:$0x3F9A] =	sst lr;
	_ =	strace $0xD0000000  }
0x3: {  	_ = 	snop  }
0x4: {  	_ = 	snop  }
0x5: {  	_ = 	snop  }
0x6: {  	_ = 	snop  }
0x7: {  	_ = 	snop  }
__scs_overlays_trampoline_lowered:
0x8: {  	[smem:$0x3FA9] =	sst s0  }
0x9: {  	[smem:$0x3FAA] =	sst s1  }
0xa: {  	[smem:$0x3FAB] =	sst s2  }
0xb: {  	[smem:$0x3FAC] =	sst s3  }
0xc: {  	[smem:$0x3FAD] =	sst s4  }
0xd: {  	[smem:$0x3FAE] =	sst s5  }
0xe: {  	[smem:$0x3FAF] =	sst s6  }
0xf: {  	[smem:$0x3FB0] =	sst s7  }
0x10: {  	[smem:$0x3FB1] =	sst s8  }
0x11: {  	[smem:$0x3FB2] =	sst s9;
	s0 =	simm.s32 @!p0 $0x0  }
0x12: {  	s1 =	sld [smem:$0x3F98];
	s0 =	simm.s32 @p0 $0x1  }
0x13: {  	[smem:$0x3FB3] =	sst s0;
	s0 =	simm.s32 @!p1 $0x0  }
0x14: {  	s2 =	sld [smem:$0x3F97];
	s0 =	simm.s32 @p1 $0x1  }
0x15: {  	[smem:$0x3FB4] =	sst s0;
	s0 =	simm.s32 @!p2 $0x0  }
0x16: {  	s3 =	sld [smem:$0x3FDB];
	s0 =	simm.s32 @p2 $0x1  }
0x17: {  	s4 =	simm.s32 $0x1BF5;
	[smem:$0x3FB6] =	sst s0  }
0x18: {  	s0 =	sld [smem:$0x3F99];
	_ =	swait.ge [sflag:s4], $0x0  }
0x19: {  	s7 =	sld [smem:$0x3F9A]  }
0x1a: {  	s8 =	sadd.s32 $0xFFFFE003, lr  }
0x1b: {  	s9 =	sadd.s32 $0xFFFFFEF7, lr;
	s5 =	simm.s32 $0xFFFFFFFF;
	p2 =	slt.u32 s8, $0xFFFFF086  }
0x1c: {  	p1 =	slt.u32 s9, $0xF7A;
	s5 =	simm.s32 @!p2 $0x0  }
0x1d: {  	s5 =	simm.s32 @p1 $0x1;
	p0 =	seq.s32 s7, s2  }
0x1e: {  	s7 =	smul.u32 @!p0 $0xF7A, s2;
	p2 =	seq.s32 @!p0 s5, $0x0  }
0x1f: {  	s9 =	smul.u32 $0xF7A, s1;
	s8 =	simm.s32 @!p0 $0x1BF5;
	p2 =	por !p2, p0  }
0x20: {  	[sflag:s8] =	ssyncset.s32 @!p0 $0xFFFFF086;
	s6 =	sadd.s32 @!p0 s3, s7;
	s7 =	simm.s32 @!p0 $0x108  }
0x21: {  	s3 =	sadd.s32 s3, s9;
	s6 =	sadd.s32 @!p0 $0x88, s6;
	s7 =	simm.s32 @p2 $0x1082  }
0x22: {  	[simem:s7], [sflag:s8] =	dma.local @!p0 [hbm:s6], $0xF7A  }
0x23: {  	s9 =	sor.u32 $0xD0000000, s2;
	s6 =	simm.s32 $0x108;
	_ =	swait.ge @!p0 [sflag:s8], $0x0  }
0x24: {  	s3 =	sadd.s32 $0x88, s3;
	s6 =	simm.s32 @!p1 $0x1082;
	[sflag:s4] =	ssyncset.s32 $0xFFFFF086  }
0x25: {  	[simem:s6], [sflag:s4] =	dma.local [hbm:s3], $0xF7A  }
0x26: {  	[smem:$0x3F9A] =	sst s1;
	(tag) =	ssettag s2;
	_ =	strace s9  }
0x27: {  	s1 =	sld [smem:$0x3FAA]  }
0x28: {  	s2 =	sld [smem:$0x3FAB]  }
0x29: {  	s4 =	sld [smem:$0x3FAD]  }
0x2a: {  	p0 =	seq.s32 s5, $0x0;
	s5 =	sld [smem:$0x3FAE]  }
0x2b: {  	s6 =	sld [smem:$0x3FAF]  }
0x2c: {  	s7 =	sld [smem:$0x3FB0]  }
0x2d: {  	s3 =	simm.s32 $0x108;
	s8 =	sld [smem:$0x3FB1]  }
0x2e: {  	s3 =	simm.s32 @!p0 $0x1082;
	s9 =	sld [smem:$0x3FB2]  }
0x2f: {  	lr =	sadd.s32 s0, s3;
	s0 =	sld [smem:$0x3FA9]  }
0x30: {  	s3 =	sld [smem:$0x3FAC]  }
0x31: {  	[smem:$0x3FB5] =	sst s10  }
0x32: {  	s10 =	sld [smem:$0x3FB3];
	_ =	sdelay $0x3  }
0x33: {  	p0 =	seq.s32 s10, $0x1;
	s10 =	sld [smem:$0x3FB5];
	_ =	sdelay $0x3  }
0x34: {  	[smem:$0x3FB5] =	sst s10  }
0x35: {  	s10 =	sld [smem:$0x3FB4];
	_ =	sdelay $0x3  }
0x36: {  	p1 =	seq.s32 s10, $0x1;
	s10 =	sld [smem:$0x3FB5];
	_ =	sdelay $0x3  }
0x37: {  	[smem:$0x3FB5] =	sst s10  }
0x38: {  	s10 =	sld [smem:$0x3FB6]  }
0x39: {  	_ = 	snop;
	(pc) =	sbr.ind lr, $3  }
0x3a: {  	_ = 	snop  }
0x3b: {  	_ = 	snop  }
0x3c: {  	p2 =	seq.s32 s10, $0x1;
	s10 =	sld [smem:$0x3FB5]  }
0x3d: {  	_ =	shalt  }
0x3e: {  	_ =	shalt  }
0x3f: {  	_ =	shalt  }
0x40: {  	_ =	shalt  }
0x41: {  	_ =	shalt  }
0x42: {  	_ =	shalt  }
0x43: {  	_ =	shalt  }
0x44: {  	_ =	shalt  }
0x45: {  	_ =	shalt  }
0x46: {  	_ =	shalt  }
0x47: {  	_ =	shalt  }
0x48: {  	_ =	shalt  }
0x49: {  	_ =	shalt  }
0x4a: {  	_ =	shalt  }
0x4b: {  	_ =	shalt  }
0x4c: {  	_ =	shalt  }
0x4d: {  	_ =	shalt  }
0x4e: {  	_ =	shalt  }
0x4f: {  	_ =	shalt  }
0x50: {  	_ =	shalt  }
0x51: {  	_ =	shalt  }
0x52: {  	_ =	shalt  }
0x53: {  	_ =	shalt  }
0x54: {  	_ =	shalt  }
0x55: {  	_ =	shalt  }
0x56: {  	_ =	shalt  }
0x57: {  	_ =	shalt  }
0x58: {  	_ =	shalt  }
0x59: {  	_ =	shalt  }
0x5a: {  	_ =	shalt  }
0x5b: {  	_ =	shalt  }
0x5c: {  	_ =	shalt  }
0x5d: {  	_ =	shalt  }
0x5e: {  	_ =	shalt  }
0x5f: {  	_ =	shalt  }
0x60: {  	_ =	shalt  }
0x61: {  	_ =	shalt  }
0x62: {  	_ =	shalt  }
0x63: {  	_ =	shalt  }
0x64: {  	_ =	shalt  }
0x65: {  	_ =	shalt  }
0x66: {  	_ =	shalt  }
0x67: {  	_ =	shalt  }
0x68: {  	_ =	shalt  }
0x69: {  	_ =	shalt  }
0x6a: {  	_ =	shalt  }
0x6b: {  	_ =	shalt  }
0x6c: {  	_ =	shalt  }
0x6d: {  	_ =	shalt  }
0x6e: {  	_ =	shalt  }
0x6f: {  	_ =	shalt  }
0x70: {  	_ =	shalt  }
0x71: {  	_ =	shalt  }
0x72: {  	_ =	shalt  }
0x73: {  	_ =	shalt  }
0x74: {  	_ =	shalt  }
0x75: {  	_ =	shalt  }
0x76: {  	_ =	shalt  }
0x77: {  	_ =	shalt  }
0x78: {  	_ =	shalt  }
0x79: {  	_ =	shalt  }
0x7a: {  	_ =	shalt  }
0x7b: {  	_ =	shalt  }
0x7c: {  	_ =	shalt  }
0x7d: {  	_ =	shalt  }
0x7e: {  	_ =	shalt  }
0x7f: {  	_ =	shalt  }
0x80: {  	_ =	shalt  }
0x81: {  	_ =	shalt  }
0x82: {  	_ =	shalt  }
0x83: {  	_ =	shalt  }
0x84: {  	_ =	shalt  }
0x85: {  	_ =	shalt  }
0x86: {  	_ =	shalt  }
0x87: {  	_ =	shalt  }
.Lfunc_end0:
.L_simem_size_0:
called_computation_lowered:
.L_overlay_start_0:
0x88: {  	s2 =	sld [smem:$0x3FD9]  }
0x89: {  	s3 =	sld [smem:$0x3FFE];
	_ =	sdelay $0x1  }
0x8a: {  	s1 =	srdreg.scid  }
0x8b: {  	s0 =	sand.u32 $0x1, s1  }
0x8c: {  	s17 =	sshll.u32 s0, $0xA;
	s2 =	sadd.s32 s3, s2  }
0x8d: {  	s2 =	sadd.s32 s2, s17  }
0x8e: {  	[smem:$0x3FC1] =	sst s2  }
0x8f: {  	_ = 	snop  }
0x90: {  	s2 =	sld [smem:$0x3FD0];
	(tm) =	ssettm $0x1  }
0x91: {  	s18 =	sld [smem:$0x3FFB];
	_ =	sdelay $0x3  }
0x92: {  	_ =	strace s18  }
0x93: {  	s3 =	sld [smem:$0x3FFC];
	_ =	sdelay $0x3  }
0x94: {  	_ =	strace s3  }
0x95: {  	s3 =	sld [smem:$0x3FFD];
	_ =	sdelay $0x3  }
0x96: {  	_ =	strace s3  }
0x97: {  	_ =	strace $0x8FFFFFFF  }
0x98: {  	s19 =	sld [smem:$0x3FDB];
	_ =	sdelay $0x1  }
0x99: {  	s4 =	simm.s32 $_scs_section_size  }
0x9a: {  	s5 =	simm.s32 $_size__tile_overlayer_lowered;
	s6 =	simm.s32 $_tile_overlayer_lowered  }
0x9b: {  	s22 =	simm.s32 $0x1BFF;
	s21 =	sshll.u32 s6, $0x1;
	s3 =	sadd.s32 s4, s19  }
0x9c: {  	s7 =	simm.s32 $0x0;
	s20 =	sshll.u32 s5, $0x1;
	s5 =	sadd.s32 s21, s3  }
0x9d: {  	[timem:s7], [sflag:s22] =	dma.local [hbm:s5], s20  }
0x9e: {  	_ =	swait.ge [sflag:s22], s20  }
0x9f: {  	s4 =	ssub.s32 $0x0, s20;
	[sflag:s22] =	ssyncset.done $0x0  }
0xa0: {  	[sflag:s22] =	ssyncadd.s32 s4;
	_ =	sdelay $0x1  }
0xa1: {  	s23 =	simm.s32 $0x1B8B  }
0xa2: {  	_ =	swait.ge [sflag:s23], $0x1  }
0xa3: {  	[sflag:s23] =	ssyncset.done $0x0  }
0xa4: {  	s25 =	simm.s32 $0x1B8E;
	s24 =	sld [smem:$0x3FFE];
	[sflag:s23] =	ssyncadd.s32 $0xFFFFFFFF  }
0xa5: {  	s26 =	simm.s32 $execute0_lowered;
	[smem:$0x3FD2] =	sst s25  }
0xa6: {  	s5 =	sshll.u32 s26, $0x1;
	_ =	strace $0x80000046;
	[dreg:$0x1] =	wrdreg $0xFFFFFFFF  }
0xa7: {  	s28 =	simm.s32 $_size_execute0_lowered;
	s3 =	sadd.s32 s3, s5;
	[dreg:$0x0] =	wrdreg $0x0  }
0xa8: {  	s5 =	sshll.u32 s28, $0x1;
	[dreg:$0x2] =	wrdreg s3  }
0xa9: {  	[dreg:$0x3] =	wrdreg s5  }
0xaa: {  	[dreg:$0x4] =	wrdreg $0xC0  }
0xab: {  	_ =	task [dreg:s7], $0x5FFFF  }
0xac: {  	[dreg:$0x1] =	wrdreg $0xFFFFFFFF  }
0xad: {  	[dreg:$0x0] =	wrdreg $0x60  }
0xae: {  	[dreg:$0x2] =	wrdreg s24  }
0xaf: {  	[dreg:$0x3] =	wrdreg s2  }
0xb0: {  	[dreg:$0x4] =	wrdreg $0x54800  }
0xb1: {  	[dreg:$0x5] =	wrdreg $0x9  }
0xb2: {  	_ =	task.clear_ibuf [dreg:s7], $0x6FFFF;
	_ =	strace $0x90000046  }
0xb3: {  	s29 =	simm.s32 $0x9;
	_ =	strace $0x80000048  }
0xb4: {  	_ =	swait.ge [sflag:s29], $0x1  }
0xb5: {  	[sflag:s29] =	ssyncadd.s32 $0xFFFFFFFF  }
0xb6: {  	_ =	strace $0x90000048  }
0xb7: {  	_ =	sfence  }
0xb8: {  	s30 =	sld [smem:$0x0];
	_ =	sdelay $0x2  }
0xb9: {  	s31 =	sshll.u32 s1, $0xD;
	s1 =	sshrl.u32 s1, $0x2  }
0xba: {  	s3 =	sand.u32 $0x4000, s31;
	s1 =	sadd.s32 s1, s30  }
0xbb: {  	s0 =	sor.u32 s3, s0;
	s1 =	sshll.u32 s1, $0x11  }
0xbc: {  	s0 =	sor.u32 s1, s0  }
0xbd: {  	s0 =	sadd.s32 $0x8F2B, s0  }
0xbe: {  	[sflag:s0] =	ssyncadd.remote.s32 $0x1  }
0xbf: {  	_ =	sfence.sel $0xFFFF  }
0xc0: {  	[dreg:$0x0] =	wrdreg $0xFFFFFFFF;
	(pc) =	sbr.abs _section_cstart, $3  }
0xc1: {  	[dreg:$0x1] =	wrdreg $0xFFFFFFFF  }
0xc2: {  	_ =	task.clear_ibuf [dreg:s7], $0x2FFFF;
	_ =	strace $0x9FFFFFFF  }
0xc3: {  	(tm) =	ssettm $0x7FFFFFFF  }
tec
execute0_lowered:
.L_overlay_start_1:
0x0: {  	(tag) =	ssettag $0x1  }
0x1: {  	s0 =	rddreg [dreg:$0x0]  }
0x2: {  	s1 =	rddreg [dreg:$0x1];
	s2 =	srdreg.scid  }
0x3: {  	s3 =	rddreg [dreg:$0x2];
	s4 =	simm.s32 $0x0;
	s11 =	simm.s32 $0x5400  }
0x4: {  	s14 =	simm.s32 $0x60;
	s15 =	simm.s32 $0x80;
	s16 =	simm.s32 $0x100  }
0x5: {  	s17 =	simm.s32 $0x180;
	s18 =	simm.s32 $0x200;
	s19 =	simm.s32 $0x280  }
0x6: {  	s20 =	simm.s32 $0x300;
	s21 =	simm.s32 $0x380;
	s22 =	simm.s32 $0x1  }
0x7: {  	s23 =	simm.s32 $0x20;
	s24 =	simm.s32 $0x10;
	s25 =	simm.s32 $0x0  }
0x8: {  	s6 =	sand.u32 $0x1, s2;
	s2 =	stileid.u32;
	[smem:$0x7FF] =	sst s4  }
0x9: {  	s5 =	sshll.u32 s6, $0x4;
	s7 =	smul.u32 $0x500, s2;
	s8 =	sshll.u32 s6, $0x7  }
0xa: {  	_ =	strace $0x80000047;
	s30 =	ssub.s32 $0x2, s6;
	s9 =	smul.u32 $0xA00, s2  }
0xb: {  	p0 =	seq.s32 s6, $0x0;
	s6 =	simm.s32 $0xA8;
	s31 =	sshll.u32 s2, $0x6  }
0xc: {  	s5 =	sor.u32 s2, s5;
	s10 =	sshrl.u32 s30, $0x1;
	s6 =	simm.s32 @!p0 $0x2A  }
0xd: {  	s12 =	sor.u32 $0x1C09, s31;
	s5 =	smul.u32 $0xA80, s5;
	s7 =	sor.u32 s8, s7  }
0xe: {  	s10 =	ssub.s32 s30, s10;
	s9 =	sshrl.u32 s9, $0x2;
	s7 =	sshrl.u32 s7, $0x3  }
0xf: {  	s13 =	sadd.s32 s9, s3;
	s9 =	smax.u32 s10, $0x1;
	s10 =	simm.s32 $0x9  }
0x10: {  	s29 =	sadd.s32 s5, s0;
	s5 =	sadd.s32 $0x17400, s0;
	s0 =	sadd.s32 s7, s0  }
0x11: {  	s13 =	sshrl.u32 s13, $0x3;
	s7 =	sadd.s32 $0x2400, s29;
	s8 =	sadd.s32 $0x17A00, s0  }
.LBB2_1:
0x12: {  	[tilespmem:s4], [sflag:$0x9] =	stream.linear.gather [hbm4b:s7+s4], $0x5400, $0x38;
	[tilespmem:$0x5700] =	vst v63  }
0x13: {  	_ =	swait.ge [sflag:s10], $0x5400  }
0x14: {  	[sflag:s10] =	ssyncset.done $0x0  }
0x15: {  	[sflag:s10] =	ssyncadd.s32 $0xFFFFAC00  }
0x16: {  	[tilespmem:s11], [sflag:$0x9] =	stream.linear.gather [hbm4b:s1+s4], $0x80, $0x38;
	[tilespmem:$0x5700] =	vst v63  }
0x17: {  	_ =	swait.ge [sflag:s10], $0x80  }
0x18: {  	[sflag:s10] =	ssyncset.done $0x0  }
0x19: {  	[sflag:s10] =	ssyncadd.s32 $0xFFFFFF80  }
0x1a: {  	[spmem:s13], [sflag:s12] =	dma.local [hbm:s5], $0x50  }
0x1b: {  	_ =	swait.ge [sflag:s10], $0x50  }
0x1c: {  	[sflag:s10] =	ssyncset.done $0x0  }
0x1d: {  	[sflag:s10] =	ssyncadd.s32 $0xFFFFFFB0  }
0x1e: {  	[bflag:$0x0] =	sbarrier.arrive $0xFFFF  }
0x1f: {  	[spmem:s3] =	stream.indirect.scatter.add.f32 [tilespmem:s11], [sflag:$0x1], $0x1, s4, s14, $0xb8;
	[tilespmem:$0x5700] =	vst v63  }
0x20: {  	_ = 	snop  }
0x21: {  	[spmem:s3] =	stream.indirect.scatter.add.f32 [tilespmem:s11], [sflag:$0x2], $0x1, s15, s14, $0xb8;
	[tilespmem:$0x5700] =	vst v63  }
0x22: {  	_ = 	snop  }
0x23: {  	[spmem:s3] =	stream.indirect.scatter.add.f32 [tilespmem:s11], [sflag:$0x3], $0x1, s16, s14, $0xb8;
	[tilespmem:$0x5700] =	vst v63  }
0x24: {  	_ = 	snop  }
0x25: {  	[spmem:s3] =	stream.indirect.scatter.add.f32 [tilespmem:s11], [sflag:$0x4], $0x1, s17, s14, $0xb8;
	[tilespmem:$0x5700] =	vst v63  }
0x26: {  	_ = 	snop  }
0x27: {  	[spmem:s3] =	stream.indirect.scatter.add.f32 [tilespmem:s11], [sflag:$0x5], $0x1, s18, s14, $0xb8;
	[tilespmem:$0x5700] =	vst v63  }
0x28: {  	_ = 	snop  }
0x29: {  	[spmem:s3] =	stream.indirect.scatter.add.f32 [tilespmem:s11], [sflag:$0x6], $0x1, s19, s14, $0xb8;
	[tilespmem:$0x5700] =	vst v63  }
0x2a: {  	s0 =	sand.u32 $0x7, s4;
	p1 =	sne.s32 s6, $0x1  }
0x2b: {  	[spmem:s3] =	stream.indirect.scatter.add.f32 [tilespmem:s11], [sflag:$0x7], $0x1, s20, s14, $0xb8;
	[tilespmem:$0x5700] =	vst v63  }
.Ltmp0:
0x2c: {  	s29 =	sadd.s32 $0x1, s0;
	(pc) =	sbr.rel @!p1 .LBB2_3-.Ltmp0, $4  }
0x2d: {  	[spmem:s3] =	stream.indirect.scatter.add.f32 [tilespmem:s11], [sflag:$0x8], $0x1, s21, s14, $0xb8;
	[tilespmem:$0x5700] =	vst v63  }
0x2e: {  	s26 =	simm.s32 $0x400;
	s28 =	simm.s32 $0x1;
	_ =	swait.ge [sflag:s29], $0x60  }
0x2f: {  	p0 =	sle.u32 s6, $0x8;
	s30 =	simm.s32 $0x480;
	[sflag:s29] =	ssyncset.done $0x0  }
0x30: {  	s31 =	simm.s32 @!p0 $0x60;
	s0 =	simm.s32 @!p0 $0x5400;
	[sflag:s29] =	ssyncadd.s32 $0xFFFFFFA0  }
.LBB2_2:
0x31: {  	[spmem:s3] =	stream.indirect.scatter.add.f32 @!p0 [tilespmem:s0], [sflag:s29], $0x1, s26, s31, $0xb8;
	[tilespmem:$0x5700] =	vst v63  }
0x32: {  	s0 =	smov.u32 s28;
	s28 =	sadd.s32 $0x1, s28  }
0x33: {  	s26 =	smov.u32 s30;
	p1 =	sne.s32 s6, s28  }
.Ltmp1:
0x34: {  	s29 =	sand.u32 $0x7, s0;
	(pc) =	sbr.rel @p1 .LBB2_2-.Ltmp1, $4  }
0x35: {  	s29 =	sadd.s32 $0x1, s29  }
0x36: {  	s0 =	sadd.s32 $0x8, s0;
	_ =	swait.ge [sflag:s29], $0x60  }
0x37: {  	s30 =	sadd.s32 $0x80, s30;
	p0 =	sge.u32 s0, s6;
	[sflag:s29] =	ssyncset.done $0x0  }
0x38: {  	s31 =	simm.s32 @!p0 $0x60;
	s0 =	simm.s32 @!p0 $0x5400;
	[sflag:s29] =	ssyncadd.s32 $0xFFFFFFA0  }
.LBB2_3:
0x39: {  	[spmem:s3] =	stream.indirect.scatter.add.f32 @!p0 [tilespmem:s0], [sflag:s29], $0x1, s26, s31, $0xb8;
	[tilespmem:$0x5700] =	vst v63  }
0x3a: {  	s25 =	sadd.s32 $0x1, s25  }
0x3b: {  	p0 =	sne.s32 s25, s9  }
.Ltmp2:
0x3c: {  	[bflag:$0x0] =	sbarrier.arrive $0xFFFF;
	(pc) =	sbr.rel @p0 .LBB2_1-.Ltmp2, $4  }
0x3d: {  	[hbm:s8@s23], [sflag:s12] =	dma.strided [spmem:s13@s24], $0x50, s22, $0x10   }
0x3e: {  	_ =	swait.ge [sflag:s10], $0x50  }
0x3f: {  	[sflag:s10] =	ssyncset.done $0x0  }
0x40: {  	[sflag:s10] =	ssyncadd.s32 $0xFFFFFFB0  }
0x41: {  	_ =	sfence.sel $0x180000  }
0x42: {  	[bflag:$0x0] =	sbarrier.arrive $0xFFFF  }
0x43: {  	_ =	strace $0x90000047  }
0x44: {  	[bflag:$0x2] =	sbarrier.arrive $0xFFFF  }
0x45: {  	p0 =	sne.s32 s2, $0x0;
	s0 =	rddreg [dreg:$0x3]  }
0x46: {  	s0 =	sadd.s32 @!p0 $0x100000, s0  }
0x47: {  	[sflag:s0] =	ssyncadd.tile.s32 @!p0 $0x1;
	_ =	shalt  }
.Lfunc_end2:
_tile_overlayer_lowered:
.L_overlay_start_2:
0x48: {  	(tag) =	ssettag $0x2  }
0x49: {  	s0 =	rddreg [dreg:$0x0];
	s2 =	stileid.u32  }
0x4a: {  	s1 =	rddreg [dreg:$0x1];
	p0 =	sne.s32 s2, $0x0  }
0x4b: {  	s3 =	rddreg [dreg:$0x2];
	[bflag:$0x3] =	sbarrier.arrive $0xFFFF;
	s2 =	simm.s32 @!p0 $0x1C09  }
0x4c: {  	[timem:s3], [sflag:s2] =	dma.local @!p0 [hbm:s0], s1  }
0x4d: {  	s0 =	simm.s32 @!p0 $0x9  }
0x4e: {  	_ =	swait.ge @!p0 [sflag:s0], s1  }
0x4f: {  	s1 =	ssub.s32 @!p0 $0x0, s1;
	[sflag:s0] =	ssyncset.done @!p0 $0x0  }
0x50: {  	[sflag:s0] =	ssyncadd.s32 @!p0 s1  }
0x51: {  	[bflag:$0x3] =	sbarrier.arrive $0xFFFF  }
0x52: {  	_ =	shalt  }

</sc_bundles>
